<compile_context>
chip_gen: v7x
topology: tpu7x:2x2x1
jax: 0.10.2.dev20260603
libtpu: 0.0.44.dev20260713+nightly
codegen_flags: <defaults>
</compile_context>

<pallas_src>
import functools

import jax
import jax.numpy as jnp
from jax import lax
from jax.experimental import pallas as pl
from jax.experimental.pallas import tpu as pltpu
from jax.experimental.pallas import tpu_sc as plsc

N_FIELDS = 60082
NPAD = 61440
CBLK = 4096
B_SZ = 16
CCHUNK = 3840
NSLOT = 1024


def _dense_body(ste_ref, pw_ref, uo_ref, out_ref, s_ref):
    s = jnp.dot(ste_ref[...], pw_ref[...], preferred_element_type=jnp.float32)
    s_ref[...] = s
    out_ref[...] = uo_ref[...] + s[:, 0][None, :]


_sc_mesh = plsc.VectorSubcoreMesh(core_axis_name="c", subcore_axis_name="s")


@functools.partial(
    pl.kernel,
    out_type=jax.ShapeDtypeStruct((B_SZ, NPAD), jnp.float32),
    mesh=_sc_mesh,
    compiler_params=pltpu.CompilerParams(needs_layout_passes=False),
    scratch_types=[
        pltpu.VMEM((8, CCHUNK), jnp.float32),
        pltpu.VMEM((NSLOT,), jnp.int32),
        pltpu.VMEM((NSLOT,), jnp.int32),
        pltpu.VMEM((NSLOT,), jnp.float32),
    ],
)
def _sc_scatter(dense_hbm, rows_hbm, cols_hbm, val_hbm, out_hbm,
                buf, rows_v, cols_v, val_v):
    wid = lax.axis_index("s") * 2 + lax.axis_index("c")
    c = wid % 16
    r0 = (wid // 16) * 8
    clo = c * CCHUNK
    pltpu.sync_copy(dense_hbm.at[pl.ds(r0, 8), pl.ds(clo, CCHUNK)], buf)
    pltpu.sync_copy(rows_hbm, rows_v)
    pltpu.sync_copy(cols_hbm, cols_v)
    pltpu.sync_copy(val_hbm, val_v)
    for g in range(NSLOT // 16):
        ro = rows_v[pl.ds(g * 16, 16)]
        co = cols_v[pl.ds(g * 16, 16)]
        va = val_v[pl.ds(g * 16, 16)]
        m = (ro >= r0) & (ro < r0 + 8) & (co >= clo) & (co < clo + CCHUNK)
        plsc.store_scatter(buf, [ro - r0, co - clo], va, mask=m)
    pltpu.sync_copy(buf, out_hbm.at[pl.ds(r0, 8), pl.ds(clo, CCHUNK)])


def kernel(user_embedding, station_embedding, nodes, user_id, raw_field_embed,
           user_emb_table, station_emb_table, proj_W, proj_b, theta, alpha_fields,
           fcs_W, fcs_b, fcu_W, fcu_b, mh_W1, mh_b1, mh_W2, mh_b2):
    N, D = station_emb_table.shape
    B, _, K = nodes.shape

    w = fcs_W[:, 0]
    pw = proj_W @ w
    pbw = proj_b @ w
    c0 = pbw + fcs_b[0]

    th = theta[user_id, 0]
    user_mem = (1.0 - th)[:, None] * user_embedding + th[:, None] * user_emb_table[user_id]
    u = user_mem @ fcu_W[:, 0] + fcu_b[0]
    uo = u + c0

    his = nodes[:, 0, :]
    now = nodes[:, 1, :]
    t_idx = jnp.concatenate([now, his], axis=1)
    a_t = alpha_fields[t_idx, 0]
    a_now = a_t[:, :K]
    a_his = a_t[:, K:]

    in_now = (his[:, :, None] == now[:, None, :]).any(-1)
    coef_now = 1.0 - a_now * a_now
    coef_his = jnp.where(in_now, 1.0 - a_his * a_his, 1.0 - a_his)

    w2 = mh_W2 @ w
    h = jnp.einsum("bkd,dh->bkh", raw_field_embed[his], mh_W1) + mh_b1
    h = jax.nn.leaky_relu(h, negative_slope=0.01)
    mlp_d = h @ w2 + mh_b2 @ w

    coef = jnp.concatenate([coef_now, coef_his], axis=1)
    add = jnp.concatenate([jnp.zeros_like(coef_now), a_his * mlp_d], axis=1)
    addc = coef * pbw + add + fcs_b[0] + u[:, None]

    dense, s2d = pl.pallas_call(
        _dense_body,
        grid=(NPAD // CBLK,),
        in_specs=[
            pl.BlockSpec((CBLK, D), lambda i: (i, 0)),
            pl.BlockSpec((D, 1), lambda i: (0, 0)),
            pl.BlockSpec((B, 1), lambda i: (0, 0)),
        ],
        out_specs=[
            pl.BlockSpec((B, CBLK), lambda i: (0, i)),
            pl.BlockSpec((CBLK, 1), lambda i: (i, 0)),
        ],
        out_shape=[
            jax.ShapeDtypeStruct((B, NPAD), jnp.float32),
            jax.ShapeDtypeStruct((NPAD, 1), jnp.float32),
        ],
    )(station_emb_table, pw[:, None], uo[:, None])

    s_at = s2d[t_idx, 0]
    val = (coef * s_at + addc).reshape(-1)
    rows = jnp.broadcast_to(jnp.arange(B, dtype=jnp.int32)[:, None], (B, 2 * K)).reshape(-1)
    cols = t_idx.reshape(-1)

    out_pad = _sc_scatter(dense, rows, cols, val)
    return out_pad[:, :N]

# --- scband reference (transcript-rebuilt; emitter-appended) ---
"""Pipeline reference for scband-prediction-decoder-64381559767225 (READ-ONLY COPY).

The authoritative reference and input builder live on the scoring server;
editing this copy changes nothing except your own understanding.
"""

import jax, jax.numpy as jnp
import numpy as np

DIM = 64
N_USER = 60082
N_STATION = 14695
B = 16
K = 32


def setup_inputs(seed: int = 0) -> dict:
    key = jax.random.key(seed)
    ks = jax.random.split(key, 16)
    inp = {}
    inp["user_embedding"] = jax.random.normal(ks[0], (B, DIM), dtype=jnp.float32)
    inp["station_embedding"] = jax.random.normal(ks[1], (N_USER, DIM), dtype=jnp.float32)
    inp["nodes"] = jax.random.randint(ks[2], (B, 2, K), 0, N_USER)
    inp["user_id"] = jax.random.randint(ks[3], (B,), 0, N_STATION)
    inp["raw_field_embed"] = jax.random.normal(ks[4], (N_USER, DIM), dtype=jnp.float32)
    # learned parameters
    inp["user_emb_table"] = jax.random.normal(ks[5], (N_STATION, DIM), dtype=jnp.float32)
    inp["station_emb_table"] = jax.random.normal(ks[6], (N_USER, DIM), dtype=jnp.float32)
    inp["proj_W"] = jax.random.normal(ks[7], (DIM, DIM), dtype=jnp.float32) * 0.05
    inp["proj_b"] = jnp.zeros((DIM,), dtype=jnp.float32)
    inp["theta"] = jax.random.uniform(ks[8], (N_STATION, 1), dtype=jnp.float32)
    inp["alpha_fields"] = jax.random.uniform(ks[9], (N_USER, 1), dtype=jnp.float32)
    inp["fcs_W"] = jax.random.normal(ks[10], (DIM, 1), dtype=jnp.float32) * 0.05
    inp["fcs_b"] = jnp.zeros((1,), dtype=jnp.float32)
    inp["fcu_W"] = jax.random.normal(ks[11], (DIM, 1), dtype=jnp.float32) * 0.05
    inp["fcu_b"] = jnp.zeros((1,), dtype=jnp.float32)
    inp["mh_W1"] = jax.random.normal(ks[12], (DIM, DIM // 2), dtype=jnp.float32) * 0.05
    inp["mh_b1"] = jnp.zeros((DIM // 2,), dtype=jnp.float32)
    inp["mh_W2"] = jax.random.normal(ks[13], (DIM // 2, DIM), dtype=jnp.float32) * 0.05
    inp["mh_b2"] = jnp.zeros((DIM,), dtype=jnp.float32)
    return inp


def reference(user_embedding, station_embedding, nodes, user_id, raw_field_embed,
              user_emb_table, station_emb_table, proj_W, proj_b, theta, alpha_fields,
              fcs_W, fcs_b, fcu_W, fcu_b, mh_W1, mh_b1, mh_W2, mh_b2):
    n_fields = station_emb_table.shape[0]
    # user memory/static mixture (dropout is identity in eval mode)
    th = theta[user_id]  # (B, 1)
    user_mem_stat = (1.0 - th) * user_embedding + th * user_emb_table[user_id]  # (B, DIM)
    # projection of the full station/field table (loop-invariant, same math)
    base = station_emb_table @ proj_W + proj_b  # (n_fields, DIM)
    outs = []
    for i in range(nodes.shape[0]):
        his = nodes[i, 0]
        now = nodes[i, 1]
        beta = jnp.zeros((n_fields, 1), dtype=jnp.float32)
        beta = beta.at[now].set(1.0)
        beta = beta.at[his].set(1.0)
        embed = (1.0 - beta * alpha_fields) * base
        now_projected_fields = station_embedding[now]
        # gather + overwrite (matches torch index assignment semantics)
        embed = embed.at[now].set(embed[now] + alpha_fields[now] * now_projected_fields)
        h = raw_field_embed[his] @ mh_W1 + mh_b1
        h = jax.nn.leaky_relu(h, negative_slope=0.01)
        his_mlp_fields = h @ mh_W2 + mh_b2
        embed = embed.at[his].set(embed[his] + alpha_fields[his] * his_mlp_fields)
        station_output = (embed @ fcs_W + fcs_b)[:, 0]  # (n_fields,)
        user_output = user_mem_stat[i] @ fcu_W + fcu_b  # (1,)
        outs.append(station_output + user_output)
    return jnp.stack(outs)  # (B, n_fields)

if __name__ == "__main__":
    import jax
    _d = setup_inputs()
    print(jax.jit(kernel)(*tuple(_d.values())))

</pallas_src>

<mosaic_0001>
#map = affine_map<(d0, d1) -> (0, 0)>
#map1 = affine_map<(d0, d1) -> (0)>
module attributes {stable_mosaic.version = 14 : i64} {
  func.func @_sc_scatter(%arg0: i32, %arg1: i32, %arg2: memref<16x61440xf32, #tpu.memory_space<hbm>>, %arg3: memref<1024xi32, #tpu.memory_space<hbm>>, %arg4: memref<1024xi32, #tpu.memory_space<hbm>>, %arg5: memref<1024xf32, #tpu.memory_space<hbm>>, %arg6: memref<16x61440xf32, #tpu.memory_space<hbm>>, %arg7: memref<8x3840xf32, #tpu.memory_space<vmem>>, %arg8: memref<1024xi32, #tpu.memory_space<vmem>>, %arg9: memref<1024xi32, #tpu.memory_space<vmem>>, %arg10: memref<1024xf32, #tpu.memory_space<vmem>>) attributes {dimension_semantics = [#tpu.dimension_semantics<core_parallel>, #tpu.dimension_semantics<subcore_parallel>], iteration_bounds = array<i64: 2, 16>, scalar_prefetch = 0 : i64, scratch_operands = 4 : i64, tpu.core_type = #tpu.core_type<sc_vector_subcore>, window_params = [{transform_indices = #map}, {transform_indices = #map1}, {transform_indices = #map1}, {transform_indices = #map1}, {transform_indices = #map}]} {
    %mul3A = arith.constant 2 : i32
    %mul3A_0 = arith.muli %arg1, %mul3A : i32
    %add3A = arith.addi %mul3A_0, %arg0 : i32
    %jit3A = arith.constant 16 : i32
    %eq3A = arith.constant 0 : i32
    %eq3A_1 = arith.cmpi eq, %jit3A, %eq3A : i32
    %jit3A_2 = arith.constant 1 : i32
    %select_n3A = arith.select %eq3A_1, %jit3A_2, %jit3A : i32
    %rem3A = arith.remsi %add3A, %select_n3A : i32
    %ne3A = arith.constant 0 : i32
    %ne3A_3 = arith.cmpi ne, %rem3A, %ne3A : i32
    %lt3A = arith.constant 0 : i32
    %lt3A_4 = arith.cmpi slt, %rem3A, %lt3A : i32
    %lt3A_5 = arith.constant 0 : i32
    %lt3A_6 = arith.cmpi slt, %select_n3A, %lt3A_5 : i32
    %ne3A_7 = arith.xori %lt3A_4, %lt3A_6 : i1
    %and3A = arith.andi %ne3A_7, %ne3A_3 : i1
    %add3A_8 = arith.addi %rem3A, %select_n3A : i32
    %select_n3A_9 = arith.select %and3A, %add3A_8, %rem3A : i32
    %jit3A_10 = arith.constant 16 : i32
    %div3A = arith.divsi %add3A, %jit3A_10 : i32
    %sign3A = arith.constant 0 : i32
    %sign3A_11 = arith.cmpi sgt, %add3A, %sign3A : i32
    %sign3A_12 = arith.extui %sign3A_11 : i1 to i32
    %sign3A_13 = arith.constant 0 : i32
    %sign3A_14 = arith.cmpi slt, %add3A, %sign3A_13 : i32
    %sign3A_15 = arith.extui %sign3A_14 : i1 to i32
    %sign3A_16 = arith.subi %sign3A_12, %sign3A_15 : i32
    %sign3A_17 = arith.constant 0 : i32
    %sign3A_18 = arith.cmpi sgt, %jit3A_10, %sign3A_17 : i32
    %sign3A_19 = arith.extui %sign3A_18 : i1 to i32
    %sign3A_20 = arith.constant 0 : i32
    %sign3A_21 = arith.cmpi slt, %jit3A_10, %sign3A_20 : i32
    %sign3A_22 = arith.extui %sign3A_21 : i1 to i32
    %sign3A_23 = arith.subi %sign3A_19, %sign3A_22 : i32
    %ne3A_24 = arith.cmpi ne, %sign3A_16, %sign3A_23 : i32
    %rem3A_25 = arith.remsi %add3A, %jit3A_10 : i32
    %ne3A_26 = arith.constant 0 : i32
    %ne3A_27 = arith.cmpi ne, %rem3A_25, %ne3A_26 : i32
    %and3A_28 = arith.andi %ne3A_24, %ne3A_27 : i1
    %sub3A = arith.constant 1 : i32
    %sub3A_29 = arith.subi %div3A, %sub3A : i32
    %select_n3A_30 = arith.select %and3A_28, %sub3A_29, %div3A : i32
    %mul3A_31 = arith.constant 8 : i32
    %mul3A_32 = arith.muli %select_n3A_30, %mul3A_31 : i32
    %mul3A_33 = arith.constant 3840 : i32
    %mul3A_34 = arith.muli %select_n3A_9, %mul3A_33 : i32
    "tpu.region"() ({
      %run_scoped3A = tpu.sem_alloc : memref<!tpu.dma_semaphore, #tpu.memory_space<semaphore_mem>>
      %dma_start3A = tpu.memref_slice %arg2[%mul3A_32, %mul3A_34] : memref<16x61440xf32, #tpu.memory_space<hbm>> -> memref<8x3840xf32, #tpu.memory_space<hbm>>
      %dma_start3A_1633 = tpu.memref_slice %arg2[%mul3A_32, %mul3A_34] : memref<16x61440xf32, #tpu.memory_space<hbm>> -> memref<8x3840xf32, #tpu.memory_space<hbm>>
      tpu.enqueue_dma source(%dma_start3A_1633 : memref<8x3840xf32, #tpu.memory_space<hbm>>) target(%arg7 : memref<8x3840xf32, #tpu.memory_space<vmem>>) target_semaphore(%run_scoped3A : memref<!tpu.dma_semaphore, #tpu.memory_space<semaphore_mem>>)
      %dma_wait3A = tpu.memref_slice %arg2[%mul3A_32, %mul3A_34] : memref<16x61440xf32, #tpu.memory_space<hbm>> -> memref<8x3840xf32, #tpu.memory_space<hbm>>
      %dma_wait3A_1634 = tpu.memref_slice %arg2[%mul3A_32, %mul3A_34] : memref<16x61440xf32, #tpu.memory_space<hbm>> -> memref<8x3840xf32, #tpu.memory_space<hbm>>
      tpu.wait_dma2 semaphore(%run_scoped3A : memref<!tpu.dma_semaphore, #tpu.memory_space<semaphore_mem>>) src(%dma_wait3A_1634 : memref<8x3840xf32, #tpu.memory_space<hbm>>) dst(%arg7 : memref<8x3840xf32, #tpu.memory_space<vmem>>)
      tpu.yield
    }) : () -> ()
    "tpu.region"() ({
      %run_scoped3A = tpu.sem_alloc : memref<!tpu.dma_semaphore, #tpu.memory_space<semaphore_mem>>
      tpu.enqueue_dma source(%arg3 : memref<1024xi32, #tpu.memory_space<hbm>>) target(%arg8 : memref<1024xi32, #tpu.memory_space<vmem>>) target_semaphore(%run_scoped3A : memref<!tpu.dma_semaphore, #tpu.memory_space<semaphore_mem>>)
      tpu.wait_dma2 semaphore(%run_scoped3A : memref<!tpu.dma_semaphore, #tpu.memory_space<semaphore_mem>>) src(%arg3 : memref<1024xi32, #tpu.memory_space<hbm>>) dst(%arg8 : memref<1024xi32, #tpu.memory_space<vmem>>)
      tpu.yield
    }) : () -> ()
    "tpu.region"() ({
      %run_scoped3A = tpu.sem_alloc : memref<!tpu.dma_semaphore, #tpu.memory_space<semaphore_mem>>
      tpu.enqueue_dma source(%arg4 : memref<1024xi32, #tpu.memory_space<hbm>>) target(%arg9 : memref<1024xi32, #tpu.memory_space<vmem>>) target_semaphore(%run_scoped3A : memref<!tpu.dma_semaphore, #tpu.memory_space<semaphore_mem>>)
      tpu.wait_dma2 semaphore(%run_scoped3A : memref<!tpu.dma_semaphore, #tpu.memory_space<semaphore_mem>>) src(%arg4 : memref<1024xi32, #tpu.memory_space<hbm>>) dst(%arg9 : memref<1024xi32, #tpu.memory_space<vmem>>)
      tpu.yield
    }) : () -> ()
    "tpu.region"() ({
      %run_scoped3A = tpu.sem_alloc : memref<!tpu.dma_semaphore, #tpu.memory_space<semaphore_mem>>
      tpu.enqueue_dma source(%arg5 : memref<1024xf32, #tpu.memory_space<hbm>>) target(%arg10 : memref<1024xf32, #tpu.memory_space<vmem>>) target_semaphore(%run_scoped3A : memref<!tpu.dma_semaphore, #tpu.memory_space<semaphore_mem>>)
      tpu.wait_dma2 semaphore(%run_scoped3A : memref<!tpu.dma_semaphore, #tpu.memory_space<semaphore_mem>>) src(%arg5 : memref<1024xf32, #tpu.memory_space<hbm>>) dst(%arg10 : memref<1024xf32, #tpu.memory_space<vmem>>)
      tpu.yield
    }) : () -> ()
    %get3A = arith.constant 0 : index
    %get3A_35 = tpu.vector_load %arg8[%get3A] {strides = array<i32>} : memref<1024xi32, #tpu.memory_space<vmem>>, vector<16xi32>,
    %get3A_36 = arith.constant 0 : index
    %get3A_37 = tpu.vector_load %arg9[%get3A_36] {strides = array<i32>} : memref<1024xi32, #tpu.memory_space<vmem>>, vector<16xi32>,
    %get3A_38 = arith.constant 0 : index
    %get3A_39 = tpu.vector_load %arg10[%get3A_38] {strides = array<i32>} : memref<1024xf32, #tpu.memory_space<vmem>>, vector<16xf32>,
    %ge3A = vector.broadcast %mul3A_32 : i32 to vector<16xi32>
    %ge3A_40 = arith.cmpi sge, %get3A_35, %ge3A : vector<16xi32>
    %add3A_41 = arith.constant 8 : i32
    %add3A_42 = arith.addi %mul3A_32, %add3A_41 : i32
    %lt3A_43 = vector.broadcast %add3A_42 : i32 to vector<16xi32>
    %lt3A_44 = arith.cmpi slt, %get3A_35, %lt3A_43 : vector<16xi32>
    %and3A_45 = arith.andi %ge3A_40, %lt3A_44 : vector<16xi1>
    %ge3A_46 = vector.broadcast %mul3A_34 : i32 to vector<16xi32>
    %ge3A_47 = arith.cmpi sge, %get3A_37, %ge3A_46 : vector<16xi32>
    %and3A_48 = arith.andi %and3A_45, %ge3A_47 : vector<16xi1>
    %add3A_49 = arith.constant 3840 : i32
    %add3A_50 = arith.addi %mul3A_34, %add3A_49 : i32
    %lt3A_51 = vector.broadcast %add3A_50 : i32 to vector<16xi32>
    %lt3A_52 = arith.cmpi slt, %get3A_37, %lt3A_51 : vector<16xi32>
    %and3A_53 = arith.andi %and3A_48, %lt3A_52 : vector<16xi1>
    %sub3A_54 = vector.broadcast %mul3A_32 : i32 to vector<16xi32>
    %sub3A_55 = arith.subi %get3A_35, %sub3A_54 : vector<16xi32>
    %sub3A_56 = vector.broadcast %mul3A_34 : i32 to vector<16xi32>
    %sub3A_57 = arith.subi %get3A_37, %sub3A_56 : vector<16xi32>
    tpu.vector_store_idx %arg7[%sub3A_55, %sub3A_57], %get3A_39 masked %and3A_53 : memref<8x3840xf32, #tpu.memory_space<vmem>>[vector<16xi32>, vector<16xi32>], vector<16xf32>, vector<16xi1>
    %get3A_58 = arith.constant 16 : index
    %get3A_59 = tpu.vector_load %arg8[%get3A_58] {strides = array<i32>} : memref<1024xi32, #tpu.memory_space<vmem>>, vector<16xi32>,
    %get3A_60 = arith.constant 16 : index
    %get3A_61 = tpu.vector_load %arg9[%get3A_60] {strides = array<i32>} : memref<1024xi32, #tpu.memory_space<vmem>>, vector<16xi32>,
    %get3A_62 = arith.constant 16 : index
    %get3A_63 = tpu.vector_load %arg10[%get3A_62] {strides = array<i32>} : memref<1024xf32, #tpu.memory_space<vmem>>, vector<16xf32>,
    %ge3A_64 = vector.broadcast %mul3A_32 : i32 to vector<16xi32>
    %ge3A_65 = arith.cmpi sge, %get3A_59, %ge3A_64 : vector<16xi32>
    %add3A_66 = arith.constant 8 : i32
    %add3A_67 = arith.addi %mul3A_32, %add3A_66 : i32
    %lt3A_68 = vector.broadcast %add3A_67 : i32 to vector<16xi32>
    %lt3A_69 = arith.cmpi slt, %get3A_59, %lt3A_68 : vector<16xi32>
    %and3A_70 = arith.andi %ge3A_65, %lt3A_69 : vector<16xi1>
    %ge3A_71 = vector.broadcast %mul3A_34 : i32 to vector<16xi32>
    %ge3A_72 = arith.cmpi sge, %get3A_61, %ge3A_71 : vector<16xi32>
    %and3A_73 = arith.andi %and3A_70, %ge3A_72 : vector<16xi1>
    %add3A_74 = arith.constant 3840 : i32
    %add3A_75 = arith.addi %mul3A_34, %add3A_74 : i32
    %lt3A_76 = vector.broadcast %add3A_75 : i32 to vector<16xi32>
    %lt3A_77 = arith.cmpi slt, %get3A_61, %lt3A_76 : vector<16xi32>
    %and3A_78 = arith.andi %and3A_73, %lt3A_77 : vector<16xi1>
    %sub3A_79 = vector.broadcast %mul3A_32 : i32 to vector<16xi32>
    %sub3A_80 = arith.subi %get3A_59, %sub3A_79 : vector<16xi32>
    %sub3A_81 = vector.broadcast %mul3A_34 : i32 to vector<16xi32>
    %sub3A_82 = arith.subi %get3A_61, %sub3A_81 : vector<16xi32>
    tpu.vector_store_idx %arg7[%sub3A_80, %sub3A_82], %get3A_63 masked %and3A_78 : memref<8x3840xf32, #tpu.memory_space<vmem>>[vector<16xi32>, vector<16xi32>], vector<16xf32>, vector<16xi1>
    %get3A_83 = arith.constant 32 : index
    %get3A_84 = tpu.vector_load %arg8[%get3A_83] {strides = array<i32>} : memref<1024xi32, #tpu.memory_space<vmem>>, vector<16xi32>,
    %get3A_85 = arith.constant 32 : index
    %get3A_86 = tpu.vector_load %arg9[%get3A_85] {strides = array<i32>} : memref<1024xi32, #tpu.memory_space<vmem>>, vector<16xi32>,
    %get3A_87 = arith.constant 32 : index
    %get3A_88 = tpu.vector_load %arg10[%get3A_87] {strides = array<i32>} : memref<1024xf32, #tpu.memory_space<vmem>>, vector<16xf32>,
    %ge3A_89 = vector.broadcast %mul3A_32 : i32 to vector<16xi32>
    %ge3A_90 = arith.cmpi sge, %get3A_84, %ge3A_89 : vector<16xi32>
    %add3A_91 = arith.constant 8 : i32
    %add3A_92 = arith.addi %mul3A_32, %add3A_91 : i32
    %lt3A_93 = vector.broadcast %add3A_92 : i32 to vector<16xi32>
    %lt3A_94 = arith.cmpi slt, %get3A_84, %lt3A_93 : vector<16xi32>
    %and3A_95 = arith.andi %ge3A_90, %lt3A_94 : vector<16xi1>
    %ge3A_96 = vector.broadcast %mul3A_34 : i32 to vector<16xi32>
    %ge3A_97 = arith.cmpi sge, %get3A_86, %ge3A_96 : vector<16xi32>
    %and3A_98 = arith.andi %and3A_95, %ge3A_97 : vector<16xi1>
    %add3A_99 = arith.constant 3840 : i32
    %add3A_100 = arith.addi %mul3A_34, %add3A_99 : i32
    %lt3A_101 = vector.broadcast %add3A_100 : i32 to vector<16xi32>
    %lt3A_102 = arith.cmpi slt, %get3A_86, %lt3A_101 : vector<16xi32>
    %and3A_103 = arith.andi %and3A_98, %lt3A_102 : vector<16xi1>
    %sub3A_104 = vector.broadcast %mul3A_32 : i32 to vector<16xi32>
    %sub3A_105 = arith.subi %get3A_84, %sub3A_104 : vector<16xi32>
    %sub3A_106 = vector.broadcast %mul3A_34 : i32 to vector<16xi32>
    %sub3A_107 = arith.subi %get3A_86, %sub3A_106 : vector<16xi32>
    tpu.vector_store_idx %arg7[%sub3A_105, %sub3A_107], %get3A_88 masked %and3A_103 : memref<8x3840xf32, #tpu.memory_space<vmem>>[vector<16xi32>, vector<16xi32>], vector<16xf32>, vector<16xi1>
    %get3A_108 = arith.constant 48 : index
    %get3A_109 = tpu.vector_load %arg8[%get3A_108] {strides = array<i32>} : memref<1024xi32, #tpu.memory_space<vmem>>, vector<16xi32>,
    %get3A_110 = arith.constant 48 : index
    %get3A_111 = tpu.vector_load %arg9[%get3A_110] {strides = array<i32>} : memref<1024xi32, #tpu.memory_space<vmem>>, vector<16xi32>,
    %get3A_112 = arith.constant 48 : index
    %get3A_113 = tpu.vector_load %arg10[%get3A_112] {strides = array<i32>} : memref<1024xf32, #tpu.memory_space<vmem>>, vector<16xf32>,
    %ge3A_114 = vector.broadcast %mul3A_32 : i32 to vector<16xi32>
    %ge3A_115 = arith.cmpi sge, %get3A_109, %ge3A_114 : vector<16xi32>
    %add3A_116 = arith.constant 8 : i32
    %add3A_117 = arith.addi %mul3A_32, %add3A_116 : i32
    %lt3A_118 = vector.broadcast %add3A_117 : i32 to vector<16xi32>
    %lt3A_119 = arith.cmpi slt, %get3A_109, %lt3A_118 : vector<16xi32>
    %and3A_120 = arith.andi %ge3A_115, %lt3A_119 : vector<16xi1>
    %ge3A_121 = vector.broadcast %mul3A_34 : i32 to vector<16xi32>
    %ge3A_122 = arith.cmpi sge, %get3A_111, %ge3A_121 : vector<16xi32>
    %and3A_123 = arith.andi %and3A_120, %ge3A_122 : vector<16xi1>
    %add3A_124 = arith.constant 3840 : i32
    %add3A_125 = arith.addi %mul3A_34, %add3A_124 : i32
    %lt3A_126 = vector.broadcast %add3A_125 : i32 to vector<16xi32>
    %lt3A_127 = arith.cmpi slt, %get3A_111, %lt3A_126 : vector<16xi32>
    %and3A_128 = arith.andi %and3A_123, %lt3A_127 : vector<16xi1>
    %sub3A_129 = vector.broadcast %mul3A_32 : i32 to vector<16xi32>
    %sub3A_130 = arith.subi %get3A_109, %sub3A_129 : vector<16xi32>
    %sub3A_131 = vector.broadcast %mul3A_34 : i32 to vector<16xi32>
    %sub3A_132 = arith.subi %get3A_111, %sub3A_131 : vector<16xi32>
    tpu.vector_store_idx %arg7[%sub3A_130, %sub3A_132], %get3A_113 masked %and3A_128 : memref<8x3840xf32, #tpu.memory_space<vmem>>[vector<16xi32>, vector<16xi32>], vector<16xf32>, vector<16xi1>
    %get3A_133 = arith.constant 64 : index
    %get3A_134 = tpu.vector_load %arg8[%get3A_133] {strides = array<i32>} : memref<1024xi32, #tpu.memory_space<vmem>>, vector<16xi32>,
    %get3A_135 = arith.constant 64 : index
    %get3A_136 = tpu.vector_load %arg9[%get3A_135] {strides = array<i32>} : memref<1024xi32, #tpu.memory_space<vmem>>, vector<16xi32>,
    %get3A_137 = arith.constant 64 : index
    %get3A_138 = tpu.vector_load %arg10[%get3A_137] {strides = array<i32>} : memref<1024xf32, #tpu.memory_space<vmem>>, vector<16xf32>,
    %ge3A_139 = vector.broadcast %mul3A_32 : i32 to vector<16xi32>
    %ge3A_140 = arith.cmpi sge, %get3A_134, %ge3A_139 : vector<16xi32>
    %add3A_141 = arith.constant 8 : i32
    %add3A_142 = arith.addi %mul3A_32, %add3A_141 : i32
    %lt3A_143 = vector.broadcast %add3A_142 : i32 to vector<16xi32>
    %lt3A_144 = arith.cmpi slt, %get3A_134, %lt3A_143 : vector<16xi32>
    %and3A_145 = arith.andi %ge3A_140, %lt3A_144 : vector<16xi1>
    %ge3A_146 = vector.broadcast %mul3A_34 : i32 to vector<16xi32>
    %ge3A_147 = arith.cmpi sge, %get3A_136, %ge3A_146 : vector<16xi32>
    %and3A_148 = arith.andi %and3A_145, %ge3A_147 : vector<16xi1>
    %add3A_149 = arith.constant 3840 : i32
    %add3A_150 = arith.addi %mul3A_34, %add3A_149 : i32
    %lt3A_151 = vector.broadcast %add3A_150 : i32 to vector<16xi32>
    %lt3A_152 = arith.cmpi slt, %get3A_136, %lt3A_151 : vector<16xi32>
    %and3A_153 = arith.andi %and3A_148, %lt3A_152 : vector<16xi1>
    %sub3A_154 = vector.broadcast %mul3A_32 : i32 to vector<16xi32>
    %sub3A_155 = arith.subi %get3A_134, %sub3A_154 : vector<16xi32>
    %sub3A_156 = vector.broadcast %mul3A_34 : i32 to vector<16xi32>
    %sub3A_157 = arith.subi %get3A_136, %sub3A_156 : vector<16xi32>
    tpu.vector_store_idx %arg7[%sub3A_155, %sub3A_157], %get3A_138 masked %and3A_153 : memref<8x3840xf32, #tpu.memory_space<vmem>>[vector<16xi32>, vector<16xi32>], vector<16xf32>, vector<16xi1>
    %get3A_158 = arith.constant 80 : index
    %get3A_159 = tpu.vector_load %arg8[%get3A_158] {strides = array<i32>} : memref<1024xi32, #tpu.memory_space<vmem>>, vector<16xi32>,
    %get3A_160 = arith.constant 80 : index
    %get3A_161 = tpu.vector_load %arg9[%get3A_160] {strides = array<i32>} : memref<1024xi32, #tpu.memory_space<vmem>>, vector<16xi32>,
    %get3A_162 = arith.constant 80 : index
    %get3A_163 = tpu.vector_load %arg10[%get3A_162] {strides = array<i32>} : memref<1024xf32, #tpu.memory_space<vmem>>, vector<16xf32>,
    %ge3A_164 = vector.broadcast %mul3A_32 : i32 to vector<16xi32>
    %ge3A_165 = arith.cmpi sge, %get3A_159, %ge3A_164 : vector<16xi32>
    %add3A_166 = arith.constant 8 : i32
    %add3A_167 = arith.addi %mul3A_32, %add3A_166 : i32
    %lt3A_168 = vector.broadcast %add3A_167 : i32 to vector<16xi32>
    %lt3A_169 = arith.cmpi slt, %get3A_159, %lt3A_168 : vector<16xi32>
    %and3A_170 = arith.andi %ge3A_165, %lt3A_169 : vector<16xi1>
    %ge3A_171 = vector.broadcast %mul3A_34 : i32 to vector<16xi32>
    %ge3A_172 = arith.cmpi sge, %get3A_161, %ge3A_171 : vector<16xi32>
    %and3A_173 = arith.andi %and3A_170, %ge3A_172 : vector<16xi1>
    %add3A_174 = arith.constant 3840 : i32
    %add3A_175 = arith.addi %mul3A_34, %add3A_174 : i32
    %lt3A_176 = vector.broadcast %add3A_175 : i32 to vector<16xi32>
    %lt3A_177 = arith.cmpi slt, %get3A_161, %lt3A_176 : vector<16xi32>
    %and3A_178 = arith.andi %and3A_173, %lt3A_177 : vector<16xi1>
    %sub3A_179 = vector.broadcast %mul3A_32 : i32 to vector<16xi32>
    %sub3A_180 = arith.subi %get3A_159, %sub3A_179 : vector<16xi32>
    %sub3A_181 = vector.broadcast %mul3A_34 : i32 to vector<16xi32>
    %sub3A_182 = arith.subi %get3A_161, %sub3A_181 : vector<16xi32>
    tpu.vector_store_idx %arg7[%sub3A_180, %sub3A_182], %get3A_163 masked %and3A_178 : memref<8x3840xf32, #tpu.memory_space<vmem>>[vector<16xi32>, vector<16xi32>], vector<16xf32>, vector<16xi1>
    %get3A_183 = arith.constant 96 : index
    %get3A_184 = tpu.vector_load %arg8[%get3A_183] {strides = array<i32>} : memref<1024xi32, #tpu.memory_space<vmem>>, vector<16xi32>,
    %get3A_185 = arith.constant 96 : index
    %get3A_186 = tpu.vector_load %arg9[%get3A_185] {strides = array<i32>} : memref<1024xi32, #tpu.memory_space<vmem>>, vector<16xi32>,
    %get3A_187 = arith.constant 96 : index
    %get3A_188 = tpu.vector_load %arg10[%get3A_187] {strides = array<i32>} : memref<1024xf32, #tpu.memory_space<vmem>>, vector<16xf32>,
    %ge3A_189 = vector.broadcast %mul3A_32 : i32 to vector<16xi32>
    %ge3A_190 = arith.cmpi sge, %get3A_184, %ge3A_189 : vector<16xi32>
    %add3A_191 = arith.constant 8 : i32
    %add3A_192 = arith.addi %mul3A_32, %add3A_191 : i32
    %lt3A_193 = vector.broadcast %add3A_192 : i32 to vector<16xi32>
    %lt3A_194 = arith.cmpi slt, %get3A_184, %lt3A_193 : vector<16xi32>
    %and3A_195 = arith.andi %ge3A_190, %lt3A_194 : vector<16xi1>
    %ge3A_196 = vector.broadcast %mul3A_34 : i32 to vector<16xi32>
    %ge3A_197 = arith.cmpi sge, %get3A_186, %ge3A_196 : vector<16xi32>
    %and3A_198 = arith.andi %and3A_195, %ge3A_197 : vector<16xi1>
    %add3A_199 = arith.constant 3840 : i32
    %add3A_200 = arith.addi %mul3A_34, %add3A_199 : i32
    %lt3A_201 = vector.broadcast %add3A_200 : i32 to vector<16xi32>
    %lt3A_202 = arith.cmpi slt, %get3A_186, %lt3A_201 : vector<16xi32>
    %and3A_203 = arith.andi %and3A_198, %lt3A_202 : vector<16xi1>
    %sub3A_204 = vector.broadcast %mul3A_32 : i32 to vector<16xi32>
    %sub3A_205 = arith.subi %get3A_184, %sub3A_204 : vector<16xi32>
    %sub3A_206 = vector.broadcast %mul3A_34 : i32 to vector<16xi32>
    %sub3A_207 = arith.subi %get3A_186, %sub3A_206 : vector<16xi32>
    tpu.vector_store_idx %arg7[%sub3A_205, %sub3A_207], %get3A_188 masked %and3A_203 : memref<8x3840xf32, #tpu.memory_space<vmem>>[vector<16xi32>, vector<16xi32>], vector<16xf32>, vector<16xi1>
    %get3A_208 = arith.constant 112 : index
    %get3A_209 = tpu.vector_load %arg8[%get3A_208] {strides = array<i32>} : memref<1024xi32, #tpu.memory_space<vmem>>, vector<16xi32>,
    %get3A_210 = arith.constant 112 : index
    %get3A_211 = tpu.vector_load %arg9[%get3A_210] {strides = array<i32>} : memref<1024xi32, #tpu.memory_space<vmem>>, vector<16xi32>,
    %get3A_212 = arith.constant 112 : index
    %get3A_213 = tpu.vector_load %arg10[%get3A_212] {strides = array<i32>} : memref<1024xf32, #tpu.memory_space<vmem>>, vector<16xf32>,
    %ge3A_214 = vector.broadcast %mul3A_32 : i32 to vector<16xi32>
    %ge3A_215 = arith.cmpi sge, %get3A_209, %ge3A_214 : vector<16xi32>
    %add3A_216 = arith.constant 8 : i32
    %add3A_217 = arith.addi %mul3A_32, %add3A_216 : i32
    %lt3A_218 = vector.broadcast %add3A_217 : i32 to vector<16xi32>
    %lt3A_219 = arith.cmpi slt, %get3A_209, %lt3A_218 : vector<16xi32>
    %and3A_220 = arith.andi %ge3A_215, %lt3A_219 : vector<16xi1>
    %ge3A_221 = vector.broadcast %mul3A_34 : i32 to vector<16xi32>
    %ge3A_222 = arith.cmpi sge, %get3A_211, %ge3A_221 : vector<16xi32>
    %and3A_223 = arith.andi %and3A_220, %ge3A_222 : vector<16xi1>
    %add3A_224 = arith.constant 3840 : i32
    %add3A_225 = arith.addi %mul3A_34, %add3A_224 : i32
    %lt3A_226 = vector.broadcast %add3A_225 : i32 to vector<16xi32>
    %lt3A_227 = arith.cmpi slt, %get3A_211, %lt3A_226 : vector<16xi32>
    %and3A_228 = arith.andi %and3A_223, %lt3A_227 : vector<16xi1>
    %sub3A_229 = vector.broadcast %mul3A_32 : i32 to vector<16xi32>
    %sub3A_230 = arith.subi %get3A_209, %sub3A_229 : vector<16xi32>
    %sub3A_231 = vector.broadcast %mul3A_34 : i32 to vector<16xi32>
    %sub3A_232 = arith.subi %get3A_211, %sub3A_231 : vector<16xi32>
    tpu.vector_store_idx %arg7[%sub3A_230, %sub3A_232], %get3A_213 masked %and3A_228 : memref<8x3840xf32, #tpu.memory_space<vmem>>[vector<16xi32>, vector<16xi32>], vector<16xf32>, vector<16xi1>
    %get3A_233 = arith.constant 128 : index
    %get3A_234 = tpu.vector_load %arg8[%get3A_233] {strides = array<i32>} : memref<1024xi32, #tpu.memory_space<vmem>>, vector<16xi32>,
    %get3A_235 = arith.constant 128 : index
    %get3A_236 = tpu.vector_load %arg9[%get3A_235] {strides = array<i32>} : memref<1024xi32, #tpu.memory_space<vmem>>, vector<16xi32>,
    %get3A_237 = arith.constant 128 : index
    %get3A_238 = tpu.vector_load %arg10[%get3A_237] {strides = array<i32>} : memref<1024xf32, #tpu.memory_space<vmem>>, vector<16xf32>,
    %ge3A_239 = vector.broadcast %mul3A_32 : i32 to vector<16xi32>
    %ge3A_240 = arith.cmpi sge, %get3A_234, %ge3A_239 : vector<16xi32>
    %add3A_241 = arith.constant 8 : i32
    %add3A_242 = arith.addi %mul3A_32, %add3A_241 : i32
    %lt3A_243 = vector.broadcast %add3A_242 : i32 to vector<16xi32>
    %lt3A_244 = arith.cmpi slt, %get3A_234, %lt3A_243 : vector<16xi32>
    %and3A_245 = arith.andi %ge3A_240, %lt3A_244 : vector<16xi1>
    %ge3A_246 = vector.broadcast %mul3A_34 : i32 to vector<16xi32>
    %ge3A_247 = arith.cmpi sge, %get3A_236, %ge3A_246 : vector<16xi32>
    %and3A_248 = arith.andi %and3A_245, %ge3A_247 : vector<16xi1>
    %add3A_249 = arith.constant 3840 : i32
    %add3A_250 = arith.addi %mul3A_34, %add3A_249 : i32
    %lt3A_251 = vector.broadcast %add3A_250 : i32 to vector<16xi32>
    %lt3A_252 = arith.cmpi slt, %get3A_236, %lt3A_251 : vector<16xi32>
    %and3A_253 = arith.andi %and3A_248, %lt3A_252 : vector<16xi1>
    %sub3A_254 = vector.broadcast %mul3A_32 : i32 to vector<16xi32>
    %sub3A_255 = arith.subi %get3A_234, %sub3A_254 : vector<16xi32>
    %sub3A_256 = vector.broadcast %mul3A_34 : i32 to vector<16xi32>
    %sub3A_257 = arith.subi %get3A_236, %sub3A_256 : vector<16xi32>
    tpu.vector_store_idx %arg7[%sub3A_255, %sub3A_257], %get3A_238 masked %and3A_253 : memref<8x3840xf32, #tpu.memory_space<vmem>>[vector<16xi32>, vector<16xi32>], vector<16xf32>, vector<16xi1>
    %get3A_258 = arith.constant 144 : index
    %get3A_259 = tpu.vector_load %arg8[%get3A_258] {strides = array<i32>} : memref<1024xi32, #tpu.memory_space<vmem>>, vector<16xi32>,
    %get3A_260 = arith.constant 144 : index
    %get3A_261 = tpu.vector_load %arg9[%get3A_260] {strides = array<i32>} : memref<1024xi32, #tpu.memory_space<vmem>>, vector<16xi32>,
    %get3A_262 = arith.constant 144 : index
    %get3A_263 = tpu.vector_load %arg10[%get3A_262] {strides = array<i32>} : memref<1024xf32, #tpu.memory_space<vmem>>, vector<16xf32>,
    %ge3A_264 = vector.broadcast %mul3A_32 : i32 to vector<16xi32>
    %ge3A_265 = arith.cmpi sge, %get3A_259, %ge3A_264 : vector<16xi32>
    %add3A_266 = arith.constant 8 : i32
    %add3A_267 = arith.addi %mul3A_32, %add3A_266 : i32
    %lt3A_268 = vector.broadcast %add3A_267 : i32 to vector<16xi32>
    %lt3A_269 = arith.cmpi slt, %get3A_259, %lt3A_268 : vector<16xi32>
    %and3A_270 = arith.andi %ge3A_265, %lt3A_269 : vector<16xi1>
    %ge3A_271 = vector.broadcast %mul3A_34 : i32 to vector<16xi32>
    %ge3A_272 = arith.cmpi sge, %get3A_261, %ge3A_271 : vector<16xi32>
    %and3A_273 = arith.andi %and3A_270, %ge3A_272 : vector<16xi1>
    %add3A_274 = arith.constant 3840 : i32
    %add3A_275 = arith.addi %mul3A_34, %add3A_274 : i32
    %lt3A_276 = vector.broadcast %add3A_275 : i32 to vector<16xi32>
    %lt3A_277 = arith.cmpi slt, %get3A_261, %lt3A_276 : vector<16xi32>
    %and3A_278 = arith.andi %and3A_273, %lt3A_277 : vector<16xi1>
    %sub3A_279 = vector.broadcast %mul3A_32 : i32 to vector<16xi32>
    %sub3A_280 = arith.subi %get3A_259, %sub3A_279 : vector<16xi32>
    %sub3A_281 = vector.broadcast %mul3A_34 : i32 to vector<16xi32>
    %sub3A_282 = arith.subi %get3A_261, %sub3A_281 : vector<16xi32>
    tpu.vector_store_idx %arg7[%sub3A_280, %sub3A_282], %get3A_263 masked %and3A_278 : memref<8x3840xf32, #tpu.memory_space<vmem>>[vector<16xi32>, vector<16xi32>], vector<16xf32>, vector<16xi1>
    %get3A_283 = arith.constant 160 : index
    %get3A_284 = tpu.vector_load %arg8[%get3A_283] {strides = array<i32>} : memref<1024xi32, #tpu.memory_space<vmem>>, vector<16xi32>,
    %get3A_285 = arith.constant 160 : index
    %get3A_286 = tpu.vector_load %arg9[%get3A_285] {strides = array<i32>} : memref<1024xi32, #tpu.memory_space<vmem>>, vector<16xi32>,
    %get3A_287 = arith.constant 160 : index
    %get3A_288 = tpu.vector_load %arg10[%get3A_287] {strides = array<i32>} : memref<1024xf32, #tpu.memory_space<vmem>>, vector<16xf32>,
    %ge3A_289 = vector.broadcast %mul3A_32 : i32 to vector<16xi32>
    %ge3A_290 = arith.cmpi sge, %get3A_284, %ge3A_289 : vector<16xi32>
    %add3A_291 = arith.constant 8 : i32
    %add3A_292 = arith.addi %mul3A_32, %add3A_291 : i32
    %lt3A_293 = vector.broadcast %add3A_292 : i32 to vector<16xi32>
    %lt3A_294 = arith.cmpi slt, %get3A_284, %lt3A_293 : vector<16xi32>
    %and3A_295 = arith.andi %ge3A_290, %lt3A_294 : vector<16xi1>
    %ge3A_296 = vector.broadcast %mul3A_34 : i32 to vector<16xi32>
    %ge3A_297 = arith.cmpi sge, %get3A_286, %ge3A_296 : vector<16xi32>
    %and3A_298 = arith.andi %and3A_295, %ge3A_297 : vector<16xi1>
    %add3A_299 = arith.constant 3840 : i32
    %add3A_300 = arith.addi %mul3A_34, %add3A_299 : i32
    %lt3A_301 = vector.broadcast %add3A_300 : i32 to vector<16xi32>
    %lt3A_302 = arith.cmpi slt, %get3A_286, %lt3A_301 : vector<16xi32>
    %and3A_303 = arith.andi %and3A_298, %lt3A_302 : vector<16xi1>
    %sub3A_304 = vector.broadcast %mul3A_32 : i32 to vector<16xi32>
    %sub3A_305 = arith.subi %get3A_284, %sub3A_304 : vector<16xi32>
    %sub3A_306 = vector.broadcast %mul3A_34 : i32 to vector<16xi32>
    %sub3A_307 = arith.subi %get3A_286, %sub3A_306 : vector<16xi32>
    tpu.vector_store_idx %arg7[%sub3A_305, %sub3A_307], %get3A_288 masked %and3A_303 : memref<8x3840xf32, #tpu.memory_space<vmem>>[vector<16xi32>, vector<16xi32>], vector<16xf32>, vector<16xi1>
    %get3A_308 = arith.constant 176 : index
    %get3A_309 = tpu.vector_load %arg8[%get3A_308] {strides = array<i32>} : memref<1024xi32, #tpu.memory_space<vmem>>, vector<16xi32>,
    %get3A_310 = arith.constant 176 : index
    %get3A_311 = tpu.vector_load %arg9[%get3A_310] {strides = array<i32>} : memref<1024xi32, #tpu.memory_space<vmem>>, vector<16xi32>,
    %get3A_312 = arith.constant 176 : index
    %get3A_313 = tpu.vector_load %arg10[%get3A_312] {strides = array<i32>} : memref<1024xf32, #tpu.memory_space<vmem>>, vector<16xf32>,
    %ge3A_314 = vector.broadcast %mul3A_32 : i32 to vector<16xi32>
    %ge3A_315 = arith.cmpi sge, %get3A_309, %ge3A_314 : vector<16xi32>
    %add3A_316 = arith.constant 8 : i32
    %add3A_317 = arith.addi %mul3A_32, %add3A_316 : i32
    %lt3A_318 = vector.broadcast %add3A_317 : i32 to vector<16xi32>
    %lt3A_319 = arith.cmpi slt, %get3A_309, %lt3A_318 : vector<16xi32>
    %and3A_320 = arith.andi %ge3A_315, %lt3A_319 : vector<16xi1>
    %ge3A_321 = vector.broadcast %mul3A_34 : i32 to vector<16xi32>
    %ge3A_322 = arith.cmpi sge, %get3A_311, %ge3A_321 : vector<16xi32>
    %and3A_323 = arith.andi %and3A_320, %ge3A_322 : vector<16xi1>
    %add3A_324 = arith.constant 3840 : i32
    %add3A_325 = arith.addi %mul3A_34, %add3A_324 : i32
    %lt3A_326 = vector.broadcast %add3A_325 : i32 to vector<16xi32>
    %lt3A_327 = arith.cmpi slt, %get3A_311, %lt3A_326 : vector<16xi32>
    %and3A_328 = arith.andi %and3A_323, %lt3A_327 : vector<16xi1>
    %sub3A_329 = vector.broadcast %mul3A_32 : i32 to vector<16xi32>
    %sub3A_330 = arith.subi %get3A_309, %sub3A_329 : vector<16xi32>
    %sub3A_331 = vector.broadcast %mul3A_34 : i32 to vector<16xi32>
    %sub3A_332 = arith.subi %get3A_311, %sub3A_331 : vector<16xi32>
    tpu.vector_store_idx %arg7[%sub3A_330, %sub3A_332], %get3A_313 masked %and3A_328 : memref<8x3840xf32, #tpu.memory_space<vmem>>[vector<16xi32>, vector<16xi32>], vector<16xf32>, vector<16xi1>
    %get3A_333 = arith.constant 192 : index
    %get3A_334 = tpu.vector_load %arg8[%get3A_333] {strides = array<i32>} : memref<1024xi32, #tpu.memory_space<vmem>>, vector<16xi32>,
    %get3A_335 = arith.constant 192 : index
    %get3A_336 = tpu.vector_load %arg9[%get3A_335] {strides = array<i32>} : memref<1024xi32, #tpu.memory_space<vmem>>, vector<16xi32>,
    %get3A_337 = arith.constant 192 : index
    %get3A_338 = tpu.vector_load %arg10[%get3A_337] {strides = array<i32>} : memref<1024xf32, #tpu.memory_space<vmem>>, vector<16xf32>,
    %ge3A_339 = vector.broadcast %mul3A_32 : i32 to vector<16xi32>
    %ge3A_340 = arith.cmpi sge, %get3A_334, %ge3A_339 : vector<16xi32>
    %add3A_341 = arith.constant 8 : i32
    %add3A_342 = arith.addi %mul3A_32, %add3A_341 : i32
    %lt3A_343 = vector.broadcast %add3A_342 : i32 to vector<16xi32>
    %lt3A_344 = arith.cmpi slt, %get3A_334, %lt3A_343 : vector<16xi32>
    %and3A_345 = arith.andi %ge3A_340, %lt3A_344 : vector<16xi1>
    %ge3A_346 = vector.broadcast %mul3A_34 : i32 to vector<16xi32>
    %ge3A_347 = arith.cmpi sge, %get3A_336, %ge3A_346 : vector<16xi32>
    %and3A_348 = arith.andi %and3A_345, %ge3A_347 : vector<16xi1>
    %add3A_349 = arith.constant 3840 : i32
    %add3A_350 = arith.addi %mul3A_34, %add3A_349 : i32
    %lt3A_351 = vector.broadcast %add3A_350 : i32 to vector<16xi32>
    %lt3A_352 = arith.cmpi slt, %get3A_336, %lt3A_351 : vector<16xi32>
    %and3A_353 = arith.andi %and3A_348, %lt3A_352 : vector<16xi1>
    %sub3A_354 = vector.broadcast %mul3A_32 : i32 to vector<16xi32>
    %sub3A_355 = arith.subi %get3A_334, %sub3A_354 : vector<16xi32>
    %sub3A_356 = vector.broadcast %mul3A_34 : i32 to vector<16xi32>
    %sub3A_357 = arith.subi %get3A_336, %sub3A_356 : vector<16xi32>
    tpu.vector_store_idx %arg7[%sub3A_355, %sub3A_357], %get3A_338 masked %and3A_353 : memref<8x3840xf32, #tpu.memory_space<vmem>>[vector<16xi32>, vector<16xi32>], vector<16xf32>, vector<16xi1>
    %get3A_358 = arith.constant 208 : index
    %get3A_359 = tpu.vector_load %arg8[%get3A_358] {strides = array<i32>} : memref<1024xi32, #tpu.memory_space<vmem>>, vector<16xi32>,
    %get3A_360 = arith.constant 208 : index
    %get3A_361 = tpu.vector_load %arg9[%get3A_360] {strides = array<i32>} : memref<1024xi32, #tpu.memory_space<vmem>>, vector<16xi32>,
    %get3A_362 = arith.constant 208 : index
    %get3A_363 = tpu.vector_load %arg10[%get3A_362] {strides = array<i32>} : memref<1024xf32, #tpu.memory_space<vmem>>, vector<16xf32>,
    %ge3A_364 = vector.broadcast %mul3A_32 : i32 to vector<16xi32>
    %ge3A_365 = arith.cmpi sge, %get3A_359, %ge3A_364 : vector<16xi32>
    %add3A_366 = arith.constant 8 : i32
    %add3A_367 = arith.addi %mul3A_32, %add3A_366 : i32
    %lt3A_368 = vector.broadcast %add3A_367 : i32 to vector<16xi32>
    %lt3A_369 = arith.cmpi slt, %get3A_359, %lt3A_368 : vector<16xi32>
    %and3A_370 = arith.andi %ge3A_365, %lt3A_369 : vector<16xi1>
    %ge3A_371 = vector.broadcast %mul3A_34 : i32 to vector<16xi32>
    %ge3A_372 = arith.cmpi sge, %get3A_361, %ge3A_371 : vector<16xi32>
    %and3A_373 = arith.andi %and3A_370, %ge3A_372 : vector<16xi1>
    %add3A_374 = arith.constant 3840 : i32
    %add3A_375 = arith.addi %mul3A_34, %add3A_374 : i32
    %lt3A_376 = vector.broadcast %add3A_375 : i32 to vector<16xi32>
    %lt3A_377 = arith.cmpi slt, %get3A_361, %lt3A_376 : vector<16xi32>
    %and3A_378 = arith.andi %and3A_373, %lt3A_377 : vector<16xi1>
    %sub3A_379 = vector.broadcast %mul3A_32 : i32 to vector<16xi32>
    %sub3A_380 = arith.subi %get3A_359, %sub3A_379 : vector<16xi32>
    %sub3A_381 = vector.broadcast %mul3A_34 : i32 to vector<16xi32>
    %sub3A_382 = arith.subi %get3A_361, %sub3A_381 : vector<16xi32>
    tpu.vector_store_idx %arg7[%sub3A_380, %sub3A_382], %get3A_363 masked %and3A_378 : memref<8x3840xf32, #tpu.memory_space<vmem>>[vector<16xi32>, vector<16xi32>], vector<16xf32>, vector<16xi1>
    %get3A_383 = arith.constant 224 : index
    %get3A_384 = tpu.vector_load %arg8[%get3A_383] {strides = array<i32>} : memref<1024xi32, #tpu.memory_space<vmem>>, vector<16xi32>,
    %get3A_385 = arith.constant 224 : index
    %get3A_386 = tpu.vector_load %arg9[%get3A_385] {strides = array<i32>} : memref<1024xi32, #tpu.memory_space<vmem>>, vector<16xi32>,
    %get3A_387 = arith.constant 224 : index
    %get3A_388 = tpu.vector_load %arg10[%get3A_387] {strides = array<i32>} : memref<1024xf32, #tpu.memory_space<vmem>>, vector<16xf32>,
    %ge3A_389 = vector.broadcast %mul3A_32 : i32 to vector<16xi32>
    %ge3A_390 = arith.cmpi sge, %get3A_384, %ge3A_389 : vector<16xi32>
    %add3A_391 = arith.constant 8 : i32
    %add3A_392 = arith.addi %mul3A_32, %add3A_391 : i32
    %lt3A_393 = vector.broadcast %add3A_392 : i32 to vector<16xi32>
    %lt3A_394 = arith.cmpi slt, %get3A_384, %lt3A_393 : vector<16xi32>
    %and3A_395 = arith.andi %ge3A_390, %lt3A_394 : vector<16xi1>
    %ge3A_396 = vector.broadcast %mul3A_34 : i32 to vector<16xi32>
    %ge3A_397 = arith.cmpi sge, %get3A_386, %ge3A_396 : vector<16xi32>
    %and3A_398 = arith.andi %and3A_395, %ge3A_397 : vector<16xi1>
    %add3A_399 = arith.constant 3840 : i32
    %add3A_400 = arith.addi %mul3A_34, %add3A_399 : i32
    %lt3A_401 = vector.broadcast %add3A_400 : i32 to vector<16xi32>
    %lt3A_402 = arith.cmpi slt, %get3A_386, %lt3A_401 : vector<16xi32>
    %and3A_403 = arith.andi %and3A_398, %lt3A_402 : vector<16xi1>
    %sub3A_404 = vector.broadcast %mul3A_32 : i32 to vector<16xi32>
    %sub3A_405 = arith.subi %get3A_384, %sub3A_404 : vector<16xi32>
    %sub3A_406 = vector.broadcast %mul3A_34 : i32 to vector<16xi32>
    %sub3A_407 = arith.subi %get3A_386, %sub3A_406 : vector<16xi32>
    tpu.vector_store_idx %arg7[%sub3A_405, %sub3A_407], %get3A_388 masked %and3A_403 : memref<8x3840xf32, #tpu.memory_space<vmem>>[vector<16xi32>, vector<16xi32>], vector<16xf32>, vector<16xi1>
    %get3A_408 = arith.constant 240 : index
    %get3A_409 = tpu.vector_load %arg8[%get3A_408] {strides = array<i32>} : memref<1024xi32, #tpu.memory_space<vmem>>, vector<16xi32>,
    %get3A_410 = arith.constant 240 : index
    %get3A_411 = tpu.vector_load %arg9[%get3A_410] {strides = array<i32>} : memref<1024xi32, #tpu.memory_space<vmem>>, vector<16xi32>,
    %get3A_412 = arith.constant 240 : index
    %get3A_413 = tpu.vector_load %arg10[%get3A_412] {strides = array<i32>} : memref<1024xf32, #tpu.memory_space<vmem>>, vector<16xf32>,
    %ge3A_414 = vector.broadcast %mul3A_32 : i32 to vector<16xi32>
    %ge3A_415 = arith.cmpi sge, %get3A_409, %ge3A_414 : vector<16xi32>
    %add3A_416 = arith.constant 8 : i32
    %add3A_417 = arith.addi %mul3A_32, %add3A_416 : i32
    %lt3A_418 = vector.broadcast %add3A_417 : i32 to vector<16xi32>
    %lt3A_419 = arith.cmpi slt, %get3A_409, %lt3A_418 : vector<16xi32>
    %and3A_420 = arith.andi %ge3A_415, %lt3A_419 : vector<16xi1>
    %ge3A_421 = vector.broadcast %mul3A_34 : i32 to vector<16xi32>
    %ge3A_422 = arith.cmpi sge, %get3A_411, %ge3A_421 : vector<16xi32>
    %and3A_423 = arith.andi %and3A_420, %ge3A_422 : vector<16xi1>
    %add3A_424 = arith.constant 3840 : i32
    %add3A_425 = arith.addi %mul3A_34, %add3A_424 : i32
    %lt3A_426 = vector.broadcast %add3A_425 : i32 to vector<16xi32>
    %lt3A_427 = arith.cmpi slt, %get3A_411, %lt3A_426 : vector<16xi32>
    %and3A_428 = arith.andi %and3A_423, %lt3A_427 : vector<16xi1>
    %sub3A_429 = vector.broadcast %mul3A_32 : i32 to vector<16xi32>
    %sub3A_430 = arith.subi %get3A_409, %sub3A_429 : vector<16xi32>
    %sub3A_431 = vector.broadcast %mul3A_34 : i32 to vector<16xi32>
    %sub3A_432 = arith.subi %get3A_411, %sub3A_431 : vector<16xi32>
    tpu.vector_store_idx %arg7[%sub3A_430, %sub3A_432], %get3A_413 masked %and3A_428 : memref<8x3840xf32, #tpu.memory_space<vmem>>[vector<16xi32>, vector<16xi32>], vector<16xf32>, vector<16xi1>
    %get3A_433 = arith.constant 256 : index
    %get3A_434 = tpu.vector_load %arg8[%get3A_433] {strides = array<i32>} : memref<1024xi32, #tpu.memory_space<vmem>>, vector<16xi32>,
    %get3A_435 = arith.constant 256 : index
    %get3A_436 = tpu.vector_load %arg9[%get3A_435] {strides = array<i32>} : memref<1024xi32, #tpu.memory_space<vmem>>, vector<16xi32>,
    %get3A_437 = arith.constant 256 : index
    %get3A_438 = tpu.vector_load %arg10[%get3A_437] {strides = array<i32>} : memref<1024xf32, #tpu.memory_space<vmem>>, vector<16xf32>,
    %ge3A_439 = vector.broadcast %mul3A_32 : i32 to vector<16xi32>
    %ge3A_440 = arith.cmpi sge, %get3A_434, %ge3A_439 : vector<16xi32>
    %add3A_441 = arith.constant 8 : i32
    %add3A_442 = arith.addi %mul3A_32, %add3A_441 : i32
    %lt3A_443 = vector.broadcast %add3A_442 : i32 to vector<16xi32>
    %lt3A_444 = arith.cmpi slt, %get3A_434, %lt3A_443 : vector<16xi32>
    %and3A_445 = arith.andi %ge3A_440, %lt3A_444 : vector<16xi1>
    %ge3A_446 = vector.broadcast %mul3A_34 : i32 to vector<16xi32>
    %ge3A_447 = arith.cmpi sge, %get3A_436, %ge3A_446 : vector<16xi32>
    %and3A_448 = arith.andi %and3A_445, %ge3A_447 : vector<16xi1>
    %add3A_449 = arith.constant 3840 : i32
    %add3A_450 = arith.addi %mul3A_34, %add3A_449 : i32
    %lt3A_451 = vector.broadcast %add3A_450 : i32 to vector<16xi32>
    %lt3A_452 = arith.cmpi slt, %get3A_436, %lt3A_451 : vector<16xi32>
    %and3A_453 = arith.andi %and3A_448, %lt3A_452 : vector<16xi1>
    %sub3A_454 = vector.broadcast %mul3A_32 : i32 to vector<16xi32>
    %sub3A_455 = arith.subi %get3A_434, %sub3A_454 : vector<16xi32>
    %sub3A_456 = vector.broadcast %mul3A_34 : i32 to vector<16xi32>
    %sub3A_457 = arith.subi %get3A_436, %sub3A_456 : vector<16xi32>
    tpu.vector_store_idx %arg7[%sub3A_455, %sub3A_457], %get3A_438 masked %and3A_453 : memref<8x3840xf32, #tpu.memory_space<vmem>>[vector<16xi32>, vector<16xi32>], vector<16xf32>, vector<16xi1>
    %get3A_458 = arith.constant 272 : index
    %get3A_459 = tpu.vector_load %arg8[%get3A_458] {strides = array<i32>} : memref<1024xi32, #tpu.memory_space<vmem>>, vector<16xi32>,
    %get3A_460 = arith.constant 272 : index
    %get3A_461 = tpu.vector_load %arg9[%get3A_460] {strides = array<i32>} : memref<1024xi32, #tpu.memory_space<vmem>>, vector<16xi32>,
    %get3A_462 = arith.constant 272 : index
    %get3A_463 = tpu.vector_load %arg10[%get3A_462] {strides = array<i32>} : memref<1024xf32, #tpu.memory_space<vmem>>, vector<16xf32>,
    %ge3A_464 = vector.broadcast %mul3A_32 : i32 to vector<16xi32>
    %ge3A_465 = arith.cmpi sge, %get3A_459, %ge3A_464 : vector<16xi32>
    %add3A_466 = arith.constant 8 : i32
    %add3A_467 = arith.addi %mul3A_32, %add3A_466 : i32
    %lt3A_468 = vector.broadcast %add3A_467 : i32 to vector<16xi32>
    %lt3A_469 = arith.cmpi slt, %get3A_459, %lt3A_468 : vector<16xi32>
    %and3A_470 = arith.andi %ge3A_465, %lt3A_469 : vector<16xi1>
    %ge3A_471 = vector.broadcast %mul3A_34 : i32 to vector<16xi32>
    %ge3A_472 = arith.cmpi sge, %get3A_461, %ge3A_471 : vector<16xi32>
    %and3A_473 = arith.andi %and3A_470, %ge3A_472 : vector<16xi1>
    %add3A_474 = arith.constant 3840 : i32
    %add3A_475 = arith.addi %mul3A_34, %add3A_474 : i32
    %lt3A_476 = vector.broadcast %add3A_475 : i32 to vector<16xi32>
    %lt3A_477 = arith.cmpi slt, %get3A_461, %lt3A_476 : vector<16xi32>
    %and3A_478 = arith.andi %and3A_473, %lt3A_477 : vector<16xi1>
    %sub3A_479 = vector.broadcast %mul3A_32 : i32 to vector<16xi32>
    %sub3A_480 = arith.subi %get3A_459, %sub3A_479 : vector<16xi32>
    %sub3A_481 = vector.broadcast %mul3A_34 : i32 to vector<16xi32>
    %sub3A_482 = arith.subi %get3A_461, %sub3A_481 : vector<16xi32>
    tpu.vector_store_idx %arg7[%sub3A_480, %sub3A_482], %get3A_463 masked %and3A_478 : memref<8x3840xf32, #tpu.memory_space<vmem>>[vector<16xi32>, vector<16xi32>], vector<16xf32>, vector<16xi1>
    %get3A_483 = arith.constant 288 : index
    %get3A_484 = tpu.vector_load %arg8[%get3A_483] {strides = array<i32>} : memref<1024xi32, #tpu.memory_space<vmem>>, vector<16xi32>,
    %get3A_485 = arith.constant 288 : index
    %get3A_486 = tpu.vector_load %arg9[%get3A_485] {strides = array<i32>} : memref<1024xi32, #tpu.memory_space<vmem>>, vector<16xi32>,
    %get3A_487 = arith.constant 288 : index
    %get3A_488 = tpu.vector_load %arg10[%get3A_487] {strides = array<i32>} : memref<1024xf32, #tpu.memory_space<vmem>>, vector<16xf32>,
    %ge3A_489 = vector.broadcast %mul3A_32 : i32 to vector<16xi32>
    %ge3A_490 = arith.cmpi sge, %get3A_484, %ge3A_489 : vector<16xi32>
    %add3A_491 = arith.constant 8 : i32
    %add3A_492 = arith.addi %mul3A_32, %add3A_491 : i32
    %lt3A_493 = vector.broadcast %add3A_492 : i32 to vector<16xi32>
    %lt3A_494 = arith.cmpi slt, %get3A_484, %lt3A_493 : vector<16xi32>
    %and3A_495 = arith.andi %ge3A_490, %lt3A_494 : vector<16xi1>
    %ge3A_496 = vector.broadcast %mul3A_34 : i32 to vector<16xi32>
    %ge3A_497 = arith.cmpi sge, %get3A_486, %ge3A_496 : vector<16xi32>
    %and3A_498 = arith.andi %and3A_495, %ge3A_497 : vector<16xi1>
    %add3A_499 = arith.constant 3840 : i32
    %add3A_500 = arith.addi %mul3A_34, %add3A_499 : i32
    %lt3A_501 = vector.broadcast %add3A_500 : i32 to vector<16xi32>
    %lt3A_502 = arith.cmpi slt, %get3A_486, %lt3A_501 : vector<16xi32>
    %and3A_503 = arith.andi %and3A_498, %lt3A_502 : vector<16xi1>
    %sub3A_504 = vector.broadcast %mul3A_32 : i32 to vector<16xi32>
    %sub3A_505 = arith.subi %get3A_484, %sub3A_504 : vector<16xi32>
    %sub3A_506 = vector.broadcast %mul3A_34 : i32 to vector<16xi32>
    %sub3A_507 = arith.subi %get3A_486, %sub3A_506 : vector<16xi32>
    tpu.vector_store_idx %arg7[%sub3A_505, %sub3A_507], %get3A_488 masked %and3A_503 : memref<8x3840xf32, #tpu.memory_space<vmem>>[vector<16xi32>, vector<16xi32>], vector<16xf32>, vector<16xi1>
    %get3A_508 = arith.constant 304 : index
    %get3A_509 = tpu.vector_load %arg8[%get3A_508] {strides = array<i32>} : memref<1024xi32, #tpu.memory_space<vmem>>, vector<16xi32>,
    %get3A_510 = arith.constant 304 : index
    %get3A_511 = tpu.vector_load %arg9[%get3A_510] {strides = array<i32>} : memref<1024xi32, #tpu.memory_space<vmem>>, vector<16xi32>,
    %get3A_512 = arith.constant 304 : index
    %get3A_513 = tpu.vector_load %arg10[%get3A_512] {strides = array<i32>} : memref<1024xf32, #tpu.memory_space<vmem>>, vector<16xf32>,
    %ge3A_514 = vector.broadcast %mul3A_32 : i32 to vector<16xi32>
    %ge3A_515 = arith.cmpi sge, %get3A_509, %ge3A_514 : vector<16xi32>
    %add3A_516 = arith.constant 8 : i32
    %add3A_517 = arith.addi %mul3A_32, %add3A_516 : i32
    %lt3A_518 = vector.broadcast %add3A_517 : i32 to vector<16xi32>
    %lt3A_519 = arith.cmpi slt, %get3A_509, %lt3A_518 : vector<16xi32>
    %and3A_520 = arith.andi %ge3A_515, %lt3A_519 : vector<16xi1>
    %ge3A_521 = vector.broadcast %mul3A_34 : i32 to vector<16xi32>
    %ge3A_522 = arith.cmpi sge, %get3A_511, %ge3A_521 : vector<16xi32>
    %and3A_523 = arith.andi %and3A_520, %ge3A_522 : vector<16xi1>
    %add3A_524 = arith.constant 3840 : i32
    %add3A_525 = arith.addi %mul3A_34, %add3A_524 : i32
    %lt3A_526 = vector.broadcast %add3A_525 : i32 to vector<16xi32>
    %lt3A_527 = arith.cmpi slt, %get3A_511, %lt3A_526 : vector<16xi32>
    %and3A_528 = arith.andi %and3A_523, %lt3A_527 : vector<16xi1>
    %sub3A_529 = vector.broadcast %mul3A_32 : i32 to vector<16xi32>
    %sub3A_530 = arith.subi %get3A_509, %sub3A_529 : vector<16xi32>
    %sub3A_531 = vector.broadcast %mul3A_34 : i32 to vector<16xi32>
    %sub3A_532 = arith.subi %get3A_511, %sub3A_531 : vector<16xi32>
    tpu.vector_store_idx %arg7[%sub3A_530, %sub3A_532], %get3A_513 masked %and3A_528 : memref<8x3840xf32, #tpu.memory_space<vmem>>[vector<16xi32>, vector<16xi32>], vector<16xf32>, vector<16xi1>
    %get3A_533 = arith.constant 320 : index
    %get3A_534 = tpu.vector_load %arg8[%get3A_533] {strides = array<i32>} : memref<1024xi32, #tpu.memory_space<vmem>>, vector<16xi32>,
    %get3A_535 = arith.constant 320 : index
    %get3A_536 = tpu.vector_load %arg9[%get3A_535] {strides = array<i32>} : memref<1024xi32, #tpu.memory_space<vmem>>, vector<16xi32>,
    %get3A_537 = arith.constant 320 : index
    %get3A_538 = tpu.vector_load %arg10[%get3A_537] {strides = array<i32>} : memref<1024xf32, #tpu.memory_space<vmem>>, vector<16xf32>,
    %ge3A_539 = vector.broadcast %mul3A_32 : i32 to vector<16xi32>
    %ge3A_540 = arith.cmpi sge, %get3A_534, %ge3A_539 : vector<16xi32>
    %add3A_541 = arith.constant 8 : i32
    %add3A_542 = arith.addi %mul3A_32, %add3A_541 : i32
    %lt3A_543 = vector.broadcast %add3A_542 : i32 to vector<16xi32>
    %lt3A_544 = arith.cmpi slt, %get3A_534, %lt3A_543 : vector<16xi32>
    %and3A_545 = arith.andi %ge3A_540, %lt3A_544 : vector<16xi1>
    %ge3A_546 = vector.broadcast %mul3A_34 : i32 to vector<16xi32>
    %ge3A_547 = arith.cmpi sge, %get3A_536, %ge3A_546 : vector<16xi32>
    %and3A_548 = arith.andi %and3A_545, %ge3A_547 : vector<16xi1>
    %add3A_549 = arith.constant 3840 : i32
    %add3A_550 = arith.addi %mul3A_34, %add3A_549 : i32
    %lt3A_551 = vector.broadcast %add3A_550 : i32 to vector<16xi32>
    %lt3A_552 = arith.cmpi slt, %get3A_536, %lt3A_551 : vector<16xi32>
    %and3A_553 = arith.andi %and3A_548, %lt3A_552 : vector<16xi1>
    %sub3A_554 = vector.broadcast %mul3A_32 : i32 to vector<16xi32>
    %sub3A_555 = arith.subi %get3A_534, %sub3A_554 : vector<16xi32>
    %sub3A_556 = vector.broadcast %mul3A_34 : i32 to vector<16xi32>
    %sub3A_557 = arith.subi %get3A_536, %sub3A_556 : vector<16xi32>
    tpu.vector_store_idx %arg7[%sub3A_555, %sub3A_557], %get3A_538 masked %and3A_553 : memref<8x3840xf32, #tpu.memory_space<vmem>>[vector<16xi32>, vector<16xi32>], vector<16xf32>, vector<16xi1>
    %get3A_558 = arith.constant 336 : index
    %get3A_559 = tpu.vector_load %arg8[%get3A_558] {strides = array<i32>} : memref<1024xi32, #tpu.memory_space<vmem>>, vector<16xi32>,
    %get3A_560 = arith.constant 336 : index
    %get3A_561 = tpu.vector_load %arg9[%get3A_560] {strides = array<i32>} : memref<1024xi32, #tpu.memory_space<vmem>>, vector<16xi32>,
    %get3A_562 = arith.constant 336 : index
    %get3A_563 = tpu.vector_load %arg10[%get3A_562] {strides = array<i32>} : memref<1024xf32, #tpu.memory_space<vmem>>, vector<16xf32>,
    %ge3A_564 = vector.broadcast %mul3A_32 : i32 to vector<16xi32>
    %ge3A_565 = arith.cmpi sge, %get3A_559, %ge3A_564 : vector<16xi32>
    %add3A_566 = arith.constant 8 : i32
    %add3A_567 = arith.addi %mul3A_32, %add3A_566 : i32
    %lt3A_568 = vector.broadcast %add3A_567 : i32 to vector<16xi32>
    %lt3A_569 = arith.cmpi slt, %get3A_559, %lt3A_568 : vector<16xi32>
    %and3A_570 = arith.andi %ge3A_565, %lt3A_569 : vector<16xi1>
    %ge3A_571 = vector.broadcast %mul3A_34 : i32 to vector<16xi32>
    %ge3A_572 = arith.cmpi sge, %get3A_561, %ge3A_571 : vector<16xi32>
    %and3A_573 = arith.andi %and3A_570, %ge3A_572 : vector<16xi1>
    %add3A_574 = arith.constant 3840 : i32
    %add3A_575 = arith.addi %mul3A_34, %add3A_574 : i32
    %lt3A_576 = vector.broadcast %add3A_575 : i32 to vector<16xi32>
    %lt3A_577 = arith.cmpi slt, %get3A_561, %lt3A_576 : vector<16xi32>
    %and3A_578 = arith.andi %and3A_573, %lt3A_577 : vector<16xi1>
    %sub3A_579 = vector.broadcast %mul3A_32 : i32 to vector<16xi32>
    %sub3A_580 = arith.subi %get3A_559, %sub3A_579 : vector<16xi32>
    %sub3A_581 = vector.broadcast %mul3A_34 : i32 to vector<16xi32>
    %sub3A_582 = arith.subi %get3A_561, %sub3A_581 : vector<16xi32>
    tpu.vector_store_idx %arg7[%sub3A_580, %sub3A_582], %get3A_563 masked %and3A_578 : memref<8x3840xf32, #tpu.memory_space<vmem>>[vector<16xi32>, vector<16xi32>], vector<16xf32>, vector<16xi1>
    %get3A_583 = arith.constant 352 : index
    %get3A_584 = tpu.vector_load %arg8[%get3A_583] {strides = array<i32>} : memref<1024xi32, #tpu.memory_space<vmem>>, vector<16xi32>,
    %get3A_585 = arith.constant 352 : index
    %get3A_586 = tpu.vector_load %arg9[%get3A_585] {strides = array<i32>} : memref<1024xi32, #tpu.memory_space<vmem>>, vector<16xi32>,
    %get3A_587 = arith.constant 352 : index
    %get3A_588 = tpu.vector_load %arg10[%get3A_587] {strides = array<i32>} : memref<1024xf32, #tpu.memory_space<vmem>>, vector<16xf32>,
    %ge3A_589 = vector.broadcast %mul3A_32 : i32 to vector<16xi32>
    %ge3A_590 = arith.cmpi sge, %get3A_584, %ge3A_589 : vector<16xi32>
    %add3A_591 = arith.constant 8 : i32
    %add3A_592 = arith.addi %mul3A_32, %add3A_591 : i32
    %lt3A_593 = vector.broadcast %add3A_592 : i32 to vector<16xi32>
    %lt3A_594 = arith.cmpi slt, %get3A_584, %lt3A_593 : vector<16xi32>
    %and3A_595 = arith.andi %ge3A_590, %lt3A_594 : vector<16xi1>
    %ge3A_596 = vector.broadcast %mul3A_34 : i32 to vector<16xi32>
    %ge3A_597 = arith.cmpi sge, %get3A_586, %ge3A_596 : vector<16xi32>
    %and3A_598 = arith.andi %and3A_595, %ge3A_597 : vector<16xi1>
    %add3A_599 = arith.constant 3840 : i32
    %add3A_600 = arith.addi %mul3A_34, %add3A_599 : i32
    %lt3A_601 = vector.broadcast %add3A_600 : i32 to vector<16xi32>
    %lt3A_602 = arith.cmpi slt, %get3A_586, %lt3A_601 : vector<16xi32>
    %and3A_603 = arith.andi %and3A_598, %lt3A_602 : vector<16xi1>
    %sub3A_604 = vector.broadcast %mul3A_32 : i32 to vector<16xi32>
    %sub3A_605 = arith.subi %get3A_584, %sub3A_604 : vector<16xi32>
    %sub3A_606 = vector.broadcast %mul3A_34 : i32 to vector<16xi32>
    %sub3A_607 = arith.subi %get3A_586, %sub3A_606 : vector<16xi32>
    tpu.vector_store_idx %arg7[%sub3A_605, %sub3A_607], %get3A_588 masked %and3A_603 : memref<8x3840xf32, #tpu.memory_space<vmem>>[vector<16xi32>, vector<16xi32>], vector<16xf32>, vector<16xi1>
    %get3A_608 = arith.constant 368 : index
    %get3A_609 = tpu.vector_load %arg8[%get3A_608] {strides = array<i32>} : memref<1024xi32, #tpu.memory_space<vmem>>, vector<16xi32>,
    %get3A_610 = arith.constant 368 : index
    %get3A_611 = tpu.vector_load %arg9[%get3A_610] {strides = array<i32>} : memref<1024xi32, #tpu.memory_space<vmem>>, vector<16xi32>,
    %get3A_612 = arith.constant 368 : index
    %get3A_613 = tpu.vector_load %arg10[%get3A_612] {strides = array<i32>} : memref<1024xf32, #tpu.memory_space<vmem>>, vector<16xf32>,
    %ge3A_614 = vector.broadcast %mul3A_32 : i32 to vector<16xi32>
    %ge3A_615 = arith.cmpi sge, %get3A_609, %ge3A_614 : vector<16xi32>
    %add3A_616 = arith.constant 8 : i32
    %add3A_617 = arith.addi %mul3A_32, %add3A_616 : i32
    %lt3A_618 = vector.broadcast %add3A_617 : i32 to vector<16xi32>
    %lt3A_619 = arith.cmpi slt, %get3A_609, %lt3A_618 : vector<16xi32>
    %and3A_620 = arith.andi %ge3A_615, %lt3A_619 : vector<16xi1>
    %ge3A_621 = vector.broadcast %mul3A_34 : i32 to vector<16xi32>
    %ge3A_622 = arith.cmpi sge, %get3A_611, %ge3A_621 : vector<16xi32>
    %and3A_623 = arith.andi %and3A_620, %ge3A_622 : vector<16xi1>
    %add3A_624 = arith.constant 3840 : i32
    %add3A_625 = arith.addi %mul3A_34, %add3A_624 : i32
    %lt3A_626 = vector.broadcast %add3A_625 : i32 to vector<16xi32>
    %lt3A_627 = arith.cmpi slt, %get3A_611, %lt3A_626 : vector<16xi32>
    %and3A_628 = arith.andi %and3A_623, %lt3A_627 : vector<16xi1>
    %sub3A_629 = vector.broadcast %mul3A_32 : i32 to vector<16xi32>
    %sub3A_630 = arith.subi %get3A_609, %sub3A_629 : vector<16xi32>
    %sub3A_631 = vector.broadcast %mul3A_34 : i32 to vector<16xi32>
    %sub3A_632 = arith.subi %get3A_611, %sub3A_631 : vector<16xi32>
    tpu.vector_store_idx %arg7[%sub3A_630, %sub3A_632], %get3A_613 masked %and3A_628 : memref<8x3840xf32, #tpu.memory_space<vmem>>[vector<16xi32>, vector<16xi32>], vector<16xf32>, vector<16xi1>
    %get3A_633 = arith.constant 384 : index
    %get3A_634 = tpu.vector_load %arg8[%get3A_633] {strides = array<i32>} : memref<1024xi32, #tpu.memory_space<vmem>>, vector<16xi32>,
    %get3A_635 = arith.constant 384 : index
    %get3A_636 = tpu.vector_load %arg9[%get3A_635] {strides = array<i32>} : memref<1024xi32, #tpu.memory_space<vmem>>, vector<16xi32>,
    %get3A_637 = arith.constant 384 : index
    %get3A_638 = tpu.vector_load %arg10[%get3A_637] {strides = array<i32>} : memref<1024xf32, #tpu.memory_space<vmem>>, vector<16xf32>,
    %ge3A_639 = vector.broadcast %mul3A_32 : i32 to vector<16xi32>
    %ge3A_640 = arith.cmpi sge, %get3A_634, %ge3A_639 : vector<16xi32>
    %add3A_641 = arith.constant 8 : i32
    %add3A_642 = arith.addi %mul3A_32, %add3A_641 : i32
    %lt3A_643 = vector.broadcast %add3A_642 : i32 to vector<16xi32>
    %lt3A_644 = arith.cmpi slt, %get3A_634, %lt3A_643 : vector<16xi32>
    %and3A_645 = arith.andi %ge3A_640, %lt3A_644 : vector<16xi1>
    %ge3A_646 = vector.broadcast %mul3A_34 : i32 to vector<16xi32>
    %ge3A_647 = arith.cmpi sge, %get3A_636, %ge3A_646 : vector<16xi32>
    %and3A_648 = arith.andi %and3A_645, %ge3A_647 : vector<16xi1>
    %add3A_649 = arith.constant 3840 : i32
    %add3A_650 = arith.addi %mul3A_34, %add3A_649 : i32
    %lt3A_651 = vector.broadcast %add3A_650 : i32 to vector<16xi32>
    %lt3A_652 = arith.cmpi slt, %get3A_636, %lt3A_651 : vector<16xi32>
    %and3A_653 = arith.andi %and3A_648, %lt3A_652 : vector<16xi1>
    %sub3A_654 = vector.broadcast %mul3A_32 : i32 to vector<16xi32>
    %sub3A_655 = arith.subi %get3A_634, %sub3A_654 : vector<16xi32>
    %sub3A_656 = vector.broadcast %mul3A_34 : i32 to vector<16xi32>
    %sub3A_657 = arith.subi %get3A_636, %sub3A_656 : vector<16xi32>
    tpu.vector_store_idx %arg7[%sub3A_655, %sub3A_657], %get3A_638 masked %and3A_653 : memref<8x3840xf32, #tpu.memory_space<vmem>>[vector<16xi32>, vector<16xi32>], vector<16xf32>, vector<16xi1>
    %get3A_658 = arith.constant 400 : index
    %get3A_659 = tpu.vector_load %arg8[%get3A_658] {strides = array<i32>} : memref<1024xi32, #tpu.memory_space<vmem>>, vector<16xi32>,
    %get3A_660 = arith.constant 400 : index
    %get3A_661 = tpu.vector_load %arg9[%get3A_660] {strides = array<i32>} : memref<1024xi32, #tpu.memory_space<vmem>>, vector<16xi32>,
    %get3A_662 = arith.constant 400 : index
    %get3A_663 = tpu.vector_load %arg10[%get3A_662] {strides = array<i32>} : memref<1024xf32, #tpu.memory_space<vmem>>, vector<16xf32>,
    %ge3A_664 = vector.broadcast %mul3A_32 : i32 to vector<16xi32>
    %ge3A_665 = arith.cmpi sge, %get3A_659, %ge3A_664 : vector<16xi32>
    %add3A_666 = arith.constant 8 : i32
    %add3A_667 = arith.addi %mul3A_32, %add3A_666 : i32
    %lt3A_668 = vector.broadcast %add3A_667 : i32 to vector<16xi32>
    %lt3A_669 = arith.cmpi slt, %get3A_659, %lt3A_668 : vector<16xi32>
    %and3A_670 = arith.andi %ge3A_665, %lt3A_669 : vector<16xi1>
    %ge3A_671 = vector.broadcast %mul3A_34 : i32 to vector<16xi32>
    %ge3A_672 = arith.cmpi sge, %get3A_661, %ge3A_671 : vector<16xi32>
    %and3A_673 = arith.andi %and3A_670, %ge3A_672 : vector<16xi1>
    %add3A_674 = arith.constant 3840 : i32
    %add3A_675 = arith.addi %mul3A_34, %add3A_674 : i32
    %lt3A_676 = vector.broadcast %add3A_675 : i32 to vector<16xi32>
    %lt3A_677 = arith.cmpi slt, %get3A_661, %lt3A_676 : vector<16xi32>
    %and3A_678 = arith.andi %and3A_673, %lt3A_677 : vector<16xi1>
    %sub3A_679 = vector.broadcast %mul3A_32 : i32 to vector<16xi32>
    %sub3A_680 = arith.subi %get3A_659, %sub3A_679 : vector<16xi32>
    %sub3A_681 = vector.broadcast %mul3A_34 : i32 to vector<16xi32>
    %sub3A_682 = arith.subi %get3A_661, %sub3A_681 : vector<16xi32>
    tpu.vector_store_idx %arg7[%sub3A_680, %sub3A_682], %get3A_663 masked %and3A_678 : memref<8x3840xf32, #tpu.memory_space<vmem>>[vector<16xi32>, vector<16xi32>], vector<16xf32>, vector<16xi1>
    %get3A_683 = arith.constant 416 : index
    %get3A_684 = tpu.vector_load %arg8[%get3A_683] {strides = array<i32>} : memref<1024xi32, #tpu.memory_space<vmem>>, vector<16xi32>,
    %get3A_685 = arith.constant 416 : index
    %get3A_686 = tpu.vector_load %arg9[%get3A_685] {strides = array<i32>} : memref<1024xi32, #tpu.memory_space<vmem>>, vector<16xi32>,
    %get3A_687 = arith.constant 416 : index
    %get3A_688 = tpu.vector_load %arg10[%get3A_687] {strides = array<i32>} : memref<1024xf32, #tpu.memory_space<vmem>>, vector<16xf32>,
    %ge3A_689 = vector.broadcast %mul3A_32 : i32 to vector<16xi32>
    %ge3A_690 = arith.cmpi sge, %get3A_684, %ge3A_689 : vector<16xi32>
    %add3A_691 = arith.constant 8 : i32
    %add3A_692 = arith.addi %mul3A_32, %add3A_691 : i32
    %lt3A_693 = vector.broadcast %add3A_692 : i32 to vector<16xi32>
    %lt3A_694 = arith.cmpi slt, %get3A_684, %lt3A_693 : vector<16xi32>
    %and3A_695 = arith.andi %ge3A_690, %lt3A_694 : vector<16xi1>
    %ge3A_696 = vector.broadcast %mul3A_34 : i32 to vector<16xi32>
    %ge3A_697 = arith.cmpi sge, %get3A_686, %ge3A_696 : vector<16xi32>
    %and3A_698 = arith.andi %and3A_695, %ge3A_697 : vector<16xi1>
    %add3A_699 = arith.constant 3840 : i32
    %add3A_700 = arith.addi %mul3A_34, %add3A_699 : i32
    %lt3A_701 = vector.broadcast %add3A_700 : i32 to vector<16xi32>
    %lt3A_702 = arith.cmpi slt, %get3A_686, %lt3A_701 : vector<16xi32>
    %and3A_703 = arith.andi %and3A_698, %lt3A_702 : vector<16xi1>
    %sub3A_704 = vector.broadcast %mul3A_32 : i32 to vector<16xi32>
    %sub3A_705 = arith.subi %get3A_684, %sub3A_704 : vector<16xi32>
    %sub3A_706 = vector.broadcast %mul3A_34 : i32 to vector<16xi32>
    %sub3A_707 = arith.subi %get3A_686, %sub3A_706 : vector<16xi32>
    tpu.vector_store_idx %arg7[%sub3A_705, %sub3A_707], %get3A_688 masked %and3A_703 : memref<8x3840xf32, #tpu.memory_space<vmem>>[vector<16xi32>, vector<16xi32>], vector<16xf32>, vector<16xi1>
    %get3A_708 = arith.constant 432 : index
    %get3A_709 = tpu.vector_load %arg8[%get3A_708] {strides = array<i32>} : memref<1024xi32, #tpu.memory_space<vmem>>, vector<16xi32>,
    %get3A_710 = arith.constant 432 : index
    %get3A_711 = tpu.vector_load %arg9[%get3A_710] {strides = array<i32>} : memref<1024xi32, #tpu.memory_space<vmem>>, vector<16xi32>,
    %get3A_712 = arith.constant 432 : index
    %get3A_713 = tpu.vector_load %arg10[%get3A_712] {strides = array<i32>} : memref<1024xf32, #tpu.memory_space<vmem>>, vector<16xf32>,
    %ge3A_714 = vector.broadcast %mul3A_32 : i32 to vector<16xi32>
    %ge3A_715 = arith.cmpi sge, %get3A_709, %ge3A_714 : vector<16xi32>
    %add3A_716 = arith.constant 8 : i32
    %add3A_717 = arith.addi %mul3A_32, %add3A_716 : i32
    %lt3A_718 = vector.broadcast %add3A_717 : i32 to vector<16xi32>
    %lt3A_719 = arith.cmpi slt, %get3A_709, %lt3A_718 : vector<16xi32>
    %and3A_720 = arith.andi %ge3A_715, %lt3A_719 : vector<16xi1>
    %ge3A_721 = vector.broadcast %mul3A_34 : i32 to vector<16xi32>
    %ge3A_722 = arith.cmpi sge, %get3A_711, %ge3A_721 : vector<16xi32>
    %and3A_723 = arith.andi %and3A_720, %ge3A_722 : vector<16xi1>
    %add3A_724 = arith.constant 3840 : i32
    %add3A_725 = arith.addi %mul3A_34, %add3A_724 : i32
    %lt3A_726 = vector.broadcast %add3A_725 : i32 to vector<16xi32>
    %lt3A_727 = arith.cmpi slt, %get3A_711, %lt3A_726 : vector<16xi32>
    %and3A_728 = arith.andi %and3A_723, %lt3A_727 : vector<16xi1>
    %sub3A_729 = vector.broadcast %mul3A_32 : i32 to vector<16xi32>
    %sub3A_730 = arith.subi %get3A_709, %sub3A_729 : vector<16xi32>
    %sub3A_731 = vector.broadcast %mul3A_34 : i32 to vector<16xi32>
    %sub3A_732 = arith.subi %get3A_711, %sub3A_731 : vector<16xi32>
    tpu.vector_store_idx %arg7[%sub3A_730, %sub3A_732], %get3A_713 masked %and3A_728 : memref<8x3840xf32, #tpu.memory_space<vmem>>[vector<16xi32>, vector<16xi32>], vector<16xf32>, vector<16xi1>
    %get3A_733 = arith.constant 448 : index
    %get3A_734 = tpu.vector_load %arg8[%get3A_733] {strides = array<i32>} : memref<1024xi32, #tpu.memory_space<vmem>>, vector<16xi32>,
    %get3A_735 = arith.constant 448 : index
    %get3A_736 = tpu.vector_load %arg9[%get3A_735] {strides = array<i32>} : memref<1024xi32, #tpu.memory_space<vmem>>, vector<16xi32>,
    %get3A_737 = arith.constant 448 : index
    %get3A_738 = tpu.vector_load %arg10[%get3A_737] {strides = array<i32>} : memref<1024xf32, #tpu.memory_space<vmem>>, vector<16xf32>,
    %ge3A_739 = vector.broadcast %mul3A_32 : i32 to vector<16xi32>
    %ge3A_740 = arith.cmpi sge, %get3A_734, %ge3A_739 : vector<16xi32>
    %add3A_741 = arith.constant 8 : i32
    %add3A_742 = arith.addi %mul3A_32, %add3A_741 : i32
    %lt3A_743 = vector.broadcast %add3A_742 : i32 to vector<16xi32>
    %lt3A_744 = arith.cmpi slt, %get3A_734, %lt3A_743 : vector<16xi32>
    %and3A_745 = arith.andi %ge3A_740, %lt3A_744 : vector<16xi1>
    %ge3A_746 = vector.broadcast %mul3A_34 : i32 to vector<16xi32>
    %ge3A_747 = arith.cmpi sge, %get3A_736, %ge3A_746 : vector<16xi32>
    %and3A_748 = arith.andi %and3A_745, %ge3A_747 : vector<16xi1>
    %add3A_749 = arith.constant 3840 : i32
    %add3A_750 = arith.addi %mul3A_34, %add3A_749 : i32
    %lt3A_751 = vector.broadcast %add3A_750 : i32 to vector<16xi32>
    %lt3A_752 = arith.cmpi slt, %get3A_736, %lt3A_751 : vector<16xi32>
    %and3A_753 = arith.andi %and3A_748, %lt3A_752 : vector<16xi1>
    %sub3A_754 = vector.broadcast %mul3A_32 : i32 to vector<16xi32>
    %sub3A_755 = arith.subi %get3A_734, %sub3A_754 : vector<16xi32>
    %sub3A_756 = vector.broadcast %mul3A_34 : i32 to vector<16xi32>
    %sub3A_757 = arith.subi %get3A_736, %sub3A_756 : vector<16xi32>
    tpu.vector_store_idx %arg7[%sub3A_755, %sub3A_757], %get3A_738 masked %and3A_753 : memref<8x3840xf32, #tpu.memory_space<vmem>>[vector<16xi32>, vector<16xi32>], vector<16xf32>, vector<16xi1>
    %get3A_758 = arith.constant 464 : index
    %get3A_759 = tpu.vector_load %arg8[%get3A_758] {strides = array<i32>} : memref<1024xi32, #tpu.memory_space<vmem>>, vector<16xi32>,
    %get3A_760 = arith.constant 464 : index
    %get3A_761 = tpu.vector_load %arg9[%get3A_760] {strides = array<i32>} : memref<1024xi32, #tpu.memory_space<vmem>>, vector<16xi32>,
    %get3A_762 = arith.constant 464 : index
    %get3A_763 = tpu.vector_load %arg10[%get3A_762] {strides = array<i32>} : memref<1024xf32, #tpu.memory_space<vmem>>, vector<16xf32>,
    %ge3A_764 = vector.broadcast %mul3A_32 : i32 to vector<16xi32>
    %ge3A_765 = arith.cmpi sge, %get3A_759, %ge3A_764 : vector<16xi32>
    %add3A_766 = arith.constant 8 : i32
    %add3A_767 = arith.addi %mul3A_32, %add3A_766 : i32
    %lt3A_768 = vector.broadcast %add3A_767 : i32 to vector<16xi32>
    %lt3A_769 = arith.cmpi slt, %get3A_759, %lt3A_768 : vector<16xi32>
    %and3A_770 = arith.andi %ge3A_765, %lt3A_769 : vector<16xi1>
    %ge3A_771 = vector.broadcast %mul3A_34 : i32 to vector<16xi32>
    %ge3A_772 = arith.cmpi sge, %get3A_761, %ge3A_771 : vector<16xi32>
    %and3A_773 = arith.andi %and3A_770, %ge3A_772 : vector<16xi1>
    %add3A_774 = arith.constant 3840 : i32
    %add3A_775 = arith.addi %mul3A_34, %add3A_774 : i32
    %lt3A_776 = vector.broadcast %add3A_775 : i32 to vector<16xi32>
    %lt3A_777 = arith.cmpi slt, %get3A_761, %lt3A_776 : vector<16xi32>
    %and3A_778 = arith.andi %and3A_773, %lt3A_777 : vector<16xi1>
    %sub3A_779 = vector.broadcast %mul3A_32 : i32 to vector<16xi32>
    %sub3A_780 = arith.subi %get3A_759, %sub3A_779 : vector<16xi32>
    %sub3A_781 = vector.broadcast %mul3A_34 : i32 to vector<16xi32>
    %sub3A_782 = arith.subi %get3A_761, %sub3A_781 : vector<16xi32>
    tpu.vector_store_idx %arg7[%sub3A_780, %sub3A_782], %get3A_763 masked %and3A_778 : memref<8x3840xf32, #tpu.memory_space<vmem>>[vector<16xi32>, vector<16xi32>], vector<16xf32>, vector<16xi1>
    %get3A_783 = arith.constant 480 : index
    %get3A_784 = tpu.vector_load %arg8[%get3A_783] {strides = array<i32>} : memref<1024xi32, #tpu.memory_space<vmem>>, vector<16xi32>,
    %get3A_785 = arith.constant 480 : index
    %get3A_786 = tpu.vector_load %arg9[%get3A_785] {strides = array<i32>} : memref<1024xi32, #tpu.memory_space<vmem>>, vector<16xi32>,
    %get3A_787 = arith.constant 480 : index
    %get3A_788 = tpu.vector_load %arg10[%get3A_787] {strides = array<i32>} : memref<1024xf32, #tpu.memory_space<vmem>>, vector<16xf32>,
    %ge3A_789 = vector.broadcast %mul3A_32 : i32 to vector<16xi32>
    %ge3A_790 = arith.cmpi sge, %get3A_784, %ge3A_789 : vector<16xi32>
    %add3A_791 = arith.constant 8 : i32
    %add3A_792 = arith.addi %mul3A_32, %add3A_791 : i32
    %lt3A_793 = vector.broadcast %add3A_792 : i32 to vector<16xi32>
    %lt3A_794 = arith.cmpi slt, %get3A_784, %lt3A_793 : vector<16xi32>
    %and3A_795 = arith.andi %ge3A_790, %lt3A_794 : vector<16xi1>
    %ge3A_796 = vector.broadcast %mul3A_34 : i32 to vector<16xi32>
    %ge3A_797 = arith.cmpi sge, %get3A_786, %ge3A_796 : vector<16xi32>
    %and3A_798 = arith.andi %and3A_795, %ge3A_797 : vector<16xi1>
    %add3A_799 = arith.constant 3840 : i32
    %add3A_800 = arith.addi %mul3A_34, %add3A_799 : i32
    %lt3A_801 = vector.broadcast %add3A_800 : i32 to vector<16xi32>
    %lt3A_802 = arith.cmpi slt, %get3A_786, %lt3A_801 : vector<16xi32>
    %and3A_803 = arith.andi %and3A_798, %lt3A_802 : vector<16xi1>
    %sub3A_804 = vector.broadcast %mul3A_32 : i32 to vector<16xi32>
    %sub3A_805 = arith.subi %get3A_784, %sub3A_804 : vector<16xi32>
    %sub3A_806 = vector.broadcast %mul3A_34 : i32 to vector<16xi32>
    %sub3A_807 = arith.subi %get3A_786, %sub3A_806 : vector<16xi32>
    tpu.vector_store_idx %arg7[%sub3A_805, %sub3A_807], %get3A_788 masked %and3A_803 : memref<8x3840xf32, #tpu.memory_space<vmem>>[vector<16xi32>, vector<16xi32>], vector<16xf32>, vector<16xi1>
    %get3A_808 = arith.constant 496 : index
    %get3A_809 = tpu.vector_load %arg8[%get3A_808] {strides = array<i32>} : memref<1024xi32, #tpu.memory_space<vmem>>, vector<16xi32>,
    %get3A_810 = arith.constant 496 : index
    %get3A_811 = tpu.vector_load %arg9[%get3A_810] {strides = array<i32>} : memref<1024xi32, #tpu.memory_space<vmem>>, vector<16xi32>,
    %get3A_812 = arith.constant 496 : index
    %get3A_813 = tpu.vector_load %arg10[%get3A_812] {strides = array<i32>} : memref<1024xf32, #tpu.memory_space<vmem>>, vector<16xf32>,
    %ge3A_814 = vector.broadcast %mul3A_32 : i32 to vector<16xi32>
    %ge3A_815 = arith.cmpi sge, %get3A_809, %ge3A_814 : vector<16xi32>
    %add3A_816 = arith.constant 8 : i32
    %add3A_817 = arith.addi %mul3A_32, %add3A_816 : i32
    %lt3A_818 = vector.broadcast %add3A_817 : i32 to vector<16xi32>
    %lt3A_819 = arith.cmpi slt, %get3A_809, %lt3A_818 : vector<16xi32>
    %and3A_820 = arith.andi %ge3A_815, %lt3A_819 : vector<16xi1>
    %ge3A_821 = vector.broadcast %mul3A_34 : i32 to vector<16xi32>
    %ge3A_822 = arith.cmpi sge, %get3A_811, %ge3A_821 : vector<16xi32>
    %and3A_823 = arith.andi %and3A_820, %ge3A_822 : vector<16xi1>
    %add3A_824 = arith.constant 3840 : i32
    %add3A_825 = arith.addi %mul3A_34, %add3A_824 : i32
    %lt3A_826 = vector.broadcast %add3A_825 : i32 to vector<16xi32>
    %lt3A_827 = arith.cmpi slt, %get3A_811, %lt3A_826 : vector<16xi32>
    %and3A_828 = arith.andi %and3A_823, %lt3A_827 : vector<16xi1>
    %sub3A_829 = vector.broadcast %mul3A_32 : i32 to vector<16xi32>
    %sub3A_830 = arith.subi %get3A_809, %sub3A_829 : vector<16xi32>
    %sub3A_831 = vector.broadcast %mul3A_34 : i32 to vector<16xi32>
    %sub3A_832 = arith.subi %get3A_811, %sub3A_831 : vector<16xi32>
    tpu.vector_store_idx %arg7[%sub3A_830, %sub3A_832], %get3A_813 masked %and3A_828 : memref<8x3840xf32, #tpu.memory_space<vmem>>[vector<16xi32>, vector<16xi32>], vector<16xf32>, vector<16xi1>
    %get3A_833 = arith.constant 512 : index
    %get3A_834 = tpu.vector_load %arg8[%get3A_833] {strides = array<i32>} : memref<1024xi32, #tpu.memory_space<vmem>>, vector<16xi32>,
    %get3A_835 = arith.constant 512 : index
    %get3A_836 = tpu.vector_load %arg9[%get3A_835] {strides = array<i32>} : memref<1024xi32, #tpu.memory_space<vmem>>, vector<16xi32>,
    %get3A_837 = arith.constant 512 : index
    %get3A_838 = tpu.vector_load %arg10[%get3A_837] {strides = array<i32>} : memref<1024xf32, #tpu.memory_space<vmem>>, vector<16xf32>,
    %ge3A_839 = vector.broadcast %mul3A_32 : i32 to vector<16xi32>
    %ge3A_840 = arith.cmpi sge, %get3A_834, %ge3A_839 : vector<16xi32>
    %add3A_841 = arith.constant 8 : i32
    %add3A_842 = arith.addi %mul3A_32, %add3A_841 : i32
    %lt3A_843 = vector.broadcast %add3A_842 : i32 to vector<16xi32>
    %lt3A_844 = arith.cmpi slt, %get3A_834, %lt3A_843 : vector<16xi32>
    %and3A_845 = arith.andi %ge3A_840, %lt3A_844 : vector<16xi1>
    %ge3A_846 = vector.broadcast %mul3A_34 : i32 to vector<16xi32>
    %ge3A_847 = arith.cmpi sge, %get3A_836, %ge3A_846 : vector<16xi32>
    %and3A_848 = arith.andi %and3A_845, %ge3A_847 : vector<16xi1>
    %add3A_849 = arith.constant 3840 : i32
    %add3A_850 = arith.addi %mul3A_34, %add3A_849 : i32
    %lt3A_851 = vector.broadcast %add3A_850 : i32 to vector<16xi32>
    %lt3A_852 = arith.cmpi slt, %get3A_836, %lt3A_851 : vector<16xi32>
    %and3A_853 = arith.andi %and3A_848, %lt3A_852 : vector<16xi1>
    %sub3A_854 = vector.broadcast %mul3A_32 : i32 to vector<16xi32>
    %sub3A_855 = arith.subi %get3A_834, %sub3A_854 : vector<16xi32>
    %sub3A_856 = vector.broadcast %mul3A_34 : i32 to vector<16xi32>
    %sub3A_857 = arith.subi %get3A_836, %sub3A_856 : vector<16xi32>
    tpu.vector_store_idx %arg7[%sub3A_855, %sub3A_857], %get3A_838 masked %and3A_853 : memref<8x3840xf32, #tpu.memory_space<vmem>>[vector<16xi32>, vector<16xi32>], vector<16xf32>, vector<16xi1>
    %get3A_858 = arith.constant 528 : index
    %get3A_859 = tpu.vector_load %arg8[%get3A_858] {strides = array<i32>} : memref<1024xi32, #tpu.memory_space<vmem>>, vector<16xi32>,
    %get3A_860 = arith.constant 528 : index
    %get3A_861 = tpu.vector_load %arg9[%get3A_860] {strides = array<i32>} : memref<1024xi32, #tpu.memory_space<vmem>>, vector<16xi32>,
    %get3A_862 = arith.constant 528 : index
    %get3A_863 = tpu.vector_load %arg10[%get3A_862] {strides = array<i32>} : memref<1024xf32, #tpu.memory_space<vmem>>, vector<16xf32>,
    %ge3A_864 = vector.broadcast %mul3A_32 : i32 to vector<16xi32>
    %ge3A_865 = arith.cmpi sge, %get3A_859, %ge3A_864 : vector<16xi32>
    %add3A_866 = arith.constant 8 : i32
    %add3A_867 = arith.addi %mul3A_32, %add3A_866 : i32
    %lt3A_868 = vector.broadcast %add3A_867 : i32 to vector<16xi32>
    %lt3A_869 = arith.cmpi slt, %get3A_859, %lt3A_868 : vector<16xi32>
    %and3A_870 = arith.andi %ge3A_865, %lt3A_869 : vector<16xi1>
    %ge3A_871 = vector.broadcast %mul3A_34 : i32 to vector<16xi32>
    %ge3A_872 = arith.cmpi sge, %get3A_861, %ge3A_871 : vector<16xi32>
    %and3A_873 = arith.andi %and3A_870, %ge3A_872 : vector<16xi1>
    %add3A_874 = arith.constant 3840 : i32
    %add3A_875 = arith.addi %mul3A_34, %add3A_874 : i32
    %lt3A_876 = vector.broadcast %add3A_875 : i32 to vector<16xi32>
    %lt3A_877 = arith.cmpi slt, %get3A_861, %lt3A_876 : vector<16xi32>
    %and3A_878 = arith.andi %and3A_873, %lt3A_877 : vector<16xi1>
    %sub3A_879 = vector.broadcast %mul3A_32 : i32 to vector<16xi32>
    %sub3A_880 = arith.subi %get3A_859, %sub3A_879 : vector<16xi32>
    %sub3A_881 = vector.broadcast %mul3A_34 : i32 to vector<16xi32>
    %sub3A_882 = arith.subi %get3A_861, %sub3A_881 : vector<16xi32>
    tpu.vector_store_idx %arg7[%sub3A_880, %sub3A_882], %get3A_863 masked %and3A_878 : memref<8x3840xf32, #tpu.memory_space<vmem>>[vector<16xi32>, vector<16xi32>], vector<16xf32>, vector<16xi1>
    %get3A_883 = arith.constant 544 : index
    %get3A_884 = tpu.vector_load %arg8[%get3A_883] {strides = array<i32>} : memref<1024xi32, #tpu.memory_space<vmem>>, vector<16xi32>,
    %get3A_885 = arith.constant 544 : index
    %get3A_886 = tpu.vector_load %arg9[%get3A_885] {strides = array<i32>} : memref<1024xi32, #tpu.memory_space<vmem>>, vector<16xi32>,
    %get3A_887 = arith.constant 544 : index
    %get3A_888 = tpu.vector_load %arg10[%get3A_887] {strides = array<i32>} : memref<1024xf32, #tpu.memory_space<vmem>>, vector<16xf32>,
    %ge3A_889 = vector.broadcast %mul3A_32 : i32 to vector<16xi32>
    %ge3A_890 = arith.cmpi sge, %get3A_884, %ge3A_889 : vector<16xi32>
    %add3A_891 = arith.constant 8 : i32
    %add3A_892 = arith.addi %mul3A_32, %add3A_891 : i32
    %lt3A_893 = vector.broadcast %add3A_892 : i32 to vector<16xi32>
    %lt3A_894 = arith.cmpi slt, %get3A_884, %lt3A_893 : vector<16xi32>
    %and3A_895 = arith.andi %ge3A_890, %lt3A_894 : vector<16xi1>
    %ge3A_896 = vector.broadcast %mul3A_34 : i32 to vector<16xi32>
    %ge3A_897 = arith.cmpi sge, %get3A_886, %ge3A_896 : vector<16xi32>
    %and3A_898 = arith.andi %and3A_895, %ge3A_897 : vector<16xi1>
    %add3A_899 = arith.constant 3840 : i32
    %add3A_900 = arith.addi %mul3A_34, %add3A_899 : i32
    %lt3A_901 = vector.broadcast %add3A_900 : i32 to vector<16xi32>
    %lt3A_902 = arith.cmpi slt, %get3A_886, %lt3A_901 : vector<16xi32>
    %and3A_903 = arith.andi %and3A_898, %lt3A_902 : vector<16xi1>
    %sub3A_904 = vector.broadcast %mul3A_32 : i32 to vector<16xi32>
    %sub3A_905 = arith.subi %get3A_884, %sub3A_904 : vector<16xi32>
    %sub3A_906 = vector.broadcast %mul3A_34 : i32 to vector<16xi32>
    %sub3A_907 = arith.subi %get3A_886, %sub3A_906 : vector<16xi32>
    tpu.vector_store_idx %arg7[%sub3A_905, %sub3A_907], %get3A_888 masked %and3A_903 : memref<8x3840xf32, #tpu.memory_space<vmem>>[vector<16xi32>, vector<16xi32>], vector<16xf32>, vector<16xi1>
    %get3A_908 = arith.constant 560 : index
    %get3A_909 = tpu.vector_load %arg8[%get3A_908] {strides = array<i32>} : memref<1024xi32, #tpu.memory_space<vmem>>, vector<16xi32>,
    %get3A_910 = arith.constant 560 : index
    %get3A_911 = tpu.vector_load %arg9[%get3A_910] {strides = array<i32>} : memref<1024xi32, #tpu.memory_space<vmem>>, vector<16xi32>,
    %get3A_912 = arith.constant 560 : index
    %get3A_913 = tpu.vector_load %arg10[%get3A_912] {strides = array<i32>} : memref<1024xf32, #tpu.memory_space<vmem>>, vector<16xf32>,
    %ge3A_914 = vector.broadcast %mul3A_32 : i32 to vector<16xi32>
    %ge3A_915 = arith.cmpi sge, %get3A_909, %ge3A_914 : vector<16xi32>
    %add3A_916 = arith.constant 8 : i32
    %add3A_917 = arith.addi %mul3A_32, %add3A_916 : i32
    %lt3A_918 = vector.broadcast %add3A_917 : i32 to vector<16xi32>
    %lt3A_919 = arith.cmpi slt, %get3A_909, %lt3A_918 : vector<16xi32>
    %and3A_920 = arith.andi %ge3A_915, %lt3A_919 : vector<16xi1>
    %ge3A_921 = vector.broadcast %mul3A_34 : i32 to vector<16xi32>
    %ge3A_922 = arith.cmpi sge, %get3A_911, %ge3A_921 : vector<16xi32>
    %and3A_923 = arith.andi %and3A_920, %ge3A_922 : vector<16xi1>
    %add3A_924 = arith.constant 3840 : i32
    %add3A_925 = arith.addi %mul3A_34, %add3A_924 : i32
    %lt3A_926 = vector.broadcast %add3A_925 : i32 to vector<16xi32>
    %lt3A_927 = arith.cmpi slt, %get3A_911, %lt3A_926 : vector<16xi32>
    %and3A_928 = arith.andi %and3A_923, %lt3A_927 : vector<16xi1>
    %sub3A_929 = vector.broadcast %mul3A_32 : i32 to vector<16xi32>
    %sub3A_930 = arith.subi %get3A_909, %sub3A_929 : vector<16xi32>
    %sub3A_931 = vector.broadcast %mul3A_34 : i32 to vector<16xi32>
    %sub3A_932 = arith.subi %get3A_911, %sub3A_931 : vector<16xi32>
    tpu.vector_store_idx %arg7[%sub3A_930, %sub3A_932], %get3A_913 masked %and3A_928 : memref<8x3840xf32, #tpu.memory_space<vmem>>[vector<16xi32>, vector<16xi32>], vector<16xf32>, vector<16xi1>
    %get3A_933 = arith.constant 576 : index
    %get3A_934 = tpu.vector_load %arg8[%get3A_933] {strides = array<i32>} : memref<1024xi32, #tpu.memory_space<vmem>>, vector<16xi32>,
    %get3A_935 = arith.constant 576 : index
    %get3A_936 = tpu.vector_load %arg9[%get3A_935] {strides = array<i32>} : memref<1024xi32, #tpu.memory_space<vmem>>, vector<16xi32>,
    %get3A_937 = arith.constant 576 : index
    %get3A_938 = tpu.vector_load %arg10[%get3A_937] {strides = array<i32>} : memref<1024xf32, #tpu.memory_space<vmem>>, vector<16xf32>,
    %ge3A_939 = vector.broadcast %mul3A_32 : i32 to vector<16xi32>
    %ge3A_940 = arith.cmpi sge, %get3A_934, %ge3A_939 : vector<16xi32>
    %add3A_941 = arith.constant 8 : i32
    %add3A_942 = arith.addi %mul3A_32, %add3A_941 : i32
    %lt3A_943 = vector.broadcast %add3A_942 : i32 to vector<16xi32>
    %lt3A_944 = arith.cmpi slt, %get3A_934, %lt3A_943 : vector<16xi32>
    %and3A_945 = arith.andi %ge3A_940, %lt3A_944 : vector<16xi1>
    %ge3A_946 = vector.broadcast %mul3A_34 : i32 to vector<16xi32>
    %ge3A_947 = arith.cmpi sge, %get3A_936, %ge3A_946 : vector<16xi32>
    %and3A_948 = arith.andi %and3A_945, %ge3A_947 : vector<16xi1>
    %add3A_949 = arith.constant 3840 : i32
    %add3A_950 = arith.addi %mul3A_34, %add3A_949 : i32
    %lt3A_951 = vector.broadcast %add3A_950 : i32 to vector<16xi32>
    %lt3A_952 = arith.cmpi slt, %get3A_936, %lt3A_951 : vector<16xi32>
    %and3A_953 = arith.andi %and3A_948, %lt3A_952 : vector<16xi1>
    %sub3A_954 = vector.broadcast %mul3A_32 : i32 to vector<16xi32>
    %sub3A_955 = arith.subi %get3A_934, %sub3A_954 : vector<16xi32>
    %sub3A_956 = vector.broadcast %mul3A_34 : i32 to vector<16xi32>
    %sub3A_957 = arith.subi %get3A_936, %sub3A_956 : vector<16xi32>
    tpu.vector_store_idx %arg7[%sub3A_955, %sub3A_957], %get3A_938 masked %and3A_953 : memref<8x3840xf32, #tpu.memory_space<vmem>>[vector<16xi32>, vector<16xi32>], vector<16xf32>, vector<16xi1>
    %get3A_958 = arith.constant 592 : index
    %get3A_959 = tpu.vector_load %arg8[%get3A_958] {strides = array<i32>} : memref<1024xi32, #tpu.memory_space<vmem>>, vector<16xi32>,
    %get3A_960 = arith.constant 592 : index
    %get3A_961 = tpu.vector_load %arg9[%get3A_960] {strides = array<i32>} : memref<1024xi32, #tpu.memory_space<vmem>>, vector<16xi32>,
    %get3A_962 = arith.constant 592 : index
    %get3A_963 = tpu.vector_load %arg10[%get3A_962] {strides = array<i32>} : memref<1024xf32, #tpu.memory_space<vmem>>, vector<16xf32>,
    %ge3A_964 = vector.broadcast %mul3A_32 : i32 to vector<16xi32>
    %ge3A_965 = arith.cmpi sge, %get3A_959, %ge3A_964 : vector<16xi32>
    %add3A_966 = arith.constant 8 : i32
    %add3A_967 = arith.addi %mul3A_32, %add3A_966 : i32
    %lt3A_968 = vector.broadcast %add3A_967 : i32 to vector<16xi32>
    %lt3A_969 = arith.cmpi slt, %get3A_959, %lt3A_968 : vector<16xi32>
    %and3A_970 = arith.andi %ge3A_965, %lt3A_969 : vector<16xi1>
    %ge3A_971 = vector.broadcast %mul3A_34 : i32 to vector<16xi32>
    %ge3A_972 = arith.cmpi sge, %get3A_961, %ge3A_971 : vector<16xi32>
    %and3A_973 = arith.andi %and3A_970, %ge3A_972 : vector<16xi1>
    %add3A_974 = arith.constant 3840 : i32
    %add3A_975 = arith.addi %mul3A_34, %add3A_974 : i32
    %lt3A_976 = vector.broadcast %add3A_975 : i32 to vector<16xi32>
    %lt3A_977 = arith.cmpi slt, %get3A_961, %lt3A_976 : vector<16xi32>
    %and3A_978 = arith.andi %and3A_973, %lt3A_977 : vector<16xi1>
    %sub3A_979 = vector.broadcast %mul3A_32 : i32 to vector<16xi32>
    %sub3A_980 = arith.subi %get3A_959, %sub3A_979 : vector<16xi32>
    %sub3A_981 = vector.broadcast %mul3A_34 : i32 to vector<16xi32>
    %sub3A_982 = arith.subi %get3A_961, %sub3A_981 : vector<16xi32>
    tpu.vector_store_idx %arg7[%sub3A_980, %sub3A_982], %get3A_963 masked %and3A_978 : memref<8x3840xf32, #tpu.memory_space<vmem>>[vector<16xi32>, vector<16xi32>], vector<16xf32>, vector<16xi1>
    %get3A_983 = arith.constant 608 : index
    %get3A_984 = tpu.vector_load %arg8[%get3A_983] {strides = array<i32>} : memref<1024xi32, #tpu.memory_space<vmem>>, vector<16xi32>,
    %get3A_985 = arith.constant 608 : index
    %get3A_986 = tpu.vector_load %arg9[%get3A_985] {strides = array<i32>} : memref<1024xi32, #tpu.memory_space<vmem>>, vector<16xi32>,
    %get3A_987 = arith.constant 608 : index
    %get3A_988 = tpu.vector_load %arg10[%get3A_987] {strides = array<i32>} : memref<1024xf32, #tpu.memory_space<vmem>>, vector<16xf32>,
    %ge3A_989 = vector.broadcast %mul3A_32 : i32 to vector<16xi32>
    %ge3A_990 = arith.cmpi sge, %get3A_984, %ge3A_989 : vector<16xi32>
    %add3A_991 = arith.constant 8 : i32
    %add3A_992 = arith.addi %mul3A_32, %add3A_991 : i32
    %lt3A_993 = vector.broadcast %add3A_992 : i32 to vector<16xi32>
    %lt3A_994 = arith.cmpi slt, %get3A_984, %lt3A_993 : vector<16xi32>
    %and3A_995 = arith.andi %ge3A_990, %lt3A_994 : vector<16xi1>
    %ge3A_996 = vector.broadcast %mul3A_34 : i32 to vector<16xi32>
    %ge3A_997 = arith.cmpi sge, %get3A_986, %ge3A_996 : vector<16xi32>
    %and3A_998 = arith.andi %and3A_995, %ge3A_997 : vector<16xi1>
    %add3A_999 = arith.constant 3840 : i32
    %add3A_1000 = arith.addi %mul3A_34, %add3A_999 : i32
    %lt3A_1001 = vector.broadcast %add3A_1000 : i32 to vector<16xi32>
    %lt3A_1002 = arith.cmpi slt, %get3A_986, %lt3A_1001 : vector<16xi32>
    %and3A_1003 = arith.andi %and3A_998, %lt3A_1002 : vector<16xi1>
    %sub3A_1004 = vector.broadcast %mul3A_32 : i32 to vector<16xi32>
    %sub3A_1005 = arith.subi %get3A_984, %sub3A_1004 : vector<16xi32>
    %sub3A_1006 = vector.broadcast %mul3A_34 : i32 to vector<16xi32>
    %sub3A_1007 = arith.subi %get3A_986, %sub3A_1006 : vector<16xi32>
    tpu.vector_store_idx %arg7[%sub3A_1005, %sub3A_1007], %get3A_988 masked %and3A_1003 : memref<8x3840xf32, #tpu.memory_space<vmem>>[vector<16xi32>, vector<16xi32>], vector<16xf32>, vector<16xi1>
    %get3A_1008 = arith.constant 624 : index
    %get3A_1009 = tpu.vector_load %arg8[%get3A_1008] {strides = array<i32>} : memref<1024xi32, #tpu.memory_space<vmem>>, vector<16xi32>,
    %get3A_1010 = arith.constant 624 : index
    %get3A_1011 = tpu.vector_load %arg9[%get3A_1010] {strides = array<i32>} : memref<1024xi32, #tpu.memory_space<vmem>>, vector<16xi32>,
    %get3A_1012 = arith.constant 624 : index
    %get3A_1013 = tpu.vector_load %arg10[%get3A_1012] {strides = array<i32>} : memref<1024xf32, #tpu.memory_space<vmem>>, vector<16xf32>,
    %ge3A_1014 = vector.broadcast %mul3A_32 : i32 to vector<16xi32>
    %ge3A_1015 = arith.cmpi sge, %get3A_1009, %ge3A_1014 : vector<16xi32>
    %add3A_1016 = arith.constant 8 : i32
    %add3A_1017 = arith.addi %mul3A_32, %add3A_1016 : i32
    %lt3A_1018 = vector.broadcast %add3A_1017 : i32 to vector<16xi32>
    %lt3A_1019 = arith.cmpi slt, %get3A_1009, %lt3A_1018 : vector<16xi32>
    %and3A_1020 = arith.andi %ge3A_1015, %lt3A_1019 : vector<16xi1>
    %ge3A_1021 = vector.broadcast %mul3A_34 : i32 to vector<16xi32>
    %ge3A_1022 = arith.cmpi sge, %get3A_1011, %ge3A_1021 : vector<16xi32>
    %and3A_1023 = arith.andi %and3A_1020, %ge3A_1022 : vector<16xi1>
    %add3A_1024 = arith.constant 3840 : i32
    %add3A_1025 = arith.addi %mul3A_34, %add3A_1024 : i32
    %lt3A_1026 = vector.broadcast %add3A_1025 : i32 to vector<16xi32>
    %lt3A_1027 = arith.cmpi slt, %get3A_1011, %lt3A_1026 : vector<16xi32>
    %and3A_1028 = arith.andi %and3A_1023, %lt3A_1027 : vector<16xi1>
    %sub3A_1029 = vector.broadcast %mul3A_32 : i32 to vector<16xi32>
    %sub3A_1030 = arith.subi %get3A_1009, %sub3A_1029 : vector<16xi32>
    %sub3A_1031 = vector.broadcast %mul3A_34 : i32 to vector<16xi32>
    %sub3A_1032 = arith.subi %get3A_1011, %sub3A_1031 : vector<16xi32>
    tpu.vector_store_idx %arg7[%sub3A_1030, %sub3A_1032], %get3A_1013 masked %and3A_1028 : memref<8x3840xf32, #tpu.memory_space<vmem>>[vector<16xi32>, vector<16xi32>], vector<16xf32>, vector<16xi1>
    %get3A_1033 = arith.constant 640 : index
    %get3A_1034 = tpu.vector_load %arg8[%get3A_1033] {strides = array<i32>} : memref<1024xi32, #tpu.memory_space<vmem>>, vector<16xi32>,
    %get3A_1035 = arith.constant 640 : index
    %get3A_1036 = tpu.vector_load %arg9[%get3A_1035] {strides = array<i32>} : memref<1024xi32, #tpu.memory_space<vmem>>, vector<16xi32>,
    %get3A_1037 = arith.constant 640 : index
    %get3A_1038 = tpu.vector_load %arg10[%get3A_1037] {strides = array<i32>} : memref<1024xf32, #tpu.memory_space<vmem>>, vector<16xf32>,
    %ge3A_1039 = vector.broadcast %mul3A_32 : i32 to vector<16xi32>
    %ge3A_1040 = arith.cmpi sge, %get3A_1034, %ge3A_1039 : vector<16xi32>
    %add3A_1041 = arith.constant 8 : i32
    %add3A_1042 = arith.addi %mul3A_32, %add3A_1041 : i32
    %lt3A_1043 = vector.broadcast %add3A_1042 : i32 to vector<16xi32>
    %lt3A_1044 = arith.cmpi slt, %get3A_1034, %lt3A_1043 : vector<16xi32>
    %and3A_1045 = arith.andi %ge3A_1040, %lt3A_1044 : vector<16xi1>
    %ge3A_1046 = vector.broadcast %mul3A_34 : i32 to vector<16xi32>
    %ge3A_1047 = arith.cmpi sge, %get3A_1036, %ge3A_1046 : vector<16xi32>
    %and3A_1048 = arith.andi %and3A_1045, %ge3A_1047 : vector<16xi1>
    %add3A_1049 = arith.constant 3840 : i32
    %add3A_1050 = arith.addi %mul3A_34, %add3A_1049 : i32
    %lt3A_1051 = vector.broadcast %add3A_1050 : i32 to vector<16xi32>
    %lt3A_1052 = arith.cmpi slt, %get3A_1036, %lt3A_1051 : vector<16xi32>
    %and3A_1053 = arith.andi %and3A_1048, %lt3A_1052 : vector<16xi1>
    %sub3A_1054 = vector.broadcast %mul3A_32 : i32 to vector<16xi32>
    %sub3A_1055 = arith.subi %get3A_1034, %sub3A_1054 : vector<16xi32>
    %sub3A_1056 = vector.broadcast %mul3A_34 : i32 to vector<16xi32>
    %sub3A_1057 = arith.subi %get3A_1036, %sub3A_1056 : vector<16xi32>
    tpu.vector_store_idx %arg7[%sub3A_1055, %sub3A_1057], %get3A_1038 masked %and3A_1053 : memref<8x3840xf32, #tpu.memory_space<vmem>>[vector<16xi32>, vector<16xi32>], vector<16xf32>, vector<16xi1>
    %get3A_1058 = arith.constant 656 : index
    %get3A_1059 = tpu.vector_load %arg8[%get3A_1058] {strides = array<i32>} : memref<1024xi32, #tpu.memory_space<vmem>>, vector<16xi32>,
    %get3A_1060 = arith.constant 656 : index
    %get3A_1061 = tpu.vector_load %arg9[%get3A_1060] {strides = array<i32>} : memref<1024xi32, #tpu.memory_space<vmem>>, vector<16xi32>,
    %get3A_1062 = arith.constant 656 : index
    %get3A_1063 = tpu.vector_load %arg10[%get3A_1062] {strides = array<i32>} : memref<1024xf32, #tpu.memory_space<vmem>>, vector<16xf32>,
    %ge3A_1064 = vector.broadcast %mul3A_32 : i32 to vector<16xi32>
    %ge3A_1065 = arith.cmpi sge, %get3A_1059, %ge3A_1064 : vector<16xi32>
    %add3A_1066 = arith.constant 8 : i32
    %add3A_1067 = arith.addi %mul3A_32, %add3A_1066 : i32
    %lt3A_1068 = vector.broadcast %add3A_1067 : i32 to vector<16xi32>
    %lt3A_1069 = arith.cmpi slt, %get3A_1059, %lt3A_1068 : vector<16xi32>
    %and3A_1070 = arith.andi %ge3A_1065, %lt3A_1069 : vector<16xi1>
    %ge3A_1071 = vector.broadcast %mul3A_34 : i32 to vector<16xi32>
    %ge3A_1072 = arith.cmpi sge, %get3A_1061, %ge3A_1071 : vector<16xi32>
    %and3A_1073 = arith.andi %and3A_1070, %ge3A_1072 : vector<16xi1>
    %add3A_1074 = arith.constant 3840 : i32
    %add3A_1075 = arith.addi %mul3A_34, %add3A_1074 : i32
    %lt3A_1076 = vector.broadcast %add3A_1075 : i32 to vector<16xi32>
    %lt3A_1077 = arith.cmpi slt, %get3A_1061, %lt3A_1076 : vector<16xi32>
    %and3A_1078 = arith.andi %and3A_1073, %lt3A_1077 : vector<16xi1>
    %sub3A_1079 = vector.broadcast %mul3A_32 : i32 to vector<16xi32>
    %sub3A_1080 = arith.subi %get3A_1059, %sub3A_1079 : vector<16xi32>
    %sub3A_1081 = vector.broadcast %mul3A_34 : i32 to vector<16xi32>
    %sub3A_1082 = arith.subi %get3A_1061, %sub3A_1081 : vector<16xi32>
    tpu.vector_store_idx %arg7[%sub3A_1080, %sub3A_1082], %get3A_1063 masked %and3A_1078 : memref<8x3840xf32, #tpu.memory_space<vmem>>[vector<16xi32>, vector<16xi32>], vector<16xf32>, vector<16xi1>
    %get3A_1083 = arith.constant 672 : index
    %get3A_1084 = tpu.vector_load %arg8[%get3A_1083] {strides = array<i32>} : memref<1024xi32, #tpu.memory_space<vmem>>, vector<16xi32>,
    %get3A_1085 = arith.constant 672 : index
    %get3A_1086 = tpu.vector_load %arg9[%get3A_1085] {strides = array<i32>} : memref<1024xi32, #tpu.memory_space<vmem>>, vector<16xi32>,
    %get3A_1087 = arith.constant 672 : index
    %get3A_1088 = tpu.vector_load %arg10[%get3A_1087] {strides = array<i32>} : memref<1024xf32, #tpu.memory_space<vmem>>, vector<16xf32>,
    %ge3A_1089 = vector.broadcast %mul3A_32 : i32 to vector<16xi32>
    %ge3A_1090 = arith.cmpi sge, %get3A_1084, %ge3A_1089 : vector<16xi32>
    %add3A_1091 = arith.constant 8 : i32
    %add3A_1092 = arith.addi %mul3A_32, %add3A_1091 : i32
    %lt3A_1093 = vector.broadcast %add3A_1092 : i32 to vector<16xi32>
    %lt3A_1094 = arith.cmpi slt, %get3A_1084, %lt3A_1093 : vector<16xi32>
    %and3A_1095 = arith.andi %ge3A_1090, %lt3A_1094 : vector<16xi1>
    %ge3A_1096 = vector.broadcast %mul3A_34 : i32 to vector<16xi32>
    %ge3A_1097 = arith.cmpi sge, %get3A_1086, %ge3A_1096 : vector<16xi32>
    %and3A_1098 = arith.andi %and3A_1095, %ge3A_1097 : vector<16xi1>
    %add3A_1099 = arith.constant 3840 : i32
    %add3A_1100 = arith.addi %mul3A_34, %add3A_1099 : i32
    %lt3A_1101 = vector.broadcast %add3A_1100 : i32 to vector<16xi32>
    %lt3A_1102 = arith.cmpi slt, %get3A_1086, %lt3A_1101 : vector<16xi32>
    %and3A_1103 = arith.andi %and3A_1098, %lt3A_1102 : vector<16xi1>
    %sub3A_1104 = vector.broadcast %mul3A_32 : i32 to vector<16xi32>
    %sub3A_1105 = arith.subi %get3A_1084, %sub3A_1104 : vector<16xi32>
    %sub3A_1106 = vector.broadcast %mul3A_34 : i32 to vector<16xi32>
    %sub3A_1107 = arith.subi %get3A_1086, %sub3A_1106 : vector<16xi32>
    tpu.vector_store_idx %arg7[%sub3A_1105, %sub3A_1107], %get3A_1088 masked %and3A_1103 : memref<8x3840xf32, #tpu.memory_space<vmem>>[vector<16xi32>, vector<16xi32>], vector<16xf32>, vector<16xi1>
    %get3A_1108 = arith.constant 688 : index
    %get3A_1109 = tpu.vector_load %arg8[%get3A_1108] {strides = array<i32>} : memref<1024xi32, #tpu.memory_space<vmem>>, vector<16xi32>,
    %get3A_1110 = arith.constant 688 : index
    %get3A_1111 = tpu.vector_load %arg9[%get3A_1110] {strides = array<i32>} : memref<1024xi32, #tpu.memory_space<vmem>>, vector<16xi32>,
    %get3A_1112 = arith.constant 688 : index
    %get3A_1113 = tpu.vector_load %arg10[%get3A_1112] {strides = array<i32>} : memref<1024xf32, #tpu.memory_space<vmem>>, vector<16xf32>,
    %ge3A_1114 = vector.broadcast %mul3A_32 : i32 to vector<16xi32>
    %ge3A_1115 = arith.cmpi sge, %get3A_1109, %ge3A_1114 : vector<16xi32>
    %add3A_1116 = arith.constant 8 : i32
    %add3A_1117 = arith.addi %mul3A_32, %add3A_1116 : i32
    %lt3A_1118 = vector.broadcast %add3A_1117 : i32 to vector<16xi32>
    %lt3A_1119 = arith.cmpi slt, %get3A_1109, %lt3A_1118 : vector<16xi32>
    %and3A_1120 = arith.andi %ge3A_1115, %lt3A_1119 : vector<16xi1>
    %ge3A_1121 = vector.broadcast %mul3A_34 : i32 to vector<16xi32>
    %ge3A_1122 = arith.cmpi sge, %get3A_1111, %ge3A_1121 : vector<16xi32>
    %and3A_1123 = arith.andi %and3A_1120, %ge3A_1122 : vector<16xi1>
    %add3A_1124 = arith.constant 3840 : i32
    %add3A_1125 = arith.addi %mul3A_34, %add3A_1124 : i32
    %lt3A_1126 = vector.broadcast %add3A_1125 : i32 to vector<16xi32>
    %lt3A_1127 = arith.cmpi slt, %get3A_1111, %lt3A_1126 : vector<16xi32>
    %and3A_1128 = arith.andi %and3A_1123, %lt3A_1127 : vector<16xi1>
    %sub3A_1129 = vector.broadcast %mul3A_32 : i32 to vector<16xi32>
    %sub3A_1130 = arith.subi %get3A_1109, %sub3A_1129 : vector<16xi32>
    %sub3A_1131 = vector.broadcast %mul3A_34 : i32 to vector<16xi32>
    %sub3A_1132 = arith.subi %get3A_1111, %sub3A_1131 : vector<16xi32>
    tpu.vector_store_idx %arg7[%sub3A_1130, %sub3A_1132], %get3A_1113 masked %and3A_1128 : memref<8x3840xf32, #tpu.memory_space<vmem>>[vector<16xi32>, vector<16xi32>], vector<16xf32>, vector<16xi1>
    %get3A_1133 = arith.constant 704 : index
    %get3A_1134 = tpu.vector_load %arg8[%get3A_1133] {strides = array<i32>} : memref<1024xi32, #tpu.memory_space<vmem>>, vector<16xi32>,
    %get3A_1135 = arith.constant 704 : index
    %get3A_1136 = tpu.vector_load %arg9[%get3A_1135] {strides = array<i32>} : memref<1024xi32, #tpu.memory_space<vmem>>, vector<16xi32>,
    %get3A_1137 = arith.constant 704 : index
    %get3A_1138 = tpu.vector_load %arg10[%get3A_1137] {strides = array<i32>} : memref<1024xf32, #tpu.memory_space<vmem>>, vector<16xf32>,
    %ge3A_1139 = vector.broadcast %mul3A_32 : i32 to vector<16xi32>
    %ge3A_1140 = arith.cmpi sge, %get3A_1134, %ge3A_1139 : vector<16xi32>
    %add3A_1141 = arith.constant 8 : i32
    %add3A_1142 = arith.addi %mul3A_32, %add3A_1141 : i32
    %lt3A_1143 = vector.broadcast %add3A_1142 : i32 to vector<16xi32>
    %lt3A_1144 = arith.cmpi slt, %get3A_1134, %lt3A_1143 : vector<16xi32>
    %and3A_1145 = arith.andi %ge3A_1140, %lt3A_1144 : vector<16xi1>
    %ge3A_1146 = vector.broadcast %mul3A_34 : i32 to vector<16xi32>
    %ge3A_1147 = arith.cmpi sge, %get3A_1136, %ge3A_1146 : vector<16xi32>
    %and3A_1148 = arith.andi %and3A_1145, %ge3A_1147 : vector<16xi1>
    %add3A_1149 = arith.constant 3840 : i32
    %add3A_1150 = arith.addi %mul3A_34, %add3A_1149 : i32
    %lt3A_1151 = vector.broadcast %add3A_1150 : i32 to vector<16xi32>
    %lt3A_1152 = arith.cmpi slt, %get3A_1136, %lt3A_1151 : vector<16xi32>
    %and3A_1153 = arith.andi %and3A_1148, %lt3A_1152 : vector<16xi1>
    %sub3A_1154 = vector.broadcast %mul3A_32 : i32 to vector<16xi32>
    %sub3A_1155 = arith.subi %get3A_1134, %sub3A_1154 : vector<16xi32>
    %sub3A_1156 = vector.broadcast %mul3A_34 : i32 to vector<16xi32>
    %sub3A_1157 = arith.subi %get3A_1136, %sub3A_1156 : vector<16xi32>
    tpu.vector_store_idx %arg7[%sub3A_1155, %sub3A_1157], %get3A_1138 masked %and3A_1153 : memref<8x3840xf32, #tpu.memory_space<vmem>>[vector<16xi32>, vector<16xi32>], vector<16xf32>, vector<16xi1>
    %get3A_1158 = arith.constant 720 : index
    %get3A_1159 = tpu.vector_load %arg8[%get3A_1158] {strides = array<i32>} : memref<1024xi32, #tpu.memory_space<vmem>>, vector<16xi32>,
    %get3A_1160 = arith.constant 720 : index
    %get3A_1161 = tpu.vector_load %arg9[%get3A_1160] {strides = array<i32>} : memref<1024xi32, #tpu.memory_space<vmem>>, vector<16xi32>,
    %get3A_1162 = arith.constant 720 : index
    %get3A_1163 = tpu.vector_load %arg10[%get3A_1162] {strides = array<i32>} : memref<1024xf32, #tpu.memory_space<vmem>>, vector<16xf32>,
    %ge3A_1164 = vector.broadcast %mul3A_32 : i32 to vector<16xi32>
    %ge3A_1165 = arith.cmpi sge, %get3A_1159, %ge3A_1164 : vector<16xi32>
    %add3A_1166 = arith.constant 8 : i32
    %add3A_1167 = arith.addi %mul3A_32, %add3A_1166 : i32
    %lt3A_1168 = vector.broadcast %add3A_1167 : i32 to vector<16xi32>
    %lt3A_1169 = arith.cmpi slt, %get3A_1159, %lt3A_1168 : vector<16xi32>
    %and3A_1170 = arith.andi %ge3A_1165, %lt3A_1169 : vector<16xi1>
    %ge3A_1171 = vector.broadcast %mul3A_34 : i32 to vector<16xi32>
    %ge3A_1172 = arith.cmpi sge, %get3A_1161, %ge3A_1171 : vector<16xi32>
    %and3A_1173 = arith.andi %and3A_1170, %ge3A_1172 : vector<16xi1>
    %add3A_1174 = arith.constant 3840 : i32
    %add3A_1175 = arith.addi %mul3A_34, %add3A_1174 : i32
    %lt3A_1176 = vector.broadcast %add3A_1175 : i32 to vector<16xi32>
    %lt3A_1177 = arith.cmpi slt, %get3A_1161, %lt3A_1176 : vector<16xi32>
    %and3A_1178 = arith.andi %and3A_1173, %lt3A_1177 : vector<16xi1>
    %sub3A_1179 = vector.broadcast %mul3A_32 : i32 to vector<16xi32>
    %sub3A_1180 = arith.subi %get3A_1159, %sub3A_1179 : vector<16xi32>
    %sub3A_1181 = vector.broadcast %mul3A_34 : i32 to vector<16xi32>
    %sub3A_1182 = arith.subi %get3A_1161, %sub3A_1181 : vector<16xi32>
    tpu.vector_store_idx %arg7[%sub3A_1180, %sub3A_1182], %get3A_1163 masked %and3A_1178 : memref<8x3840xf32, #tpu.memory_space<vmem>>[vector<16xi32>, vector<16xi32>], vector<16xf32>, vector<16xi1>
    %get3A_1183 = arith.constant 736 : index
    %get3A_1184 = tpu.vector_load %arg8[%get3A_1183] {strides = array<i32>} : memref<1024xi32, #tpu.memory_space<vmem>>, vector<16xi32>,
    %get3A_1185 = arith.constant 736 : index
    %get3A_1186 = tpu.vector_load %arg9[%get3A_1185] {strides = array<i32>} : memref<1024xi32, #tpu.memory_space<vmem>>, vector<16xi32>,
    %get3A_1187 = arith.constant 736 : index
    %get3A_1188 = tpu.vector_load %arg10[%get3A_1187] {strides = array<i32>} : memref<1024xf32, #tpu.memory_space<vmem>>, vector<16xf32>,
    %ge3A_1189 = vector.broadcast %mul3A_32 : i32 to vector<16xi32>
    %ge3A_1190 = arith.cmpi sge, %get3A_1184, %ge3A_1189 : vector<16xi32>
    %add3A_1191 = arith.constant 8 : i32
    %add3A_1192 = arith.addi %mul3A_32, %add3A_1191 : i32
    %lt3A_1193 = vector.broadcast %add3A_1192 : i32 to vector<16xi32>
    %lt3A_1194 = arith.cmpi slt, %get3A_1184, %lt3A_1193 : vector<16xi32>
    %and3A_1195 = arith.andi %ge3A_1190, %lt3A_1194 : vector<16xi1>
    %ge3A_1196 = vector.broadcast %mul3A_34 : i32 to vector<16xi32>
    %ge3A_1197 = arith.cmpi sge, %get3A_1186, %ge3A_1196 : vector<16xi32>
    %and3A_1198 = arith.andi %and3A_1195, %ge3A_1197 : vector<16xi1>
    %add3A_1199 = arith.constant 3840 : i32
    %add3A_1200 = arith.addi %mul3A_34, %add3A_1199 : i32
    %lt3A_1201 = vector.broadcast %add3A_1200 : i32 to vector<16xi32>
    %lt3A_1202 = arith.cmpi slt, %get3A_1186, %lt3A_1201 : vector<16xi32>
    %and3A_1203 = arith.andi %and3A_1198, %lt3A_1202 : vector<16xi1>
    %sub3A_1204 = vector.broadcast %mul3A_32 : i32 to vector<16xi32>
    %sub3A_1205 = arith.subi %get3A_1184, %sub3A_1204 : vector<16xi32>
    %sub3A_1206 = vector.broadcast %mul3A_34 : i32 to vector<16xi32>
    %sub3A_1207 = arith.subi %get3A_1186, %sub3A_1206 : vector<16xi32>
    tpu.vector_store_idx %arg7[%sub3A_1205, %sub3A_1207], %get3A_1188 masked %and3A_1203 : memref<8x3840xf32, #tpu.memory_space<vmem>>[vector<16xi32>, vector<16xi32>], vector<16xf32>, vector<16xi1>
    %get3A_1208 = arith.constant 752 : index
    %get3A_1209 = tpu.vector_load %arg8[%get3A_1208] {strides = array<i32>} : memref<1024xi32, #tpu.memory_space<vmem>>, vector<16xi32>,
    %get3A_1210 = arith.constant 752 : index
    %get3A_1211 = tpu.vector_load %arg9[%get3A_1210] {strides = array<i32>} : memref<1024xi32, #tpu.memory_space<vmem>>, vector<16xi32>,
    %get3A_1212 = arith.constant 752 : index
    %get3A_1213 = tpu.vector_load %arg10[%get3A_1212] {strides = array<i32>} : memref<1024xf32, #tpu.memory_space<vmem>>, vector<16xf32>,
    %ge3A_1214 = vector.broadcast %mul3A_32 : i32 to vector<16xi32>
    %ge3A_1215 = arith.cmpi sge, %get3A_1209, %ge3A_1214 : vector<16xi32>
    %add3A_1216 = arith.constant 8 : i32
    %add3A_1217 = arith.addi %mul3A_32, %add3A_1216 : i32
    %lt3A_1218 = vector.broadcast %add3A_1217 : i32 to vector<16xi32>
    %lt3A_1219 = arith.cmpi slt, %get3A_1209, %lt3A_1218 : vector<16xi32>
    %and3A_1220 = arith.andi %ge3A_1215, %lt3A_1219 : vector<16xi1>
    %ge3A_1221 = vector.broadcast %mul3A_34 : i32 to vector<16xi32>
    %ge3A_1222 = arith.cmpi sge, %get3A_1211, %ge3A_1221 : vector<16xi32>
    %and3A_1223 = arith.andi %and3A_1220, %ge3A_1222 : vector<16xi1>
    %add3A_1224 = arith.constant 3840 : i32
    %add3A_1225 = arith.addi %mul3A_34, %add3A_1224 : i32
    %lt3A_1226 = vector.broadcast %add3A_1225 : i32 to vector<16xi32>
    %lt3A_1227 = arith.cmpi slt, %get3A_1211, %lt3A_1226 : vector<16xi32>
    %and3A_1228 = arith.andi %and3A_1223, %lt3A_1227 : vector<16xi1>
    %sub3A_1229 = vector.broadcast %mul3A_32 : i32 to vector<16xi32>
    %sub3A_1230 = arith.subi %get3A_1209, %sub3A_1229 : vector<16xi32>
    %sub3A_1231 = vector.broadcast %mul3A_34 : i32 to vector<16xi32>
    %sub3A_1232 = arith.subi %get3A_1211, %sub3A_1231 : vector<16xi32>
    tpu.vector_store_idx %arg7[%sub3A_1230, %sub3A_1232], %get3A_1213 masked %and3A_1228 : memref<8x3840xf32, #tpu.memory_space<vmem>>[vector<16xi32>, vector<16xi32>], vector<16xf32>, vector<16xi1>
    %get3A_1233 = arith.constant 768 : index
    %get3A_1234 = tpu.vector_load %arg8[%get3A_1233] {strides = array<i32>} : memref<1024xi32, #tpu.memory_space<vmem>>, vector<16xi32>,
    %get3A_1235 = arith.constant 768 : index
    %get3A_1236 = tpu.vector_load %arg9[%get3A_1235] {strides = array<i32>} : memref<1024xi32, #tpu.memory_space<vmem>>, vector<16xi32>,
    %get3A_1237 = arith.constant 768 : index
    %get3A_1238 = tpu.vector_load %arg10[%get3A_1237] {strides = array<i32>} : memref<1024xf32, #tpu.memory_space<vmem>>, vector<16xf32>,
    %ge3A_1239 = vector.broadcast %mul3A_32 : i32 to vector<16xi32>
    %ge3A_1240 = arith.cmpi sge, %get3A_1234, %ge3A_1239 : vector<16xi32>
    %add3A_1241 = arith.constant 8 : i32
    %add3A_1242 = arith.addi %mul3A_32, %add3A_1241 : i32
    %lt3A_1243 = vector.broadcast %add3A_1242 : i32 to vector<16xi32>
    %lt3A_1244 = arith.cmpi slt, %get3A_1234, %lt3A_1243 : vector<16xi32>
    %and3A_1245 = arith.andi %ge3A_1240, %lt3A_1244 : vector<16xi1>
    %ge3A_1246 = vector.broadcast %mul3A_34 : i32 to vector<16xi32>
    %ge3A_1247 = arith.cmpi sge, %get3A_1236, %ge3A_1246 : vector<16xi32>
    %and3A_1248 = arith.andi %and3A_1245, %ge3A_1247 : vector<16xi1>
    %add3A_1249 = arith.constant 3840 : i32
    %add3A_1250 = arith.addi %mul3A_34, %add3A_1249 : i32
    %lt3A_1251 = vector.broadcast %add3A_1250 : i32 to vector<16xi32>
    %lt3A_1252 = arith.cmpi slt, %get3A_1236, %lt3A_1251 : vector<16xi32>
    %and3A_1253 = arith.andi %and3A_1248, %lt3A_1252 : vector<16xi1>
    %sub3A_1254 = vector.broadcast %mul3A_32 : i32 to vector<16xi32>
    %sub3A_1255 = arith.subi %get3A_1234, %sub3A_1254 : vector<16xi32>
    %sub3A_1256 = vector.broadcast %mul3A_34 : i32 to vector<16xi32>
    %sub3A_1257 = arith.subi %get3A_1236, %sub3A_1256 : vector<16xi32>
    tpu.vector_store_idx %arg7[%sub3A_1255, %sub3A_1257], %get3A_1238 masked %and3A_1253 : memref<8x3840xf32, #tpu.memory_space<vmem>>[vector<16xi32>, vector<16xi32>], vector<16xf32>, vector<16xi1>
    %get3A_1258 = arith.constant 784 : index
    %get3A_1259 = tpu.vector_load %arg8[%get3A_1258] {strides = array<i32>} : memref<1024xi32, #tpu.memory_space<vmem>>, vector<16xi32>,
    %get3A_1260 = arith.constant 784 : index
    %get3A_1261 = tpu.vector_load %arg9[%get3A_1260] {strides = array<i32>} : memref<1024xi32, #tpu.memory_space<vmem>>, vector<16xi32>,
    %get3A_1262 = arith.constant 784 : index
    %get3A_1263 = tpu.vector_load %arg10[%get3A_1262] {strides = array<i32>} : memref<1024xf32, #tpu.memory_space<vmem>>, vector<16xf32>,
    %ge3A_1264 = vector.broadcast %mul3A_32 : i32 to vector<16xi32>
    %ge3A_1265 = arith.cmpi sge, %get3A_1259, %ge3A_1264 : vector<16xi32>
    %add3A_1266 = arith.constant 8 : i32
    %add3A_1267 = arith.addi %mul3A_32, %add3A_1266 : i32
    %lt3A_1268 = vector.broadcast %add3A_1267 : i32 to vector<16xi32>
    %lt3A_1269 = arith.cmpi slt, %get3A_1259, %lt3A_1268 : vector<16xi32>
    %and3A_1270 = arith.andi %ge3A_1265, %lt3A_1269 : vector<16xi1>
    %ge3A_1271 = vector.broadcast %mul3A_34 : i32 to vector<16xi32>
    %ge3A_1272 = arith.cmpi sge, %get3A_1261, %ge3A_1271 : vector<16xi32>
    %and3A_1273 = arith.andi %and3A_1270, %ge3A_1272 : vector<16xi1>
    %add3A_1274 = arith.constant 3840 : i32
    %add3A_1275 = arith.addi %mul3A_34, %add3A_1274 : i32
    %lt3A_1276 = vector.broadcast %add3A_1275 : i32 to vector<16xi32>
    %lt3A_1277 = arith.cmpi slt, %get3A_1261, %lt3A_1276 : vector<16xi32>
    %and3A_1278 = arith.andi %and3A_1273, %lt3A_1277 : vector<16xi1>
    %sub3A_1279 = vector.broadcast %mul3A_32 : i32 to vector<16xi32>
    %sub3A_1280 = arith.subi %get3A_1259, %sub3A_1279 : vector<16xi32>
    %sub3A_1281 = vector.broadcast %mul3A_34 : i32 to vector<16xi32>
    %sub3A_1282 = arith.subi %get3A_1261, %sub3A_1281 : vector<16xi32>
    tpu.vector_store_idx %arg7[%sub3A_1280, %sub3A_1282], %get3A_1263 masked %and3A_1278 : memref<8x3840xf32, #tpu.memory_space<vmem>>[vector<16xi32>, vector<16xi32>], vector<16xf32>, vector<16xi1>
    %get3A_1283 = arith.constant 800 : index
    %get3A_1284 = tpu.vector_load %arg8[%get3A_1283] {strides = array<i32>} : memref<1024xi32, #tpu.memory_space<vmem>>, vector<16xi32>,
    %get3A_1285 = arith.constant 800 : index
    %get3A_1286 = tpu.vector_load %arg9[%get3A_1285] {strides = array<i32>} : memref<1024xi32, #tpu.memory_space<vmem>>, vector<16xi32>,
    %get3A_1287 = arith.constant 800 : index
    %get3A_1288 = tpu.vector_load %arg10[%get3A_1287] {strides = array<i32>} : memref<1024xf32, #tpu.memory_space<vmem>>, vector<16xf32>,
    %ge3A_1289 = vector.broadcast %mul3A_32 : i32 to vector<16xi32>
    %ge3A_1290 = arith.cmpi sge, %get3A_1284, %ge3A_1289 : vector<16xi32>
    %add3A_1291 = arith.constant 8 : i32
    %add3A_1292 = arith.addi %mul3A_32, %add3A_1291 : i32
    %lt3A_1293 = vector.broadcast %add3A_1292 : i32 to vector<16xi32>
    %lt3A_1294 = arith.cmpi slt, %get3A_1284, %lt3A_1293 : vector<16xi32>
    %and3A_1295 = arith.andi %ge3A_1290, %lt3A_1294 : vector<16xi1>
    %ge3A_1296 = vector.broadcast %mul3A_34 : i32 to vector<16xi32>
    %ge3A_1297 = arith.cmpi sge, %get3A_1286, %ge3A_1296 : vector<16xi32>
    %and3A_1298 = arith.andi %and3A_1295, %ge3A_1297 : vector<16xi1>
    %add3A_1299 = arith.constant 3840 : i32
    %add3A_1300 = arith.addi %mul3A_34, %add3A_1299 : i32
    %lt3A_1301 = vector.broadcast %add3A_1300 : i32 to vector<16xi32>
    %lt3A_1302 = arith.cmpi slt, %get3A_1286, %lt3A_1301 : vector<16xi32>
    %and3A_1303 = arith.andi %and3A_1298, %lt3A_1302 : vector<16xi1>
    %sub3A_1304 = vector.broadcast %mul3A_32 : i32 to vector<16xi32>
    %sub3A_1305 = arith.subi %get3A_1284, %sub3A_1304 : vector<16xi32>
    %sub3A_1306 = vector.broadcast %mul3A_34 : i32 to vector<16xi32>
    %sub3A_1307 = arith.subi %get3A_1286, %sub3A_1306 : vector<16xi32>
    tpu.vector_store_idx %arg7[%sub3A_1305, %sub3A_1307], %get3A_1288 masked %and3A_1303 : memref<8x3840xf32, #tpu.memory_space<vmem>>[vector<16xi32>, vector<16xi32>], vector<16xf32>, vector<16xi1>
    %get3A_1308 = arith.constant 816 : index
    %get3A_1309 = tpu.vector_load %arg8[%get3A_1308] {strides = array<i32>} : memref<1024xi32, #tpu.memory_space<vmem>>, vector<16xi32>,
    %get3A_1310 = arith.constant 816 : index
    %get3A_1311 = tpu.vector_load %arg9[%get3A_1310] {strides = array<i32>} : memref<1024xi32, #tpu.memory_space<vmem>>, vector<16xi32>,
    %get3A_1312 = arith.constant 816 : index
    %get3A_1313 = tpu.vector_load %arg10[%get3A_1312] {strides = array<i32>} : memref<1024xf32, #tpu.memory_space<vmem>>, vector<16xf32>,
    %ge3A_1314 = vector.broadcast %mul3A_32 : i32 to vector<16xi32>
    %ge3A_1315 = arith.cmpi sge, %get3A_1309, %ge3A_1314 : vector<16xi32>
    %add3A_1316 = arith.constant 8 : i32
    %add3A_1317 = arith.addi %mul3A_32, %add3A_1316 : i32
    %lt3A_1318 = vector.broadcast %add3A_1317 : i32 to vector<16xi32>
    %lt3A_1319 = arith.cmpi slt, %get3A_1309, %lt3A_1318 : vector<16xi32>
    %and3A_1320 = arith.andi %ge3A_1315, %lt3A_1319 : vector<16xi1>
    %ge3A_1321 = vector.broadcast %mul3A_34 : i32 to vector<16xi32>
    %ge3A_1322 = arith.cmpi sge, %get3A_1311, %ge3A_1321 : vector<16xi32>
    %and3A_1323 = arith.andi %and3A_1320, %ge3A_1322 : vector<16xi1>
    %add3A_1324 = arith.constant 3840 : i32
    %add3A_1325 = arith.addi %mul3A_34, %add3A_1324 : i32
    %lt3A_1326 = vector.broadcast %add3A_1325 : i32 to vector<16xi32>
    %lt3A_1327 = arith.cmpi slt, %get3A_1311, %lt3A_1326 : vector<16xi32>
    %and3A_1328 = arith.andi %and3A_1323, %lt3A_1327 : vector<16xi1>
    %sub3A_1329 = vector.broadcast %mul3A_32 : i32 to vector<16xi32>
    %sub3A_1330 = arith.subi %get3A_1309, %sub3A_1329 : vector<16xi32>
    %sub3A_1331 = vector.broadcast %mul3A_34 : i32 to vector<16xi32>
    %sub3A_1332 = arith.subi %get3A_1311, %sub3A_1331 : vector<16xi32>
    tpu.vector_store_idx %arg7[%sub3A_1330, %sub3A_1332], %get3A_1313 masked %and3A_1328 : memref<8x3840xf32, #tpu.memory_space<vmem>>[vector<16xi32>, vector<16xi32>], vector<16xf32>, vector<16xi1>
    %get3A_1333 = arith.constant 832 : index
    %get3A_1334 = tpu.vector_load %arg8[%get3A_1333] {strides = array<i32>} : memref<1024xi32, #tpu.memory_space<vmem>>, vector<16xi32>,
    %get3A_1335 = arith.constant 832 : index
    %get3A_1336 = tpu.vector_load %arg9[%get3A_1335] {strides = array<i32>} : memref<1024xi32, #tpu.memory_space<vmem>>, vector<16xi32>,
    %get3A_1337 = arith.constant 832 : index
    %get3A_1338 = tpu.vector_load %arg10[%get3A_1337] {strides = array<i32>} : memref<1024xf32, #tpu.memory_space<vmem>>, vector<16xf32>,
    %ge3A_1339 = vector.broadcast %mul3A_32 : i32 to vector<16xi32>
    %ge3A_1340 = arith.cmpi sge, %get3A_1334, %ge3A_1339 : vector<16xi32>
    %add3A_1341 = arith.constant 8 : i32
    %add3A_1342 = arith.addi %mul3A_32, %add3A_1341 : i32
    %lt3A_1343 = vector.broadcast %add3A_1342 : i32 to vector<16xi32>
    %lt3A_1344 = arith.cmpi slt, %get3A_1334, %lt3A_1343 : vector<16xi32>
    %and3A_1345 = arith.andi %ge3A_1340, %lt3A_1344 : vector<16xi1>
    %ge3A_1346 = vector.broadcast %mul3A_34 : i32 to vector<16xi32>
    %ge3A_1347 = arith.cmpi sge, %get3A_1336, %ge3A_1346 : vector<16xi32>
    %and3A_1348 = arith.andi %and3A_1345, %ge3A_1347 : vector<16xi1>
    %add3A_1349 = arith.constant 3840 : i32
    %add3A_1350 = arith.addi %mul3A_34, %add3A_1349 : i32
    %lt3A_1351 = vector.broadcast %add3A_1350 : i32 to vector<16xi32>
    %lt3A_1352 = arith.cmpi slt, %get3A_1336, %lt3A_1351 : vector<16xi32>
    %and3A_1353 = arith.andi %and3A_1348, %lt3A_1352 : vector<16xi1>
    %sub3A_1354 = vector.broadcast %mul3A_32 : i32 to vector<16xi32>
    %sub3A_1355 = arith.subi %get3A_1334, %sub3A_1354 : vector<16xi32>
    %sub3A_1356 = vector.broadcast %mul3A_34 : i32 to vector<16xi32>
    %sub3A_1357 = arith.subi %get3A_1336, %sub3A_1356 : vector<16xi32>
    tpu.vector_store_idx %arg7[%sub3A_1355, %sub3A_1357], %get3A_1338 masked %and3A_1353 : memref<8x3840xf32, #tpu.memory_space<vmem>>[vector<16xi32>, vector<16xi32>], vector<16xf32>, vector<16xi1>
    %get3A_1358 = arith.constant 848 : index
    %get3A_1359 = tpu.vector_load %arg8[%get3A_1358] {strides = array<i32>} : memref<1024xi32, #tpu.memory_space<vmem>>, vector<16xi32>,
    %get3A_1360 = arith.constant 848 : index
    %get3A_1361 = tpu.vector_load %arg9[%get3A_1360] {strides = array<i32>} : memref<1024xi32, #tpu.memory_space<vmem>>, vector<16xi32>,
    %get3A_1362 = arith.constant 848 : index
    %get3A_1363 = tpu.vector_load %arg10[%get3A_1362] {strides = array<i32>} : memref<1024xf32, #tpu.memory_space<vmem>>, vector<16xf32>,
    %ge3A_1364 = vector.broadcast %mul3A_32 : i32 to vector<16xi32>
    %ge3A_1365 = arith.cmpi sge, %get3A_1359, %ge3A_1364 : vector<16xi32>
    %add3A_1366 = arith.constant 8 : i32
    %add3A_1367 = arith.addi %mul3A_32, %add3A_1366 : i32
    %lt3A_1368 = vector.broadcast %add3A_1367 : i32 to vector<16xi32>
    %lt3A_1369 = arith.cmpi slt, %get3A_1359, %lt3A_1368 : vector<16xi32>
    %and3A_1370 = arith.andi %ge3A_1365, %lt3A_1369 : vector<16xi1>
    %ge3A_1371 = vector.broadcast %mul3A_34 : i32 to vector<16xi32>
    %ge3A_1372 = arith.cmpi sge, %get3A_1361, %ge3A_1371 : vector<16xi32>
    %and3A_1373 = arith.andi %and3A_1370, %ge3A_1372 : vector<16xi1>
    %add3A_1374 = arith.constant 3840 : i32
    %add3A_1375 = arith.addi %mul3A_34, %add3A_1374 : i32
    %lt3A_1376 = vector.broadcast %add3A_1375 : i32 to vector<16xi32>
    %lt3A_1377 = arith.cmpi slt, %get3A_1361, %lt3A_1376 : vector<16xi32>
    %and3A_1378 = arith.andi %and3A_1373, %lt3A_1377 : vector<16xi1>
    %sub3A_1379 = vector.broadcast %mul3A_32 : i32 to vector<16xi32>
    %sub3A_1380 = arith.subi %get3A_1359, %sub3A_1379 : vector<16xi32>
    %sub3A_1381 = vector.broadcast %mul3A_34 : i32 to vector<16xi32>
    %sub3A_1382 = arith.subi %get3A_1361, %sub3A_1381 : vector<16xi32>
    tpu.vector_store_idx %arg7[%sub3A_1380, %sub3A_1382], %get3A_1363 masked %and3A_1378 : memref<8x3840xf32, #tpu.memory_space<vmem>>[vector<16xi32>, vector<16xi32>], vector<16xf32>, vector<16xi1>
    %get3A_1383 = arith.constant 864 : index
    %get3A_1384 = tpu.vector_load %arg8[%get3A_1383] {strides = array<i32>} : memref<1024xi32, #tpu.memory_space<vmem>>, vector<16xi32>,
    %get3A_1385 = arith.constant 864 : index
    %get3A_1386 = tpu.vector_load %arg9[%get3A_1385] {strides = array<i32>} : memref<1024xi32, #tpu.memory_space<vmem>>, vector<16xi32>,
    %get3A_1387 = arith.constant 864 : index
    %get3A_1388 = tpu.vector_load %arg10[%get3A_1387] {strides = array<i32>} : memref<1024xf32, #tpu.memory_space<vmem>>, vector<16xf32>,
    %ge3A_1389 = vector.broadcast %mul3A_32 : i32 to vector<16xi32>
    %ge3A_1390 = arith.cmpi sge, %get3A_1384, %ge3A_1389 : vector<16xi32>
    %add3A_1391 = arith.constant 8 : i32
    %add3A_1392 = arith.addi %mul3A_32, %add3A_1391 : i32
    %lt3A_1393 = vector.broadcast %add3A_1392 : i32 to vector<16xi32>
    %lt3A_1394 = arith.cmpi slt, %get3A_1384, %lt3A_1393 : vector<16xi32>
    %and3A_1395 = arith.andi %ge3A_1390, %lt3A_1394 : vector<16xi1>
    %ge3A_1396 = vector.broadcast %mul3A_34 : i32 to vector<16xi32>
    %ge3A_1397 = arith.cmpi sge, %get3A_1386, %ge3A_1396 : vector<16xi32>
    %and3A_1398 = arith.andi %and3A_1395, %ge3A_1397 : vector<16xi1>
    %add3A_1399 = arith.constant 3840 : i32
    %add3A_1400 = arith.addi %mul3A_34, %add3A_1399 : i32
    %lt3A_1401 = vector.broadcast %add3A_1400 : i32 to vector<16xi32>
    %lt3A_1402 = arith.cmpi slt, %get3A_1386, %lt3A_1401 : vector<16xi32>
    %and3A_1403 = arith.andi %and3A_1398, %lt3A_1402 : vector<16xi1>
    %sub3A_1404 = vector.broadcast %mul3A_32 : i32 to vector<16xi32>
    %sub3A_1405 = arith.subi %get3A_1384, %sub3A_1404 : vector<16xi32>
    %sub3A_1406 = vector.broadcast %mul3A_34 : i32 to vector<16xi32>
    %sub3A_1407 = arith.subi %get3A_1386, %sub3A_1406 : vector<16xi32>
    tpu.vector_store_idx %arg7[%sub3A_1405, %sub3A_1407], %get3A_1388 masked %and3A_1403 : memref<8x3840xf32, #tpu.memory_space<vmem>>[vector<16xi32>, vector<16xi32>], vector<16xf32>, vector<16xi1>
    %get3A_1408 = arith.constant 880 : index
    %get3A_1409 = tpu.vector_load %arg8[%get3A_1408] {strides = array<i32>} : memref<1024xi32, #tpu.memory_space<vmem>>, vector<16xi32>,
    %get3A_1410 = arith.constant 880 : index
    %get3A_1411 = tpu.vector_load %arg9[%get3A_1410] {strides = array<i32>} : memref<1024xi32, #tpu.memory_space<vmem>>, vector<16xi32>,
    %get3A_1412 = arith.constant 880 : index
    %get3A_1413 = tpu.vector_load %arg10[%get3A_1412] {strides = array<i32>} : memref<1024xf32, #tpu.memory_space<vmem>>, vector<16xf32>,
    %ge3A_1414 = vector.broadcast %mul3A_32 : i32 to vector<16xi32>
    %ge3A_1415 = arith.cmpi sge, %get3A_1409, %ge3A_1414 : vector<16xi32>
    %add3A_1416 = arith.constant 8 : i32
    %add3A_1417 = arith.addi %mul3A_32, %add3A_1416 : i32
    %lt3A_1418 = vector.broadcast %add3A_1417 : i32 to vector<16xi32>
    %lt3A_1419 = arith.cmpi slt, %get3A_1409, %lt3A_1418 : vector<16xi32>
    %and3A_1420 = arith.andi %ge3A_1415, %lt3A_1419 : vector<16xi1>
    %ge3A_1421 = vector.broadcast %mul3A_34 : i32 to vector<16xi32>
    %ge3A_1422 = arith.cmpi sge, %get3A_1411, %ge3A_1421 : vector<16xi32>
    %and3A_1423 = arith.andi %and3A_1420, %ge3A_1422 : vector<16xi1>
    %add3A_1424 = arith.constant 3840 : i32
    %add3A_1425 = arith.addi %mul3A_34, %add3A_1424 : i32
    %lt3A_1426 = vector.broadcast %add3A_1425 : i32 to vector<16xi32>
    %lt3A_1427 = arith.cmpi slt, %get3A_1411, %lt3A_1426 : vector<16xi32>
    %and3A_1428 = arith.andi %and3A_1423, %lt3A_1427 : vector<16xi1>
    %sub3A_1429 = vector.broadcast %mul3A_32 : i32 to vector<16xi32>
    %sub3A_1430 = arith.subi %get3A_1409, %sub3A_1429 : vector<16xi32>
    %sub3A_1431 = vector.broadcast %mul3A_34 : i32 to vector<16xi32>
    %sub3A_1432 = arith.subi %get3A_1411, %sub3A_1431 : vector<16xi32>
    tpu.vector_store_idx %arg7[%sub3A_1430, %sub3A_1432], %get3A_1413 masked %and3A_1428 : memref<8x3840xf32, #tpu.memory_space<vmem>>[vector<16xi32>, vector<16xi32>], vector<16xf32>, vector<16xi1>
    %get3A_1433 = arith.constant 896 : index
    %get3A_1434 = tpu.vector_load %arg8[%get3A_1433] {strides = array<i32>} : memref<1024xi32, #tpu.memory_space<vmem>>, vector<16xi32>,
    %get3A_1435 = arith.constant 896 : index
    %get3A_1436 = tpu.vector_load %arg9[%get3A_1435] {strides = array<i32>} : memref<1024xi32, #tpu.memory_space<vmem>>, vector<16xi32>,
    %get3A_1437 = arith.constant 896 : index
    %get3A_1438 = tpu.vector_load %arg10[%get3A_1437] {strides = array<i32>} : memref<1024xf32, #tpu.memory_space<vmem>>, vector<16xf32>,
    %ge3A_1439 = vector.broadcast %mul3A_32 : i32 to vector<16xi32>
    %ge3A_1440 = arith.cmpi sge, %get3A_1434, %ge3A_1439 : vector<16xi32>
    %add3A_1441 = arith.constant 8 : i32
    %add3A_1442 = arith.addi %mul3A_32, %add3A_1441 : i32
    %lt3A_1443 = vector.broadcast %add3A_1442 : i32 to vector<16xi32>
    %lt3A_1444 = arith.cmpi slt, %get3A_1434, %lt3A_1443 : vector<16xi32>
    %and3A_1445 = arith.andi %ge3A_1440, %lt3A_1444 : vector<16xi1>
    %ge3A_1446 = vector.broadcast %mul3A_34 : i32 to vector<16xi32>
    %ge3A_1447 = arith.cmpi sge, %get3A_1436, %ge3A_1446 : vector<16xi32>
    %and3A_1448 = arith.andi %and3A_1445, %ge3A_1447 : vector<16xi1>
    %add3A_1449 = arith.constant 3840 : i32
    %add3A_1450 = arith.addi %mul3A_34, %add3A_1449 : i32
    %lt3A_1451 = vector.broadcast %add3A_1450 : i32 to vector<16xi32>
    %lt3A_1452 = arith.cmpi slt, %get3A_1436, %lt3A_1451 : vector<16xi32>
    %and3A_1453 = arith.andi %and3A_1448, %lt3A_1452 : vector<16xi1>
    %sub3A_1454 = vector.broadcast %mul3A_32 : i32 to vector<16xi32>
    %sub3A_1455 = arith.subi %get3A_1434, %sub3A_1454 : vector<16xi32>
    %sub3A_1456 = vector.broadcast %mul3A_34 : i32 to vector<16xi32>
    %sub3A_1457 = arith.subi %get3A_1436, %sub3A_1456 : vector<16xi32>
    tpu.vector_store_idx %arg7[%sub3A_1455, %sub3A_1457], %get3A_1438 masked %and3A_1453 : memref<8x3840xf32, #tpu.memory_space<vmem>>[vector<16xi32>, vector<16xi32>], vector<16xf32>, vector<16xi1>
    %get3A_1458 = arith.constant 912 : index
    %get3A_1459 = tpu.vector_load %arg8[%get3A_1458] {strides = array<i32>} : memref<1024xi32, #tpu.memory_space<vmem>>, vector<16xi32>,
    %get3A_1460 = arith.constant 912 : index
    %get3A_1461 = tpu.vector_load %arg9[%get3A_1460] {strides = array<i32>} : memref<1024xi32, #tpu.memory_space<vmem>>, vector<16xi32>,
    %get3A_1462 = arith.constant 912 : index
    %get3A_1463 = tpu.vector_load %arg10[%get3A_1462] {strides = array<i32>} : memref<1024xf32, #tpu.memory_space<vmem>>, vector<16xf32>,
    %ge3A_1464 = vector.broadcast %mul3A_32 : i32 to vector<16xi32>
    %ge3A_1465 = arith.cmpi sge, %get3A_1459, %ge3A_1464 : vector<16xi32>
    %add3A_1466 = arith.constant 8 : i32
    %add3A_1467 = arith.addi %mul3A_32, %add3A_1466 : i32
    %lt3A_1468 = vector.broadcast %add3A_1467 : i32 to vector<16xi32>
    %lt3A_1469 = arith.cmpi slt, %get3A_1459, %lt3A_1468 : vector<16xi32>
    %and3A_1470 = arith.andi %ge3A_1465, %lt3A_1469 : vector<16xi1>
    %ge3A_1471 = vector.broadcast %mul3A_34 : i32 to vector<16xi32>
    %ge3A_1472 = arith.cmpi sge, %get3A_1461, %ge3A_1471 : vector<16xi32>
    %and3A_1473 = arith.andi %and3A_1470, %ge3A_1472 : vector<16xi1>
    %add3A_1474 = arith.constant 3840 : i32
    %add3A_1475 = arith.addi %mul3A_34, %add3A_1474 : i32
    %lt3A_1476 = vector.broadcast %add3A_1475 : i32 to vector<16xi32>
    %lt3A_1477 = arith.cmpi slt, %get3A_1461, %lt3A_1476 : vector<16xi32>
    %and3A_1478 = arith.andi %and3A_1473, %lt3A_1477 : vector<16xi1>
    %sub3A_1479 = vector.broadcast %mul3A_32 : i32 to vector<16xi32>
    %sub3A_1480 = arith.subi %get3A_1459, %sub3A_1479 : vector<16xi32>
    %sub3A_1481 = vector.broadcast %mul3A_34 : i32 to vector<16xi32>
    %sub3A_1482 = arith.subi %get3A_1461, %sub3A_1481 : vector<16xi32>
    tpu.vector_store_idx %arg7[%sub3A_1480, %sub3A_1482], %get3A_1463 masked %and3A_1478 : memref<8x3840xf32, #tpu.memory_space<vmem>>[vector<16xi32>, vector<16xi32>], vector<16xf32>, vector<16xi1>
    %get3A_1483 = arith.constant 928 : index
    %get3A_1484 = tpu.vector_load %arg8[%get3A_1483] {strides = array<i32>} : memref<1024xi32, #tpu.memory_space<vmem>>, vector<16xi32>,
    %get3A_1485 = arith.constant 928 : index
    %get3A_1486 = tpu.vector_load %arg9[%get3A_1485] {strides = array<i32>} : memref<1024xi32, #tpu.memory_space<vmem>>, vector<16xi32>,
    %get3A_1487 = arith.constant 928 : index
    %get3A_1488 = tpu.vector_load %arg10[%get3A_1487] {strides = array<i32>} : memref<1024xf32, #tpu.memory_space<vmem>>, vector<16xf32>,
    %ge3A_1489 = vector.broadcast %mul3A_32 : i32 to vector<16xi32>
    %ge3A_1490 = arith.cmpi sge, %get3A_1484, %ge3A_1489 : vector<16xi32>
    %add3A_1491 = arith.constant 8 : i32
    %add3A_1492 = arith.addi %mul3A_32, %add3A_1491 : i32
    %lt3A_1493 = vector.broadcast %add3A_1492 : i32 to vector<16xi32>
    %lt3A_1494 = arith.cmpi slt, %get3A_1484, %lt3A_1493 : vector<16xi32>
    %and3A_1495 = arith.andi %ge3A_1490, %lt3A_1494 : vector<16xi1>
    %ge3A_1496 = vector.broadcast %mul3A_34 : i32 to vector<16xi32>
    %ge3A_1497 = arith.cmpi sge, %get3A_1486, %ge3A_1496 : vector<16xi32>
    %and3A_1498 = arith.andi %and3A_1495, %ge3A_1497 : vector<16xi1>
    %add3A_1499 = arith.constant 3840 : i32
    %add3A_1500 = arith.addi %mul3A_34, %add3A_1499 : i32
    %lt3A_1501 = vector.broadcast %add3A_1500 : i32 to vector<16xi32>
    %lt3A_1502 = arith.cmpi slt, %get3A_1486, %lt3A_1501 : vector<16xi32>
    %and3A_1503 = arith.andi %and3A_1498, %lt3A_1502 : vector<16xi1>
    %sub3A_1504 = vector.broadcast %mul3A_32 : i32 to vector<16xi32>
    %sub3A_1505 = arith.subi %get3A_1484, %sub3A_1504 : vector<16xi32>
    %sub3A_1506 = vector.broadcast %mul3A_34 : i32 to vector<16xi32>
    %sub3A_1507 = arith.subi %get3A_1486, %sub3A_1506 : vector<16xi32>
    tpu.vector_store_idx %arg7[%sub3A_1505, %sub3A_1507], %get3A_1488 masked %and3A_1503 : memref<8x3840xf32, #tpu.memory_space<vmem>>[vector<16xi32>, vector<16xi32>], vector<16xf32>, vector<16xi1>
    %get3A_1508 = arith.constant 944 : index
    %get3A_1509 = tpu.vector_load %arg8[%get3A_1508] {strides = array<i32>} : memref<1024xi32, #tpu.memory_space<vmem>>, vector<16xi32>,
    %get3A_1510 = arith.constant 944 : index
    %get3A_1511 = tpu.vector_load %arg9[%get3A_1510] {strides = array<i32>} : memref<1024xi32, #tpu.memory_space<vmem>>, vector<16xi32>,
    %get3A_1512 = arith.constant 944 : index
    %get3A_1513 = tpu.vector_load %arg10[%get3A_1512] {strides = array<i32>} : memref<1024xf32, #tpu.memory_space<vmem>>, vector<16xf32>,
    %ge3A_1514 = vector.broadcast %mul3A_32 : i32 to vector<16xi32>
    %ge3A_1515 = arith.cmpi sge, %get3A_1509, %ge3A_1514 : vector<16xi32>
    %add3A_1516 = arith.constant 8 : i32
    %add3A_1517 = arith.addi %mul3A_32, %add3A_1516 : i32
    %lt3A_1518 = vector.broadcast %add3A_1517 : i32 to vector<16xi32>
    %lt3A_1519 = arith.cmpi slt, %get3A_1509, %lt3A_1518 : vector<16xi32>
    %and3A_1520 = arith.andi %ge3A_1515, %lt3A_1519 : vector<16xi1>
    %ge3A_1521 = vector.broadcast %mul3A_34 : i32 to vector<16xi32>
    %ge3A_1522 = arith.cmpi sge, %get3A_1511, %ge3A_1521 : vector<16xi32>
    %and3A_1523 = arith.andi %and3A_1520, %ge3A_1522 : vector<16xi1>
    %add3A_1524 = arith.constant 3840 : i32
    %add3A_1525 = arith.addi %mul3A_34, %add3A_1524 : i32
    %lt3A_1526 = vector.broadcast %add3A_1525 : i32 to vector<16xi32>
    %lt3A_1527 = arith.cmpi slt, %get3A_1511, %lt3A_1526 : vector<16xi32>
    %and3A_1528 = arith.andi %and3A_1523, %lt3A_1527 : vector<16xi1>
    %sub3A_1529 = vector.broadcast %mul3A_32 : i32 to vector<16xi32>
    %sub3A_1530 = arith.subi %get3A_1509, %sub3A_1529 : vector<16xi32>
    %sub3A_1531 = vector.broadcast %mul3A_34 : i32 to vector<16xi32>
    %sub3A_1532 = arith.subi %get3A_1511, %sub3A_1531 : vector<16xi32>
    tpu.vector_store_idx %arg7[%sub3A_1530, %sub3A_1532], %get3A_1513 masked %and3A_1528 : memref<8x3840xf32, #tpu.memory_space<vmem>>[vector<16xi32>, vector<16xi32>], vector<16xf32>, vector<16xi1>
    %get3A_1533 = arith.constant 960 : index
    %get3A_1534 = tpu.vector_load %arg8[%get3A_1533] {strides = array<i32>} : memref<1024xi32, #tpu.memory_space<vmem>>, vector<16xi32>,
    %get3A_1535 = arith.constant 960 : index
    %get3A_1536 = tpu.vector_load %arg9[%get3A_1535] {strides = array<i32>} : memref<1024xi32, #tpu.memory_space<vmem>>, vector<16xi32>,
    %get3A_1537 = arith.constant 960 : index
    %get3A_1538 = tpu.vector_load %arg10[%get3A_1537] {strides = array<i32>} : memref<1024xf32, #tpu.memory_space<vmem>>, vector<16xf32>,
    %ge3A_1539 = vector.broadcast %mul3A_32 : i32 to vector<16xi32>
    %ge3A_1540 = arith.cmpi sge, %get3A_1534, %ge3A_1539 : vector<16xi32>
    %add3A_1541 = arith.constant 8 : i32
    %add3A_1542 = arith.addi %mul3A_32, %add3A_1541 : i32
    %lt3A_1543 = vector.broadcast %add3A_1542 : i32 to vector<16xi32>
    %lt3A_1544 = arith.cmpi slt, %get3A_1534, %lt3A_1543 : vector<16xi32>
    %and3A_1545 = arith.andi %ge3A_1540, %lt3A_1544 : vector<16xi1>
    %ge3A_1546 = vector.broadcast %mul3A_34 : i32 to vector<16xi32>
    %ge3A_1547 = arith.cmpi sge, %get3A_1536, %ge3A_1546 : vector<16xi32>
    %and3A_1548 = arith.andi %and3A_1545, %ge3A_1547 : vector<16xi1>
    %add3A_1549 = arith.constant 3840 : i32
    %add3A_1550 = arith.addi %mul3A_34, %add3A_1549 : i32
    %lt3A_1551 = vector.broadcast %add3A_1550 : i32 to vector<16xi32>
    %lt3A_1552 = arith.cmpi slt, %get3A_1536, %lt3A_1551 : vector<16xi32>
    %and3A_1553 = arith.andi %and3A_1548, %lt3A_1552 : vector<16xi1>
    %sub3A_1554 = vector.broadcast %mul3A_32 : i32 to vector<16xi32>
    %sub3A_1555 = arith.subi %get3A_1534, %sub3A_1554 : vector<16xi32>
    %sub3A_1556 = vector.broadcast %mul3A_34 : i32 to vector<16xi32>
    %sub3A_1557 = arith.subi %get3A_1536, %sub3A_1556 : vector<16xi32>
    tpu.vector_store_idx %arg7[%sub3A_1555, %sub3A_1557], %get3A_1538 masked %and3A_1553 : memref<8x3840xf32, #tpu.memory_space<vmem>>[vector<16xi32>, vector<16xi32>], vector<16xf32>, vector<16xi1>
    %get3A_1558 = arith.constant 976 : index
    %get3A_1559 = tpu.vector_load %arg8[%get3A_1558] {strides = array<i32>} : memref<1024xi32, #tpu.memory_space<vmem>>, vector<16xi32>,
    %get3A_1560 = arith.constant 976 : index
    %get3A_1561 = tpu.vector_load %arg9[%get3A_1560] {strides = array<i32>} : memref<1024xi32, #tpu.memory_space<vmem>>, vector<16xi32>,
    %get3A_1562 = arith.constant 976 : index
    %get3A_1563 = tpu.vector_load %arg10[%get3A_1562] {strides = array<i32>} : memref<1024xf32, #tpu.memory_space<vmem>>, vector<16xf32>,
    %ge3A_1564 = vector.broadcast %mul3A_32 : i32 to vector<16xi32>
    %ge3A_1565 = arith.cmpi sge, %get3A_1559, %ge3A_1564 : vector<16xi32>
    %add3A_1566 = arith.constant 8 : i32
    %add3A_1567 = arith.addi %mul3A_32, %add3A_1566 : i32
    %lt3A_1568 = vector.broadcast %add3A_1567 : i32 to vector<16xi32>
    %lt3A_1569 = arith.cmpi slt, %get3A_1559, %lt3A_1568 : vector<16xi32>
    %and3A_1570 = arith.andi %ge3A_1565, %lt3A_1569 : vector<16xi1>
    %ge3A_1571 = vector.broadcast %mul3A_34 : i32 to vector<16xi32>
    %ge3A_1572 = arith.cmpi sge, %get3A_1561, %ge3A_1571 : vector<16xi32>
    %and3A_1573 = arith.andi %and3A_1570, %ge3A_1572 : vector<16xi1>
    %add3A_1574 = arith.constant 3840 : i32
    %add3A_1575 = arith.addi %mul3A_34, %add3A_1574 : i32
    %lt3A_1576 = vector.broadcast %add3A_1575 : i32 to vector<16xi32>
    %lt3A_1577 = arith.cmpi slt, %get3A_1561, %lt3A_1576 : vector<16xi32>
    %and3A_1578 = arith.andi %and3A_1573, %lt3A_1577 : vector<16xi1>
    %sub3A_1579 = vector.broadcast %mul3A_32 : i32 to vector<16xi32>
    %sub3A_1580 = arith.subi %get3A_1559, %sub3A_1579 : vector<16xi32>
    %sub3A_1581 = vector.broadcast %mul3A_34 : i32 to vector<16xi32>
    %sub3A_1582 = arith.subi %get3A_1561, %sub3A_1581 : vector<16xi32>
    tpu.vector_store_idx %arg7[%sub3A_1580, %sub3A_1582], %get3A_1563 masked %and3A_1578 : memref<8x3840xf32, #tpu.memory_space<vmem>>[vector<16xi32>, vector<16xi32>], vector<16xf32>, vector<16xi1>
    %get3A_1583 = arith.constant 992 : index
    %get3A_1584 = tpu.vector_load %arg8[%get3A_1583] {strides = array<i32>} : memref<1024xi32, #tpu.memory_space<vmem>>, vector<16xi32>,
    %get3A_1585 = arith.constant 992 : index
    %get3A_1586 = tpu.vector_load %arg9[%get3A_1585] {strides = array<i32>} : memref<1024xi32, #tpu.memory_space<vmem>>, vector<16xi32>,
    %get3A_1587 = arith.constant 992 : index
    %get3A_1588 = tpu.vector_load %arg10[%get3A_1587] {strides = array<i32>} : memref<1024xf32, #tpu.memory_space<vmem>>, vector<16xf32>,
    %ge3A_1589 = vector.broadcast %mul3A_32 : i32 to vector<16xi32>
    %ge3A_1590 = arith.cmpi sge, %get3A_1584, %ge3A_1589 : vector<16xi32>
    %add3A_1591 = arith.constant 8 : i32
    %add3A_1592 = arith.addi %mul3A_32, %add3A_1591 : i32
    %lt3A_1593 = vector.broadcast %add3A_1592 : i32 to vector<16xi32>
    %lt3A_1594 = arith.cmpi slt, %get3A_1584, %lt3A_1593 : vector<16xi32>
    %and3A_1595 = arith.andi %ge3A_1590, %lt3A_1594 : vector<16xi1>
    %ge3A_1596 = vector.broadcast %mul3A_34 : i32 to vector<16xi32>
    %ge3A_1597 = arith.cmpi sge, %get3A_1586, %ge3A_1596 : vector<16xi32>
    %and3A_1598 = arith.andi %and3A_1595, %ge3A_1597 : vector<16xi1>
    %add3A_1599 = arith.constant 3840 : i32
    %add3A_1600 = arith.addi %mul3A_34, %add3A_1599 : i32
    %lt3A_1601 = vector.broadcast %add3A_1600 : i32 to vector<16xi32>
    %lt3A_1602 = arith.cmpi slt, %get3A_1586, %lt3A_1601 : vector<16xi32>
    %and3A_1603 = arith.andi %and3A_1598, %lt3A_1602 : vector<16xi1>
    %sub3A_1604 = vector.broadcast %mul3A_32 : i32 to vector<16xi32>
    %sub3A_1605 = arith.subi %get3A_1584, %sub3A_1604 : vector<16xi32>
    %sub3A_1606 = vector.broadcast %mul3A_34 : i32 to vector<16xi32>
    %sub3A_1607 = arith.subi %get3A_1586, %sub3A_1606 : vector<16xi32>
    tpu.vector_store_idx %arg7[%sub3A_1605, %sub3A_1607], %get3A_1588 masked %and3A_1603 : memref<8x3840xf32, #tpu.memory_space<vmem>>[vector<16xi32>, vector<16xi32>], vector<16xf32>, vector<16xi1>
    %get3A_1608 = arith.constant 1008 : index
    %get3A_1609 = tpu.vector_load %arg8[%get3A_1608] {strides = array<i32>} : memref<1024xi32, #tpu.memory_space<vmem>>, vector<16xi32>,
    %get3A_1610 = arith.constant 1008 : index
    %get3A_1611 = tpu.vector_load %arg9[%get3A_1610] {strides = array<i32>} : memref<1024xi32, #tpu.memory_space<vmem>>, vector<16xi32>,
    %get3A_1612 = arith.constant 1008 : index
    %get3A_1613 = tpu.vector_load %arg10[%get3A_1612] {strides = array<i32>} : memref<1024xf32, #tpu.memory_space<vmem>>, vector<16xf32>,
    %ge3A_1614 = vector.broadcast %mul3A_32 : i32 to vector<16xi32>
    %ge3A_1615 = arith.cmpi sge, %get3A_1609, %ge3A_1614 : vector<16xi32>
    %add3A_1616 = arith.constant 8 : i32
    %add3A_1617 = arith.addi %mul3A_32, %add3A_1616 : i32
    %lt3A_1618 = vector.broadcast %add3A_1617 : i32 to vector<16xi32>
    %lt3A_1619 = arith.cmpi slt, %get3A_1609, %lt3A_1618 : vector<16xi32>
    %and3A_1620 = arith.andi %ge3A_1615, %lt3A_1619 : vector<16xi1>
    %ge3A_1621 = vector.broadcast %mul3A_34 : i32 to vector<16xi32>
    %ge3A_1622 = arith.cmpi sge, %get3A_1611, %ge3A_1621 : vector<16xi32>
    %and3A_1623 = arith.andi %and3A_1620, %ge3A_1622 : vector<16xi1>
    %add3A_1624 = arith.constant 3840 : i32
    %add3A_1625 = arith.addi %mul3A_34, %add3A_1624 : i32
    %lt3A_1626 = vector.broadcast %add3A_1625 : i32 to vector<16xi32>
    %lt3A_1627 = arith.cmpi slt, %get3A_1611, %lt3A_1626 : vector<16xi32>
    %and3A_1628 = arith.andi %and3A_1623, %lt3A_1627 : vector<16xi1>
    %sub3A_1629 = vector.broadcast %mul3A_32 : i32 to vector<16xi32>
    %sub3A_1630 = arith.subi %get3A_1609, %sub3A_1629 : vector<16xi32>
    %sub3A_1631 = vector.broadcast %mul3A_34 : i32 to vector<16xi32>
    %sub3A_1632 = arith.subi %get3A_1611, %sub3A_1631 : vector<16xi32>
    tpu.vector_store_idx %arg7[%sub3A_1630, %sub3A_1632], %get3A_1613 masked %and3A_1628 : memref<8x3840xf32, #tpu.memory_space<vmem>>[vector<16xi32>, vector<16xi32>], vector<16xf32>, vector<16xi1>
    "tpu.region"() ({
      %run_scoped3A = tpu.sem_alloc : memref<!tpu.dma_semaphore, #tpu.memory_space<semaphore_mem>>
      %dma_start3A = tpu.memref_slice %arg6[%mul3A_32, %mul3A_34] : memref<16x61440xf32, #tpu.memory_space<hbm>> -> memref<8x3840xf32, #tpu.memory_space<hbm>>
      %dma_start3A_1633 = tpu.memref_slice %arg6[%mul3A_32, %mul3A_34] : memref<16x61440xf32, #tpu.memory_space<hbm>> -> memref<8x3840xf32, #tpu.memory_space<hbm>>
      tpu.enqueue_dma source(%arg7 : memref<8x3840xf32, #tpu.memory_space<vmem>>) target(%dma_start3A_1633 : memref<8x3840xf32, #tpu.memory_space<hbm>>) target_semaphore(%run_scoped3A : memref<!tpu.dma_semaphore, #tpu.memory_space<semaphore_mem>>)
      %dma_wait3A = tpu.memref_slice %arg6[%mul3A_32, %mul3A_34] : memref<16x61440xf32, #tpu.memory_space<hbm>> -> memref<8x3840xf32, #tpu.memory_space<hbm>>
      %dma_wait3A_1634 = tpu.memref_slice %arg6[%mul3A_32, %mul3A_34] : memref<16x61440xf32, #tpu.memory_space<hbm>> -> memref<8x3840xf32, #tpu.memory_space<hbm>>
      tpu.wait_dma2 semaphore(%run_scoped3A : memref<!tpu.dma_semaphore, #tpu.memory_space<semaphore_mem>>) src(%arg7 : memref<8x3840xf32, #tpu.memory_space<vmem>>) dst(%dma_wait3A_1634 : memref<8x3840xf32, #tpu.memory_space<hbm>>)
      tpu.yield
    }) : () -> ()
    return
  }
}

module attributes {stable_mosaic.version = 14 : i64} {
  func.func @_dense_body(%arg0: i32, %arg1: memref<4096x64xf32, #tpu.memory_space<vmem>>, %arg2: memref<64x1xf32, #tpu.memory_space<vmem>>, %arg3: memref<16x1xf32, #tpu.memory_space<vmem>>, %arg4: memref<16x4096xf32, #tpu.memory_space<vmem>>, %arg5: memref<4096x1xf32, #tpu.memory_space<vmem>>) attributes {dimension_semantics = [#tpu.dimension_semantics<arbitrary>], iteration_bounds = array<i64: 15>, scalar_prefetch = 0 : i64, scratch_operands = 0 : i64, tpu.core_type = #tpu.core_type<tc>, window_params = [{transform_indices = @transform_0, window_bounds = array<i64: 4096, 64>}, {pipeline_mode = #tpu.pipeline_mode<synchronous>, transform_indices = @transform_1, window_bounds = array<i64: 64, 1>}, {pipeline_mode = #tpu.pipeline_mode<synchronous>, transform_indices = @transform_2, window_bounds = array<i64: 16, 1>}, {transform_indices = @transform_3, window_bounds = array<i64: 16, 4096>}, {transform_indices = @transform_4, window_bounds = array<i64: 4096, 1>}]} {
    %get3A = arith.constant 0 : index
    %get3A_0 = arith.constant 0 : index
    %get3A_1 = vector.load %arg1[%get3A, %get3A_0] : memref<4096x64xf32, #tpu.memory_space<vmem>>, vector<4096x64xf32>
    %get3A_2 = arith.constant 0 : index
    %get3A_3 = arith.constant 0 : index
    %get3A_4 = vector.load %arg2[%get3A_2, %get3A_3] : memref<64x1xf32, #tpu.memory_space<vmem>>, vector<64x1xf32>
    %dot_general3A = arith.constant dense<0.000000e+00> : vector<4096x1xf32>
    %dot_general3A_5 = tpu.matmul %get3A_1, %get3A_4, %dot_general3A {dimension_numbers = #tpu.dot_dimension_numbers<[1], [0], [0], [1], [0, 0, 1, 1], [], []>, transpose_lhs_hint = false} : vector<4096x64xf32>, vector<64x1xf32>, vector<4096x1xf32> -> vector<4096x1xf32>
    %swap3A = arith.constant 0 : index
    %swap3A_6 = arith.constant 0 : index
    %swap3A_7 = vector.load %arg5[%swap3A, %swap3A_6] : memref<4096x1xf32, #tpu.memory_space<vmem>>, vector<4096x1xf32>
    tpu.vector_store %arg5[%swap3A, %swap3A_6], %dot_general3A_5 {strides = array<i32>} : memref<4096x1xf32, #tpu.memory_space<vmem>>, vector<4096x1xf32>,
    %get3A_8 = arith.constant 0 : index
    %get3A_9 = arith.constant 0 : index
    %get3A_10 = vector.load %arg3[%get3A_8, %get3A_9] : memref<16x1xf32, #tpu.memory_space<vmem>>, vector<16x1xf32>
    %squeeze3A = vector.shape_cast %dot_general3A_5 : vector<4096x1xf32> to vector<4096xf32>
    %broadcast_in_dim3A = vector.shape_cast %squeeze3A : vector<4096xf32> to vector<1x4096xf32>
    %add3A = vector.broadcast %get3A_10 : vector<16x1xf32> to vector<16x4096xf32>
    %add3A_11 = vector.broadcast %broadcast_in_dim3A : vector<1x4096xf32> to vector<16x4096xf32>
    %add3A_12 = arith.addf %add3A, %add3A_11 : vector<16x4096xf32>
    %swap3A_13 = arith.constant 0 : index
    %swap3A_14 = arith.constant 0 : index
    %swap3A_15 = vector.load %arg4[%swap3A_13, %swap3A_14] : memref<16x4096xf32, #tpu.memory_space<vmem>>, vector<16x4096xf32>
    tpu.vector_store %arg4[%swap3A_13, %swap3A_14], %add3A_12 {strides = array<i32>} : memref<16x4096xf32, #tpu.memory_space<vmem>>, vector<16x4096xf32>,
    return
  }
  func.func @transform_0(%arg0: i32) -> (i32, i32) {
    %c0_i32 = arith.constant 0 : i32
    %c0_i32_0 = arith.constant 0 : i32
    return %arg0, %c0_i32 : i32, i32
  }
  func.func @transform_1(%arg0: i32) -> (i32, i32) {
    %c0_i32 = arith.constant 0 : i32
    %c0_i32_0 = arith.constant 0 : i32
    %c0_i32_1 = arith.constant 0 : i32
    return %c0_i32, %c0_i32_0 : i32, i32
  }
  func.func @transform_2(%arg0: i32) -> (i32, i32) {
    %c0_i32 = arith.constant 0 : i32
    %c0_i32_0 = arith.constant 0 : i32
    %c0_i32_1 = arith.constant 0 : i32
    return %c0_i32, %c0_i32_0 : i32, i32
  }
  func.func @transform_3(%arg0: i32) -> (i32, i32) {
    %c0_i32 = arith.constant 0 : i32
    %c0_i32_0 = arith.constant 0 : i32
    return %c0_i32, %arg0 : i32, i32
  }
  func.func @transform_4(%arg0: i32) -> (i32, i32) {
    %c0_i32 = arith.constant 0 : i32
    %c0_i32_0 = arith.constant 0 : i32
    return %arg0, %c0_i32 : i32, i32
  }
}

</mosaic_0001>

<sc_bundles>
// kernel: kernel.4.cloned.1.call-start
scs
__scs_entry_jumppad:
0x0: {  	(pc) =	sbr.rel $0x88, $3  }
0x1: {  	(tag) =	ssettag $0x0;
	lr =	simm.s32 $0x1  }
0x2: {  	[smem:$0x3F8F] =	sst lr;
	_ =	strace $0xD0000000  }
0x3: {  	_ = 	snop  }
0x4: {  	_ = 	snop  }
0x5: {  	_ = 	snop  }
0x6: {  	_ = 	snop  }
0x7: {  	_ = 	snop  }
__scs_overlays_trampoline_lowered:
0x8: {  	[smem:$0x3F9E] =	sst s0  }
0x9: {  	[smem:$0x3F9F] =	sst s1  }
0xa: {  	[smem:$0x3FA0] =	sst s2  }
0xb: {  	[smem:$0x3FA1] =	sst s3  }
0xc: {  	[smem:$0x3FA2] =	sst s4  }
0xd: {  	[smem:$0x3FA3] =	sst s5  }
0xe: {  	[smem:$0x3FA4] =	sst s6  }
0xf: {  	[smem:$0x3FA5] =	sst s7  }
0x10: {  	[smem:$0x3FA6] =	sst s8  }
0x11: {  	[smem:$0x3FA7] =	sst s9;
	s0 =	simm.s32 @!p0 $0x0  }
0x12: {  	s1 =	sld [smem:$0x3F8D];
	s0 =	simm.s32 @p0 $0x1  }
0x13: {  	[smem:$0x3FA8] =	sst s0;
	s0 =	simm.s32 @!p1 $0x0  }
0x14: {  	s2 =	sld [smem:$0x3F8C];
	s0 =	simm.s32 @p1 $0x1  }
0x15: {  	[smem:$0x3FA9] =	sst s0;
	s0 =	simm.s32 @!p2 $0x0  }
0x16: {  	s3 =	sld [smem:$0x3FDB];
	s0 =	simm.s32 @p2 $0x1  }
0x17: {  	s4 =	simm.s32 $0x1BF5;
	[smem:$0x3FAB] =	sst s0  }
0x18: {  	s0 =	sld [smem:$0x3F8E];
	_ =	swait.ge [sflag:s4], $0x0  }
0x19: {  	s7 =	sld [smem:$0x3F8F]  }
0x1a: {  	s8 =	sadd.s32 $0xFFFFE003, lr  }
0x1b: {  	s9 =	sadd.s32 $0xFFFFFEF7, lr;
	s5 =	simm.s32 $0xFFFFFFFF;
	p2 =	slt.u32 s8, $0xFFFFF086  }
0x1c: {  	p1 =	slt.u32 s9, $0xF7A;
	s5 =	simm.s32 @!p2 $0x0  }
0x1d: {  	s5 =	simm.s32 @p1 $0x1;
	p0 =	seq.s32 s7, s2  }
0x1e: {  	s7 =	smul.u32 @!p0 $0xF7A, s2;
	p2 =	seq.s32 @!p0 s5, $0x0  }
0x1f: {  	s9 =	smul.u32 $0xF7A, s1;
	s8 =	simm.s32 @!p0 $0x1BF5;
	p2 =	por !p2, p0  }
0x20: {  	[sflag:s8] =	ssyncset.s32 @!p0 $0xFFFFF086;
	s6 =	sadd.s32 @!p0 s3, s7;
	s7 =	simm.s32 @!p0 $0x108  }
0x21: {  	s3 =	sadd.s32 s3, s9;
	s6 =	sadd.s32 @!p0 $0x88, s6;
	s7 =	simm.s32 @p2 $0x1082  }
0x22: {  	[simem:s7], [sflag:s8] =	dma.local @!p0 [hbm:s6], $0xF7A  }
0x23: {  	s9 =	sor.u32 $0xD0000000, s2;
	s6 =	simm.s32 $0x108;
	_ =	swait.ge @!p0 [sflag:s8], $0x0  }
0x24: {  	s3 =	sadd.s32 $0x88, s3;
	s6 =	simm.s32 @!p1 $0x1082;
	[sflag:s4] =	ssyncset.s32 $0xFFFFF086  }
0x25: {  	[simem:s6], [sflag:s4] =	dma.local [hbm:s3], $0xF7A  }
0x26: {  	[smem:$0x3F8F] =	sst s1;
	(tag) =	ssettag s2;
	_ =	strace s9  }
0x27: {  	s1 =	sld [smem:$0x3F9F]  }
0x28: {  	s2 =	sld [smem:$0x3FA0]  }
0x29: {  	s4 =	sld [smem:$0x3FA2]  }
0x2a: {  	p0 =	seq.s32 s5, $0x0;
	s5 =	sld [smem:$0x3FA3]  }
0x2b: {  	s6 =	sld [smem:$0x3FA4]  }
0x2c: {  	s7 =	sld [smem:$0x3FA5]  }
0x2d: {  	s3 =	simm.s32 $0x108;
	s8 =	sld [smem:$0x3FA6]  }
0x2e: {  	s3 =	simm.s32 @!p0 $0x1082;
	s9 =	sld [smem:$0x3FA7]  }
0x2f: {  	lr =	sadd.s32 s0, s3;
	s0 =	sld [smem:$0x3F9E]  }
0x30: {  	s3 =	sld [smem:$0x3FA1]  }
0x31: {  	[smem:$0x3FAA] =	sst s10  }
0x32: {  	s10 =	sld [smem:$0x3FA8];
	_ =	sdelay $0x3  }
0x33: {  	p0 =	seq.s32 s10, $0x1;
	s10 =	sld [smem:$0x3FAA];
	_ =	sdelay $0x3  }
0x34: {  	[smem:$0x3FAA] =	sst s10  }
0x35: {  	s10 =	sld [smem:$0x3FA9];
	_ =	sdelay $0x3  }
0x36: {  	p1 =	seq.s32 s10, $0x1;
	s10 =	sld [smem:$0x3FAA];
	_ =	sdelay $0x3  }
0x37: {  	[smem:$0x3FAA] =	sst s10  }
0x38: {  	s10 =	sld [smem:$0x3FAB]  }
0x39: {  	_ = 	snop;
	(pc) =	sbr.ind lr, $3  }
0x3a: {  	_ = 	snop  }
0x3b: {  	_ = 	snop  }
0x3c: {  	p2 =	seq.s32 s10, $0x1;
	s10 =	sld [smem:$0x3FAA]  }
0x3d: {  	_ =	shalt  }
0x3e: {  	_ =	shalt  }
0x3f: {  	_ =	shalt  }
0x40: {  	_ =	shalt  }
0x41: {  	_ =	shalt  }
0x42: {  	_ =	shalt  }
0x43: {  	_ =	shalt  }
0x44: {  	_ =	shalt  }
0x45: {  	_ =	shalt  }
0x46: {  	_ =	shalt  }
0x47: {  	_ =	shalt  }
0x48: {  	_ =	shalt  }
0x49: {  	_ =	shalt  }
0x4a: {  	_ =	shalt  }
0x4b: {  	_ =	shalt  }
0x4c: {  	_ =	shalt  }
0x4d: {  	_ =	shalt  }
0x4e: {  	_ =	shalt  }
0x4f: {  	_ =	shalt  }
0x50: {  	_ =	shalt  }
0x51: {  	_ =	shalt  }
0x52: {  	_ =	shalt  }
0x53: {  	_ =	shalt  }
0x54: {  	_ =	shalt  }
0x55: {  	_ =	shalt  }
0x56: {  	_ =	shalt  }
0x57: {  	_ =	shalt  }
0x58: {  	_ =	shalt  }
0x59: {  	_ =	shalt  }
0x5a: {  	_ =	shalt  }
0x5b: {  	_ =	shalt  }
0x5c: {  	_ =	shalt  }
0x5d: {  	_ =	shalt  }
0x5e: {  	_ =	shalt  }
0x5f: {  	_ =	shalt  }
0x60: {  	_ =	shalt  }
0x61: {  	_ =	shalt  }
0x62: {  	_ =	shalt  }
0x63: {  	_ =	shalt  }
0x64: {  	_ =	shalt  }
0x65: {  	_ =	shalt  }
0x66: {  	_ =	shalt  }
0x67: {  	_ =	shalt  }
0x68: {  	_ =	shalt  }
0x69: {  	_ =	shalt  }
0x6a: {  	_ =	shalt  }
0x6b: {  	_ =	shalt  }
0x6c: {  	_ =	shalt  }
0x6d: {  	_ =	shalt  }
0x6e: {  	_ =	shalt  }
0x6f: {  	_ =	shalt  }
0x70: {  	_ =	shalt  }
0x71: {  	_ =	shalt  }
0x72: {  	_ =	shalt  }
0x73: {  	_ =	shalt  }
0x74: {  	_ =	shalt  }
0x75: {  	_ =	shalt  }
0x76: {  	_ =	shalt  }
0x77: {  	_ =	shalt  }
0x78: {  	_ =	shalt  }
0x79: {  	_ =	shalt  }
0x7a: {  	_ =	shalt  }
0x7b: {  	_ =	shalt  }
0x7c: {  	_ =	shalt  }
0x7d: {  	_ =	shalt  }
0x7e: {  	_ =	shalt  }
0x7f: {  	_ =	shalt  }
0x80: {  	_ =	shalt  }
0x81: {  	_ =	shalt  }
0x82: {  	_ =	shalt  }
0x83: {  	_ =	shalt  }
0x84: {  	_ =	shalt  }
0x85: {  	_ =	shalt  }
0x86: {  	_ =	shalt  }
0x87: {  	_ =	shalt  }
.Lfunc_end0:
.L_simem_size_0:
called_computation_lowered:
.L_overlay_start_0:
0x88: {  	s2 =	sld [smem:$0x3FD9]  }
0x89: {  	s3 =	sld [smem:$0x3FFE];
	_ =	sdelay $0x1  }
0x8a: {  	s1 =	srdreg.scid  }
0x8b: {  	s0 =	sand.u32 $0x1, s1  }
0x8c: {  	s17 =	sshll.u32 s0, $0xA;
	s2 =	sadd.s32 s3, s2  }
0x8d: {  	s2 =	sadd.s32 s2, s17  }
0x8e: {  	[smem:$0x3FB6] =	sst s2  }
0x8f: {  	_ = 	snop  }
0x90: {  	s2 =	sld [smem:$0x3FD0];
	(tm) =	ssettm $0x1  }
0x91: {  	s18 =	sld [smem:$0x3FFB];
	_ =	sdelay $0x3  }
0x92: {  	_ =	strace s18  }
0x93: {  	s3 =	sld [smem:$0x3FFC];
	_ =	sdelay $0x3  }
0x94: {  	_ =	strace s3  }
0x95: {  	s3 =	sld [smem:$0x3FFD];
	_ =	sdelay $0x3  }
0x96: {  	_ =	strace s3  }
0x97: {  	_ =	strace $0x8FFFFFFF  }
0x98: {  	s19 =	sld [smem:$0x3FDB];
	_ =	sdelay $0x1  }
0x99: {  	s4 =	simm.s32 $_scs_section_size  }
0x9a: {  	s5 =	simm.s32 $_size__tile_overlayer_lowered;
	s6 =	simm.s32 $_tile_overlayer_lowered  }
0x9b: {  	s22 =	simm.s32 $0x1BFF;
	s21 =	sshll.u32 s6, $0x1;
	s3 =	sadd.s32 s4, s19  }
0x9c: {  	s7 =	simm.s32 $0x0;
	s20 =	sshll.u32 s5, $0x1;
	s5 =	sadd.s32 s21, s3  }
0x9d: {  	[timem:s7], [sflag:s22] =	dma.local [hbm:s5], s20  }
0x9e: {  	_ =	swait.ge [sflag:s22], s20  }
0x9f: {  	s4 =	ssub.s32 $0x0, s20;
	[sflag:s22] =	ssyncset.done $0x0  }
0xa0: {  	[sflag:s22] =	ssyncadd.s32 s4;
	_ =	sdelay $0x1  }
0xa1: {  	s23 =	simm.s32 $0x1B8B  }
0xa2: {  	_ =	swait.ge [sflag:s23], $0x1  }
0xa3: {  	[sflag:s23] =	ssyncset.done $0x0  }
0xa4: {  	s25 =	simm.s32 $0x1B8E;
	s24 =	sld [smem:$0x3FFE];
	[sflag:s23] =	ssyncadd.s32 $0xFFFFFFFF  }
0xa5: {  	s26 =	simm.s32 $execute0_lowered;
	[smem:$0x3FD2] =	sst s25  }
0xa6: {  	s5 =	sshll.u32 s26, $0x1;
	_ =	strace $0x80000046;
	[dreg:$0x1] =	wrdreg $0xFFFFFFFF  }
0xa7: {  	s28 =	simm.s32 $_size_execute0_lowered;
	s3 =	sadd.s32 s3, s5;
	[dreg:$0x0] =	wrdreg $0x0  }
0xa8: {  	s5 =	sshll.u32 s28, $0x1;
	[dreg:$0x2] =	wrdreg s3  }
0xa9: {  	[dreg:$0x3] =	wrdreg s5  }
0xaa: {  	[dreg:$0x4] =	wrdreg $0xC0  }
0xab: {  	_ =	task [dreg:s7], $0x5FFFF  }
0xac: {  	[dreg:$0x1] =	wrdreg $0xFFFFFFFF  }
0xad: {  	[dreg:$0x0] =	wrdreg $0x60  }
0xae: {  	[dreg:$0x2] =	wrdreg s24  }
0xaf: {  	[dreg:$0x3] =	wrdreg s2  }
0xb0: {  	[dreg:$0x4] =	wrdreg $0x9  }
0xb1: {  	_ =	task.clear_ibuf [dreg:s7], $0x5FFFF;
	_ =	strace $0x90000046  }
0xb2: {  	s29 =	simm.s32 $0x9;
	_ =	strace $0x80000048  }
0xb3: {  	_ =	swait.ge [sflag:s29], $0x1  }
0xb4: {  	[sflag:s29] =	ssyncadd.s32 $0xFFFFFFFF  }
0xb5: {  	_ =	strace $0x90000048  }
0xb6: {  	_ =	sfence  }
0xb7: {  	s30 =	sld [smem:$0x0];
	_ =	sdelay $0x2  }
0xb8: {  	s31 =	sshll.u32 s1, $0xD;
	s1 =	sshrl.u32 s1, $0x2  }
0xb9: {  	s3 =	sand.u32 $0x4000, s31;
	s1 =	sadd.s32 s1, s30  }
0xba: {  	s0 =	sor.u32 s3, s0;
	s1 =	sshll.u32 s1, $0x11  }
0xbb: {  	s0 =	sor.u32 s1, s0  }
0xbc: {  	s0 =	sadd.s32 $0x8F2B, s0  }
0xbd: {  	[sflag:s0] =	ssyncadd.remote.s32 $0x1  }
0xbe: {  	_ =	sfence.sel $0xFFFF  }
0xbf: {  	[dreg:$0x0] =	wrdreg $0xFFFFFFFF;
	(pc) =	sbr.abs _section_cstart, $3  }
0xc0: {  	[dreg:$0x1] =	wrdreg $0xFFFFFFFF  }
0xc1: {  	_ =	task.clear_ibuf [dreg:s7], $0x2FFFF;
	_ =	strace $0x9FFFFFFF  }
0xc2: {  	(tm) =	ssettm $0x7FFFFFFF  }
0xc3: {  	_ =	shalt  }
tec
execute0_lowered:
.L_overlay_start_1:
0x0: {  	(tag) =	ssettag $0x1  }
0x1: {  	s6 =	rddreg [dreg:$0x0]  }
0x2: {  	s2 =	rddreg [dreg:$0x1]  }
0x3: {  	s1 =	stileid.u32;
	s3 =	srdreg.scid  }
0x4: {  	s0 =	rddreg [dreg:$0x2];
	s4 =	sshll.u32 s1, $0x1;
	s7 =	sand.u32 $0x1, s3  }
0x5: {  	s5 =	sshrl.u32 s1, $0x3;
	s3 =	simm.s32 $0x0;
	s4 =	sand.u32 $0xE, s4  }
0x6: {  	s30 =	sand.u32 $0x8, s1;
	s9 =	smul.u32 $0x78000, s5;
	s8 =	sor.u32 s7, s4  }
0x7: {  	[smem:$0x7FF] =	sst s3;
	s5 =	sadd.s32 $0x20A00, s6;
	s10 =	smul.u32 $0x7800, s8  }
0x8: {  	s31 =	sadd.s32 $0x8, s30;
	s7 =	ssub.s32 $0x2, s7;
	s11 =	smul.u32 $0xF00, s8  }
0x9: {  	_ =	strace $0x80000047;
	s4 =	sadd.s32 $0xEDC00, s6;
	s26 =	sshrl.u32 s7, $0x1  }
0xa: {  	s29 =	ssub.s32 s7, s26;
	s9 =	sadd.s32 s9, s10;
	s12 =	sadd.s32 $0xF00, s11  }
0xb: {  	s8 =	smax.u32 s29, $0x1;
	s10 =	simm.s32 $0x7800;
	s9 =	sshrl.u32 s9, $0x3  }
0xc: {  	v2 =	vmov s11;
	s11 =	simm.s32 $0x7C00;
	v3 =	vmov s12;
	s12 =	simm.s32 $0x8000;
	s28 =	sadd.s32 s9, s6  }
0xd: {  	v0 =	vmov s30;
	v1 =	vmov s31;
	s9 =	simm.s32 $0x1;
	s6 =	sadd.s32 $0x2A00, s28;
	s7 =	sadd.s32 $0x20C00, s28  }
.LBB2_1:
0xe: {  	[tilespmem:s3], [sflag:$0x1] =	stream.linear.gather [hbm4b:s6+s3], $0x7800, $0x38;
	[tilespmem:$0x8400] =	vst v63  }
0xf: {  	_ =	swait.ge [sflag:s9], $0x7800  }
0x10: {  	[sflag:s9] =	ssyncset.done $0x0  }
0x11: {  	[sflag:s9] =	ssyncadd.s32 $0xFFFF8800  }
0x12: {  	[tilespmem:s10], [sflag:$0x1] =	stream.linear.gather [hbm4b:s2+s3], $0x400, $0x38;
	[tilespmem:$0x8400] =	vst v63  }
0x13: {  	_ =	swait.ge [sflag:s9], $0x400  }
0x14: {  	[sflag:s9] =	ssyncset.done $0x0  }
0x15: {  	[sflag:s9] =	ssyncadd.s32 $0xFFFFFC00  }
0x16: {  	[tilespmem:s11], [sflag:$0x1] =	stream.linear.gather [hbm4b:s4+s3], $0x400, $0x38;
	[tilespmem:$0x8400] =	vst v63  }
0x17: {  	_ =	swait.ge [sflag:s9], $0x400  }
0x18: {  	[sflag:s9] =	ssyncset.done $0x0  }
0x19: {  	[sflag:s9] =	ssyncadd.s32 $0xFFFFFC00  }
0x1a: {  	[tilespmem:s12], [sflag:$0x1] =	stream.linear.gather [hbm4b:s5+s3], $0x400, $0x38;
	[tilespmem:$0x8400] =	vst v63  }
0x1b: {  	_ =	swait.ge [sflag:s9], $0x400  }
0x1c: {  	[sflag:s9] =	ssyncset.done $0x0  }
0x1d: {  	[sflag:s9] =	ssyncadd.s32 $0xFFFFFC00  }
0x1e: {  	v4 =	vld [tilespmem:$0x7800]  }
0x1f: {  	v5 =	vld [tilespmem:$0x7C00];
	_ =	sdelay $0x4  }
0x20: {  	vm0 =	vge.s32 v4, v0;
	vm1 =	vge.s32 v5, v2;
	v6 =	vsub.s32 v4, v0  }
0x21: {  	v7 =	vsub.s32 v5, v2;
	vm14 =	vlt.s32 v4, v1;
	v6 =	vshrl.u32 v6, $0x3  }
0x22: {  	v4 =	vshll.u32 v4, $0x7;
	v7 =	vshll.u32 v7, $0x3;
	v6 =	vmul.u32 $0x7800, v6  }
0x23: {  	vm15 =	vlt.s32 v5, v3;
	vm0 =	vmand vm0, vm1;
	v7 =	vand.u32 $0xFFFFFC00, v7  }
0x24: {  	v4 =	vand.u32 $0x380, v4;
	vm0 =	vmand vm0, vm14;
	v6 =	vadd.s32 v6, v7  }
0x25: {  	v5 =	vand.u32 $0x7F, v5;
	vm0 =	vmand vm15, vm0;
	v4 =	vor.u32 v4, v6  }
0x26: {  	v39 =	vld [tilespmem:$0x8000];
	v4 =	vor.u32 v5, v4;
	_ =	sdelay $0x4  }
0x27: {  	[tilespmem:v4+s3+$0x0] =	vst.idx.msk vm0, v39  }
0x28: {  	v4 =	vld [tilespmem:$0x7810]  }
0x29: {  	v5 =	vld [tilespmem:$0x7C10];
	_ =	sdelay $0x4  }
0x2a: {  	vm4 =	vge.s32 v4, v0;
	vm5 =	vge.s32 v5, v2;
	v40 =	vsub.s32 v4, v0  }
0x2b: {  	v41 =	vsub.s32 v5, v2;
	vm6 =	vlt.s32 v4, v1;
	v6 =	vshrl.u32 v40, $0x3  }
0x2c: {  	v4 =	vshll.u32 v4, $0x7;
	v7 =	vshll.u32 v41, $0x3;
	v6 =	vmul.u32 $0x7800, v6  }
0x2d: {  	vm7 =	vlt.s32 v5, v3;
	vm0 =	vmand vm4, vm5;
	v7 =	vand.u32 $0xFFFFFC00, v7  }
0x2e: {  	v4 =	vand.u32 $0x380, v4;
	vm0 =	vmand vm0, vm6;
	v6 =	vadd.s32 v6, v7  }
0x2f: {  	v5 =	vand.u32 $0x7F, v5;
	vm0 =	vmand vm7, vm0;
	v4 =	vor.u32 v4, v6  }
0x30: {  	v42 =	vld [tilespmem:$0x8010];
	v4 =	vor.u32 v5, v4;
	_ =	sdelay $0x4  }
0x31: {  	[tilespmem:v4+s3+$0x0] =	vst.idx.msk vm0, v42  }
0x32: {  	v4 =	vld [tilespmem:$0x7820]  }
0x33: {  	v5 =	vld [tilespmem:$0x7C20];
	_ =	sdelay $0x4  }
0x34: {  	vm8 =	vge.s32 v4, v0;
	vm9 =	vge.s32 v5, v2;
	v43 =	vsub.s32 v4, v0  }
0x35: {  	v44 =	vsub.s32 v5, v2;
	vm10 =	vlt.s32 v4, v1;
	v6 =	vshrl.u32 v43, $0x3  }
0x36: {  	v4 =	vshll.u32 v4, $0x7;
	v7 =	vshll.u32 v44, $0x3;
	v6 =	vmul.u32 $0x7800, v6  }
0x37: {  	vm11 =	vlt.s32 v5, v3;
	vm0 =	vmand vm8, vm9;
	v7 =	vand.u32 $0xFFFFFC00, v7  }
0x38: {  	v4 =	vand.u32 $0x380, v4;
	vm0 =	vmand vm0, vm10;
	v6 =	vadd.s32 v6, v7  }
0x39: {  	v5 =	vand.u32 $0x7F, v5;
	vm0 =	vmand vm11, vm0;
	v4 =	vor.u32 v4, v6  }
0x3a: {  	v45 =	vld [tilespmem:$0x8020];
	v4 =	vor.u32 v5, v4;
	_ =	sdelay $0x4  }
0x3b: {  	[tilespmem:v4+s3+$0x0] =	vst.idx.msk vm0, v45  }
0x3c: {  	v4 =	vld [tilespmem:$0x7830]  }
0x3d: {  	v5 =	vld [tilespmem:$0x7C30];
	_ =	sdelay $0x4  }
0x3e: {  	vm12 =	vge.s32 v4, v0;
	vm13 =	vge.s32 v5, v2;
	v46 =	vsub.s32 v4, v0  }
0x3f: {  	v47 =	vsub.s32 v5, v2;
	vm14 =	vlt.s32 v4, v1;
	v6 =	vshrl.u32 v46, $0x3  }
0x40: {  	v4 =	vshll.u32 v4, $0x7;
	v7 =	vshll.u32 v47, $0x3;
	v6 =	vmul.u32 $0x7800, v6  }
0x41: {  	vm15 =	vlt.s32 v5, v3;
	vm0 =	vmand vm12, vm13;
	v7 =	vand.u32 $0xFFFFFC00, v7  }
0x42: {  	v4 =	vand.u32 $0x380, v4;
	vm0 =	vmand vm0, vm14;
	v6 =	vadd.s32 v6, v7  }
0x43: {  	v5 =	vand.u32 $0x7F, v5;
	vm0 =	vmand vm15, vm0;
	v4 =	vor.u32 v4, v6  }
0x44: {  	v48 =	vld [tilespmem:$0x8030];
	v4 =	vor.u32 v5, v4;
	_ =	sdelay $0x4  }
0x45: {  	[tilespmem:v4+s3+$0x0] =	vst.idx.msk vm0, v48  }
0x46: {  	v4 =	vld [tilespmem:$0x7840]  }
0x47: {  	v5 =	vld [tilespmem:$0x7C40];
	_ =	sdelay $0x4  }
0x48: {  	vm4 =	vge.s32 v4, v0;
	vm5 =	vge.s32 v5, v2;
	v49 =	vsub.s32 v4, v0  }
0x49: {  	v50 =	vsub.s32 v5, v2;
	vm6 =	vlt.s32 v4, v1;
	v6 =	vshrl.u32 v49, $0x3  }
0x4a: {  	v4 =	vshll.u32 v4, $0x7;
	v7 =	vshll.u32 v50, $0x3;
	v6 =	vmul.u32 $0x7800, v6  }
0x4b: {  	vm7 =	vlt.s32 v5, v3;
	vm0 =	vmand vm4, vm5;
	v7 =	vand.u32 $0xFFFFFC00, v7  }
0x4c: {  	v4 =	vand.u32 $0x380, v4;
	vm0 =	vmand vm0, vm6;
	v6 =	vadd.s32 v6, v7  }
0x4d: {  	v5 =	vand.u32 $0x7F, v5;
	vm0 =	vmand vm7, vm0;
	v4 =	vor.u32 v4, v6  }
0x4e: {  	v51 =	vld [tilespmem:$0x8040];
	v4 =	vor.u32 v5, v4;
	_ =	sdelay $0x4  }
0x4f: {  	[tilespmem:v4+s3+$0x0] =	vst.idx.msk vm0, v51  }
0x50: {  	v4 =	vld [tilespmem:$0x7850]  }
0x51: {  	v5 =	vld [tilespmem:$0x7C50];
	_ =	sdelay $0x4  }
0x52: {  	vm8 =	vge.s32 v4, v0;
	vm9 =	vge.s32 v5, v2;
	v52 =	vsub.s32 v4, v0  }
0x53: {  	v53 =	vsub.s32 v5, v2;
	vm10 =	vlt.s32 v4, v1;
	v6 =	vshrl.u32 v52, $0x3  }
0x54: {  	v4 =	vshll.u32 v4, $0x7;
	v7 =	vshll.u32 v53, $0x3;
	v6 =	vmul.u32 $0x7800, v6  }
0x55: {  	vm11 =	vlt.s32 v5, v3;
	vm0 =	vmand vm8, vm9;
	v7 =	vand.u32 $0xFFFFFC00, v7  }
0x56: {  	v4 =	vand.u32 $0x380, v4;
	vm0 =	vmand vm0, vm10;
	v6 =	vadd.s32 v6, v7  }
0x57: {  	v5 =	vand.u32 $0x7F, v5;
	vm0 =	vmand vm11, vm0;
	v4 =	vor.u32 v4, v6  }
0x58: {  	v54 =	vld [tilespmem:$0x8050];
	v4 =	vor.u32 v5, v4;
	_ =	sdelay $0x4  }
0x59: {  	[tilespmem:v4+s3+$0x0] =	vst.idx.msk vm0, v54  }
0x5a: {  	v4 =	vld [tilespmem:$0x7860]  }
0x5b: {  	v5 =	vld [tilespmem:$0x7C60];
	_ =	sdelay $0x4  }
0x5c: {  	vm12 =	vge.s32 v4, v0;
	vm13 =	vge.s32 v5, v2;
	v55 =	vsub.s32 v4, v0  }
0x5d: {  	v56 =	vsub.s32 v5, v2;
	vm14 =	vlt.s32 v4, v1;
	v6 =	vshrl.u32 v55, $0x3  }
0x5e: {  	v4 =	vshll.u32 v4, $0x7;
	v7 =	vshll.u32 v56, $0x3;
	v6 =	vmul.u32 $0x7800, v6  }
0x5f: {  	vm15 =	vlt.s32 v5, v3;
	vm0 =	vmand vm12, vm13;
	v7 =	vand.u32 $0xFFFFFC00, v7  }
0x60: {  	v4 =	vand.u32 $0x380, v4;
	vm0 =	vmand vm0, vm14;
	v6 =	vadd.s32 v6, v7  }
0x61: {  	v5 =	vand.u32 $0x7F, v5;
	vm0 =	vmand vm15, vm0;
	v4 =	vor.u32 v4, v6  }
0x62: {  	v57 =	vld [tilespmem:$0x8060];
	v4 =	vor.u32 v5, v4;
	_ =	sdelay $0x4  }
0x63: {  	[tilespmem:v4+s3+$0x0] =	vst.idx.msk vm0, v57  }
0x64: {  	v4 =	vld [tilespmem:$0x7870]  }
0x65: {  	v5 =	vld [tilespmem:$0x7C70];
	_ =	sdelay $0x4  }
0x66: {  	vm4 =	vge.s32 v4, v0;
	vm5 =	vge.s32 v5, v2;
	v58 =	vsub.s32 v4, v0  }
0x67: {  	v59 =	vsub.s32 v5, v2;
	vm6 =	vlt.s32 v4, v1;
	v6 =	vshrl.u32 v58, $0x3  }
0x68: {  	v4 =	vshll.u32 v4, $0x7;
	v7 =	vshll.u32 v59, $0x3;
	v6 =	vmul.u32 $0x7800, v6  }
0x69: {  	vm7 =	vlt.s32 v5, v3;
	vm0 =	vmand vm4, vm5;
	v7 =	vand.u32 $0xFFFFFC00, v7  }
0x6a: {  	v4 =	vand.u32 $0x380, v4;
	vm0 =	vmand vm0, vm6;
	v6 =	vadd.s32 v6, v7  }
0x6b: {  	v5 =	vand.u32 $0x7F, v5;
	vm0 =	vmand vm7, vm0;
	v4 =	vor.u32 v4, v6  }
0x6c: {  	v60 =	vld [tilespmem:$0x8070];
	v4 =	vor.u32 v5, v4;
	_ =	sdelay $0x4  }
0x6d: {  	[tilespmem:v4+s3+$0x0] =	vst.idx.msk vm0, v60  }
0x6e: {  	v4 =	vld [tilespmem:$0x7880]  }
0x6f: {  	v5 =	vld [tilespmem:$0x7C80];
	_ =	sdelay $0x4  }
0x70: {  	vm8 =	vge.s32 v4, v0;
	vm9 =	vge.s32 v5, v2;
	v61 =	vsub.s32 v4, v0  }
0x71: {  	v62 =	vsub.s32 v5, v2;
	vm10 =	vlt.s32 v4, v1;
	v6 =	vshrl.u32 v61, $0x3  }
0x72: {  	v4 =	vshll.u32 v4, $0x7;
	v7 =	vshll.u32 v62, $0x3;
	v6 =	vmul.u32 $0x7800, v6  }
0x73: {  	vm11 =	vlt.s32 v5, v3;
	vm0 =	vmand vm8, vm9;
	v7 =	vand.u32 $0xFFFFFC00, v7  }
0x74: {  	v4 =	vand.u32 $0x380, v4;
	vm0 =	vmand vm0, vm10;
	v6 =	vadd.s32 v6, v7  }
0x75: {  	v5 =	vand.u32 $0x7F, v5;
	vm0 =	vmand vm11, vm0;
	v4 =	vor.u32 v4, v6  }
0x76: {  	v63 =	vld [tilespmem:$0x8080];
	v4 =	vor.u32 v5, v4;
	_ =	sdelay $0x4  }
0x77: {  	[tilespmem:v4+s3+$0x0] =	vst.idx.msk vm0, v63  }
0x78: {  	v4 =	vld [tilespmem:$0x7890]  }
0x79: {  	v5 =	vld [tilespmem:$0x7C90];
	_ =	sdelay $0x4  }
0x7a: {  	vm12 =	vge.s32 v4, v0;
	vm13 =	vge.s32 v5, v2;
	v9 =	vsub.s32 v4, v0  }
0x7b: {  	v10 =	vsub.s32 v5, v2;
	vm14 =	vlt.s32 v4, v1;
	v6 =	vshrl.u32 v9, $0x3  }
0x7c: {  	v4 =	vshll.u32 v4, $0x7;
	v7 =	vshll.u32 v10, $0x3;
	v6 =	vmul.u32 $0x7800, v6  }
0x7d: {  	vm15 =	vlt.s32 v5, v3;
	vm0 =	vmand vm12, vm13;
	v7 =	vand.u32 $0xFFFFFC00, v7  }
0x7e: {  	v4 =	vand.u32 $0x380, v4;
	vm0 =	vmand vm0, vm14;
	v6 =	vadd.s32 v6, v7  }
0x7f: {  	v5 =	vand.u32 $0x7F, v5;
	vm0 =	vmand vm15, vm0;
	v4 =	vor.u32 v4, v6  }
0x80: {  	v11 =	vld [tilespmem:$0x8090];
	v4 =	vor.u32 v5, v4;
	_ =	sdelay $0x4  }
0x81: {  	[tilespmem:v4+s3+$0x0] =	vst.idx.msk vm0, v11  }
0x82: {  	v4 =	vld [tilespmem:$0x78A0]  }
0x83: {  	v5 =	vld [tilespmem:$0x7CA0];
	_ =	sdelay $0x4  }
0x84: {  	vm4 =	vge.s32 v4, v0;
	vm5 =	vge.s32 v5, v2;
	v12 =	vsub.s32 v4, v0  }
0x85: {  	v13 =	vsub.s32 v5, v2;
	vm6 =	vlt.s32 v4, v1;
	v6 =	vshrl.u32 v12, $0x3  }
0x86: {  	v4 =	vshll.u32 v4, $0x7;
	v7 =	vshll.u32 v13, $0x3;
	v6 =	vmul.u32 $0x7800, v6  }
0x87: {  	vm7 =	vlt.s32 v5, v3;
	vm0 =	vmand vm4, vm5;
	v7 =	vand.u32 $0xFFFFFC00, v7  }
0x88: {  	v4 =	vand.u32 $0x380, v4;
	vm0 =	vmand vm0, vm6;
	v6 =	vadd.s32 v6, v7  }
0x89: {  	v5 =	vand.u32 $0x7F, v5;
	vm0 =	vmand vm7, vm0;
	v4 =	vor.u32 v4, v6  }
0x8a: {  	v14 =	vld [tilespmem:$0x80A0];
	v4 =	vor.u32 v5, v4;
	_ =	sdelay $0x4  }
0x8b: {  	[tilespmem:v4+s3+$0x0] =	vst.idx.msk vm0, v14  }
0x8c: {  	v4 =	vld [tilespmem:$0x78B0]  }
0x8d: {  	v5 =	vld [tilespmem:$0x7CB0];
	_ =	sdelay $0x4  }
0x8e: {  	vm8 =	vge.s32 v4, v0;
	vm9 =	vge.s32 v5, v2;
	v15 =	vsub.s32 v4, v0  }
0x8f: {  	v16 =	vsub.s32 v5, v2;
	vm10 =	vlt.s32 v4, v1;
	v6 =	vshrl.u32 v15, $0x3  }
0x90: {  	v4 =	vshll.u32 v4, $0x7;
	v7 =	vshll.u32 v16, $0x3;
	v6 =	vmul.u32 $0x7800, v6  }
0x91: {  	vm11 =	vlt.s32 v5, v3;
	vm0 =	vmand vm8, vm9;
	v7 =	vand.u32 $0xFFFFFC00, v7  }
0x92: {  	v4 =	vand.u32 $0x380, v4;
	vm0 =	vmand vm0, vm10;
	v6 =	vadd.s32 v6, v7  }
0x93: {  	v5 =	vand.u32 $0x7F, v5;
	vm0 =	vmand vm11, vm0;
	v4 =	vor.u32 v4, v6  }
0x94: {  	v17 =	vld [tilespmem:$0x80B0];
	v4 =	vor.u32 v5, v4;
	_ =	sdelay $0x4  }
0x95: {  	[tilespmem:v4+s3+$0x0] =	vst.idx.msk vm0, v17  }
0x96: {  	v4 =	vld [tilespmem:$0x78C0]  }
0x97: {  	v5 =	vld [tilespmem:$0x7CC0];
	_ =	sdelay $0x4  }
0x98: {  	vm12 =	vge.s32 v4, v0;
	vm13 =	vge.s32 v5, v2;
	v18 =	vsub.s32 v4, v0  }
0x99: {  	v19 =	vsub.s32 v5, v2;
	vm14 =	vlt.s32 v4, v1;
	v6 =	vshrl.u32 v18, $0x3  }
0x9a: {  	v4 =	vshll.u32 v4, $0x7;
	v7 =	vshll.u32 v19, $0x3;
	v6 =	vmul.u32 $0x7800, v6  }
0x9b: {  	vm15 =	vlt.s32 v5, v3;
	vm0 =	vmand vm12, vm13;
	v7 =	vand.u32 $0xFFFFFC00, v7  }
0x9c: {  	v4 =	vand.u32 $0x380, v4;
	vm0 =	vmand vm0, vm14;
	v6 =	vadd.s32 v6, v7  }
0x9d: {  	v5 =	vand.u32 $0x7F, v5;
	vm0 =	vmand vm15, vm0;
	v4 =	vor.u32 v4, v6  }
0x9e: {  	v20 =	vld [tilespmem:$0x80C0];
	v4 =	vor.u32 v5, v4;
	_ =	sdelay $0x4  }
0x9f: {  	[tilespmem:v4+s3+$0x0] =	vst.idx.msk vm0, v20  }
0xa0: {  	v4 =	vld [tilespmem:$0x78D0]  }
0xa1: {  	v5 =	vld [tilespmem:$0x7CD0];
	_ =	sdelay $0x4  }
0xa2: {  	vm4 =	vge.s32 v4, v0;
	vm5 =	vge.s32 v5, v2;
	v21 =	vsub.s32 v4, v0  }
0xa3: {  	v22 =	vsub.s32 v5, v2;
	vm6 =	vlt.s32 v4, v1;
	v6 =	vshrl.u32 v21, $0x3  }
0xa4: {  	v4 =	vshll.u32 v4, $0x7;
	v7 =	vshll.u32 v22, $0x3;
	v6 =	vmul.u32 $0x7800, v6  }
0xa5: {  	vm7 =	vlt.s32 v5, v3;
	vm0 =	vmand vm4, vm5;
	v7 =	vand.u32 $0xFFFFFC00, v7  }
0xa6: {  	v4 =	vand.u32 $0x380, v4;
	vm0 =	vmand vm0, vm6;
	v6 =	vadd.s32 v6, v7  }
0xa7: {  	v5 =	vand.u32 $0x7F, v5;
	vm0 =	vmand vm7, vm0;
	v4 =	vor.u32 v4, v6  }
0xa8: {  	v23 =	vld [tilespmem:$0x80D0];
	v4 =	vor.u32 v5, v4;
	_ =	sdelay $0x4  }
0xa9: {  	[tilespmem:v4+s3+$0x0] =	vst.idx.msk vm0, v23  }
0xaa: {  	v4 =	vld [tilespmem:$0x78E0]  }
0xab: {  	v5 =	vld [tilespmem:$0x7CE0];
	_ =	sdelay $0x4  }
0xac: {  	vm8 =	vge.s32 v4, v0;
	vm9 =	vge.s32 v5, v2;
	v24 =	vsub.s32 v4, v0  }
0xad: {  	v25 =	vsub.s32 v5, v2;
	vm10 =	vlt.s32 v4, v1;
	v6 =	vshrl.u32 v24, $0x3  }
0xae: {  	v4 =	vshll.u32 v4, $0x7;
	v7 =	vshll.u32 v25, $0x3;
	v6 =	vmul.u32 $0x7800, v6  }
0xaf: {  	vm11 =	vlt.s32 v5, v3;
	vm0 =	vmand vm8, vm9;
	v7 =	vand.u32 $0xFFFFFC00, v7  }
0xb0: {  	v4 =	vand.u32 $0x380, v4;
	vm0 =	vmand vm0, vm10;
	v6 =	vadd.s32 v6, v7  }
0xb1: {  	v5 =	vand.u32 $0x7F, v5;
	vm0 =	vmand vm11, vm0;
	v4 =	vor.u32 v4, v6  }
0xb2: {  	v26 =	vld [tilespmem:$0x80E0];
	v4 =	vor.u32 v5, v4;
	_ =	sdelay $0x4  }
0xb3: {  	[tilespmem:v4+s3+$0x0] =	vst.idx.msk vm0, v26  }
0xb4: {  	v4 =	vld [tilespmem:$0x78F0]  }
0xb5: {  	v5 =	vld [tilespmem:$0x7CF0];
	_ =	sdelay $0x4  }
0xb6: {  	vm12 =	vge.s32 v4, v0;
	vm13 =	vge.s32 v5, v2;
	v27 =	vsub.s32 v4, v0  }
0xb7: {  	v28 =	vsub.s32 v5, v2;
	vm14 =	vlt.s32 v4, v1;
	v6 =	vshrl.u32 v27, $0x3  }
0xb8: {  	v4 =	vshll.u32 v4, $0x7;
	v7 =	vshll.u32 v28, $0x3;
	v6 =	vmul.u32 $0x7800, v6  }
0xb9: {  	vm15 =	vlt.s32 v5, v3;
	vm0 =	vmand vm12, vm13;
	v7 =	vand.u32 $0xFFFFFC00, v7  }
0xba: {  	v4 =	vand.u32 $0x380, v4;
	vm0 =	vmand vm0, vm14;
	v6 =	vadd.s32 v6, v7  }
0xbb: {  	v5 =	vand.u32 $0x7F, v5;
	vm0 =	vmand vm15, vm0;
	v4 =	vor.u32 v4, v6  }
0xbc: {  	v29 =	vld [tilespmem:$0x80F0];
	v4 =	vor.u32 v5, v4;
	_ =	sdelay $0x4  }
0xbd: {  	[tilespmem:v4+s3+$0x0] =	vst.idx.msk vm0, v29  }
0xbe: {  	v4 =	vld [tilespmem:$0x7900]  }
0xbf: {  	v5 =	vld [tilespmem:$0x7D00];
	_ =	sdelay $0x4  }
0xc0: {  	vm4 =	vge.s32 v4, v0;
	vm5 =	vge.s32 v5, v2;
	v30 =	vsub.s32 v4, v0  }
0xc1: {  	v31 =	vsub.s32 v5, v2;
	vm6 =	vlt.s32 v4, v1;
	v6 =	vshrl.u32 v30, $0x3  }
0xc2: {  	v4 =	vshll.u32 v4, $0x7;
	v7 =	vshll.u32 v31, $0x3;
	v6 =	vmul.u32 $0x7800, v6  }
0xc3: {  	vm7 =	vlt.s32 v5, v3;
	vm0 =	vmand vm4, vm5;
	v7 =	vand.u32 $0xFFFFFC00, v7  }
0xc4: {  	v4 =	vand.u32 $0x380, v4;
	vm0 =	vmand vm0, vm6;
	v6 =	vadd.s32 v6, v7  }
0xc5: {  	v5 =	vand.u32 $0x7F, v5;
	vm0 =	vmand vm7, vm0;
	v4 =	vor.u32 v4, v6  }
0xc6: {  	v32 =	vld [tilespmem:$0x8100];
	v4 =	vor.u32 v5, v4;
	_ =	sdelay $0x4  }
0xc7: {  	[tilespmem:v4+s3+$0x0] =	vst.idx.msk vm0, v32  }
0xc8: {  	v4 =	vld [tilespmem:$0x7910]  }
0xc9: {  	v5 =	vld [tilespmem:$0x7D10];
	_ =	sdelay $0x4  }
0xca: {  	vm8 =	vge.s32 v4, v0;
	vm9 =	vge.s32 v5, v2;
	v33 =	vsub.s32 v4, v0  }
0xcb: {  	v34 =	vsub.s32 v5, v2;
	vm10 =	vlt.s32 v4, v1;
	v6 =	vshrl.u32 v33, $0x3  }
0xcc: {  	v4 =	vshll.u32 v4, $0x7;
	v7 =	vshll.u32 v34, $0x3;
	v6 =	vmul.u32 $0x7800, v6  }
0xcd: {  	vm11 =	vlt.s32 v5, v3;
	vm0 =	vmand vm8, vm9;
	v7 =	vand.u32 $0xFFFFFC00, v7  }
0xce: {  	v4 =	vand.u32 $0x380, v4;
	vm0 =	vmand vm0, vm10;
	v6 =	vadd.s32 v6, v7  }
0xcf: {  	v5 =	vand.u32 $0x7F, v5;
	vm0 =	vmand vm11, vm0;
	v4 =	vor.u32 v4, v6  }
0xd0: {  	v35 =	vld [tilespmem:$0x8110];
	v4 =	vor.u32 v5, v4;
	_ =	sdelay $0x4  }
0xd1: {  	[tilespmem:v4+s3+$0x0] =	vst.idx.msk vm0, v35  }
0xd2: {  	v4 =	vld [tilespmem:$0x7920]  }
0xd3: {  	v5 =	vld [tilespmem:$0x7D20];
	_ =	sdelay $0x4  }
0xd4: {  	vm12 =	vge.s32 v4, v0;
	vm13 =	vge.s32 v5, v2;
	v36 =	vsub.s32 v4, v0  }
0xd5: {  	v37 =	vsub.s32 v5, v2;
	vm14 =	vlt.s32 v4, v1;
	v6 =	vshrl.u32 v36, $0x3  }
0xd6: {  	v4 =	vshll.u32 v4, $0x7;
	v7 =	vshll.u32 v37, $0x3;
	v6 =	vmul.u32 $0x7800, v6  }
0xd7: {  	vm15 =	vlt.s32 v5, v3;
	vm0 =	vmand vm12, vm13;
	v7 =	vand.u32 $0xFFFFFC00, v7  }
0xd8: {  	v4 =	vand.u32 $0x380, v4;
	vm0 =	vmand vm0, vm14;
	v6 =	vadd.s32 v6, v7  }
0xd9: {  	v5 =	vand.u32 $0x7F, v5;
	vm0 =	vmand vm15, vm0;
	v4 =	vor.u32 v4, v6  }
0xda: {  	v38 =	vld [tilespmem:$0x8120];
	v4 =	vor.u32 v5, v4;
	_ =	sdelay $0x4  }
0xdb: {  	[tilespmem:v4+s3+$0x0] =	vst.idx.msk vm0, v38  }
0xdc: {  	v4 =	vld [tilespmem:$0x7930]  }
0xdd: {  	v5 =	vld [tilespmem:$0x7D30];
	_ =	sdelay $0x4  }
0xde: {  	vm4 =	vge.s32 v4, v0;
	vm5 =	vge.s32 v5, v2;
	v39 =	vsub.s32 v4, v0  }
0xdf: {  	v40 =	vsub.s32 v5, v2;
	vm6 =	vlt.s32 v4, v1;
	v6 =	vshrl.u32 v39, $0x3  }
0xe0: {  	v4 =	vshll.u32 v4, $0x7;
	v7 =	vshll.u32 v40, $0x3;
	v6 =	vmul.u32 $0x7800, v6  }
0xe1: {  	vm7 =	vlt.s32 v5, v3;
	vm0 =	vmand vm4, vm5;
	v7 =	vand.u32 $0xFFFFFC00, v7  }
0xe2: {  	v4 =	vand.u32 $0x380, v4;
	vm0 =	vmand vm0, vm6;
	v6 =	vadd.s32 v6, v7  }
0xe3: {  	v5 =	vand.u32 $0x7F, v5;
	vm0 =	vmand vm7, vm0;
	v4 =	vor.u32 v4, v6  }
0xe4: {  	v41 =	vld [tilespmem:$0x8130];
	v4 =	vor.u32 v5, v4;
	_ =	sdelay $0x4  }
0xe5: {  	[tilespmem:v4+s3+$0x0] =	vst.idx.msk vm0, v41  }
0xe6: {  	v4 =	vld [tilespmem:$0x7940]  }
0xe7: {  	v5 =	vld [tilespmem:$0x7D40];
	_ =	sdelay $0x4  }
0xe8: {  	vm8 =	vge.s32 v4, v0;
	vm9 =	vge.s32 v5, v2;
	v42 =	vsub.s32 v4, v0  }
0xe9: {  	v43 =	vsub.s32 v5, v2;
	vm10 =	vlt.s32 v4, v1;
	v6 =	vshrl.u32 v42, $0x3  }
0xea: {  	v4 =	vshll.u32 v4, $0x7;
	v7 =	vshll.u32 v43, $0x3;
	v6 =	vmul.u32 $0x7800, v6  }
0xeb: {  	vm11 =	vlt.s32 v5, v3;
	vm0 =	vmand vm8, vm9;
	v7 =	vand.u32 $0xFFFFFC00, v7  }
0xec: {  	v4 =	vand.u32 $0x380, v4;
	vm0 =	vmand vm0, vm10;
	v6 =	vadd.s32 v6, v7  }
0xed: {  	v5 =	vand.u32 $0x7F, v5;
	vm0 =	vmand vm11, vm0;
	v4 =	vor.u32 v4, v6  }
0xee: {  	v44 =	vld [tilespmem:$0x8140];
	v4 =	vor.u32 v5, v4;
	_ =	sdelay $0x4  }
0xef: {  	[tilespmem:v4+s3+$0x0] =	vst.idx.msk vm0, v44  }
0xf0: {  	v4 =	vld [tilespmem:$0x7950]  }
0xf1: {  	v5 =	vld [tilespmem:$0x7D50];
	_ =	sdelay $0x4  }
0xf2: {  	vm12 =	vge.s32 v4, v0;
	vm13 =	vge.s32 v5, v2;
	v45 =	vsub.s32 v4, v0  }
0xf3: {  	v46 =	vsub.s32 v5, v2;
	vm14 =	vlt.s32 v4, v1;
	v6 =	vshrl.u32 v45, $0x3  }
0xf4: {  	v4 =	vshll.u32 v4, $0x7;
	v7 =	vshll.u32 v46, $0x3;
	v6 =	vmul.u32 $0x7800, v6  }
0xf5: {  	vm15 =	vlt.s32 v5, v3;
	vm0 =	vmand vm12, vm13;
	v7 =	vand.u32 $0xFFFFFC00, v7  }
0xf6: {  	v4 =	vand.u32 $0x380, v4;
	vm0 =	vmand vm0, vm14;
	v6 =	vadd.s32 v6, v7  }
0xf7: {  	v5 =	vand.u32 $0x7F, v5;
	vm0 =	vmand vm15, vm0;
	v4 =	vor.u32 v4, v6  }
0xf8: {  	v47 =	vld [tilespmem:$0x8150];
	v4 =	vor.u32 v5, v4;
	_ =	sdelay $0x4  }
0xf9: {  	[tilespmem:v4+s3+$0x0] =	vst.idx.msk vm0, v47  }
0xfa: {  	v4 =	vld [tilespmem:$0x7960]  }
0xfb: {  	v5 =	vld [tilespmem:$0x7D60];
	_ =	sdelay $0x4  }
0xfc: {  	vm4 =	vge.s32 v4, v0;
	vm5 =	vge.s32 v5, v2;
	v48 =	vsub.s32 v4, v0  }
0xfd: {  	v49 =	vsub.s32 v5, v2;
	vm6 =	vlt.s32 v4, v1;
	v6 =	vshrl.u32 v48, $0x3  }
0xfe: {  	v4 =	vshll.u32 v4, $0x7;
	v7 =	vshll.u32 v49, $0x3;
	v6 =	vmul.u32 $0x7800, v6  }
0xff: {  	vm7 =	vlt.s32 v5, v3;
	vm0 =	vmand vm4, vm5;
	v7 =	vand.u32 $0xFFFFFC00, v7  }
0x100: {  	v4 =	vand.u32 $0x380, v4;
	vm0 =	vmand vm0, vm6;
	v6 =	vadd.s32 v6, v7  }
0x101: {  	v5 =	vand.u32 $0x7F, v5;
	vm0 =	vmand vm7, vm0;
	v4 =	vor.u32 v4, v6  }
0x102: {  	v50 =	vld [tilespmem:$0x8160];
	v4 =	vor.u32 v5, v4;
	_ =	sdelay $0x4  }
0x103: {  	[tilespmem:v4+s3+$0x0] =	vst.idx.msk vm0, v50  }
0x104: {  	v4 =	vld [tilespmem:$0x7970]  }
0x105: {  	v5 =	vld [tilespmem:$0x7D70];
	_ =	sdelay $0x4  }
0x106: {  	vm8 =	vge.s32 v4, v0;
	vm9 =	vge.s32 v5, v2;
	v51 =	vsub.s32 v4, v0  }
0x107: {  	v52 =	vsub.s32 v5, v2;
	vm10 =	vlt.s32 v4, v1;
	v6 =	vshrl.u32 v51, $0x3  }
0x108: {  	v4 =	vshll.u32 v4, $0x7;
	v7 =	vshll.u32 v52, $0x3;
	v6 =	vmul.u32 $0x7800, v6  }
0x109: {  	vm11 =	vlt.s32 v5, v3;
	vm0 =	vmand vm8, vm9;
	v7 =	vand.u32 $0xFFFFFC00, v7  }
0x10a: {  	v4 =	vand.u32 $0x380, v4;
	vm0 =	vmand vm0, vm10;
	v6 =	vadd.s32 v6, v7  }
0x10b: {  	v5 =	vand.u32 $0x7F, v5;
	vm0 =	vmand vm11, vm0;
	v4 =	vor.u32 v4, v6  }
0x10c: {  	v53 =	vld [tilespmem:$0x8170];
	v4 =	vor.u32 v5, v4;
	_ =	sdelay $0x4  }
0x10d: {  	[tilespmem:v4+s3+$0x0] =	vst.idx.msk vm0, v53  }
0x10e: {  	v4 =	vld [tilespmem:$0x7980]  }
0x10f: {  	v5 =	vld [tilespmem:$0x7D80];
	_ =	sdelay $0x4  }
0x110: {  	vm12 =	vge.s32 v4, v0;
	vm13 =	vge.s32 v5, v2;
	v54 =	vsub.s32 v4, v0  }
0x111: {  	v55 =	vsub.s32 v5, v2;
	vm14 =	vlt.s32 v4, v1;
	v6 =	vshrl.u32 v54, $0x3  }
0x112: {  	v4 =	vshll.u32 v4, $0x7;
	v7 =	vshll.u32 v55, $0x3;
	v6 =	vmul.u32 $0x7800, v6  }
0x113: {  	vm15 =	vlt.s32 v5, v3;
	vm0 =	vmand vm12, vm13;
	v7 =	vand.u32 $0xFFFFFC00, v7  }
0x114: {  	v4 =	vand.u32 $0x380, v4;
	vm0 =	vmand vm0, vm14;
	v6 =	vadd.s32 v6, v7  }
0x115: {  	v5 =	vand.u32 $0x7F, v5;
	vm0 =	vmand vm15, vm0;
	v4 =	vor.u32 v4, v6  }
0x116: {  	v56 =	vld [tilespmem:$0x8180];
	v4 =	vor.u32 v5, v4;
	_ =	sdelay $0x4  }
0x117: {  	[tilespmem:v4+s3+$0x0] =	vst.idx.msk vm0, v56  }
0x118: {  	v4 =	vld [tilespmem:$0x7990]  }
0x119: {  	v5 =	vld [tilespmem:$0x7D90];
	_ =	sdelay $0x4  }
0x11a: {  	vm4 =	vge.s32 v4, v0;
	vm5 =	vge.s32 v5, v2;
	v57 =	vsub.s32 v4, v0  }
0x11b: {  	v58 =	vsub.s32 v5, v2;
	vm6 =	vlt.s32 v4, v1;
	v6 =	vshrl.u32 v57, $0x3  }
0x11c: {  	v4 =	vshll.u32 v4, $0x7;
	v7 =	vshll.u32 v58, $0x3;
	v6 =	vmul.u32 $0x7800, v6  }
0x11d: {  	vm7 =	vlt.s32 v5, v3;
	vm0 =	vmand vm4, vm5;
	v7 =	vand.u32 $0xFFFFFC00, v7  }
0x11e: {  	v4 =	vand.u32 $0x380, v4;
	vm0 =	vmand vm0, vm6;
	v6 =	vadd.s32 v6, v7  }
0x11f: {  	v5 =	vand.u32 $0x7F, v5;
	vm0 =	vmand vm7, vm0;
	v4 =	vor.u32 v4, v6  }
0x120: {  	v59 =	vld [tilespmem:$0x8190];
	v4 =	vor.u32 v5, v4;
	_ =	sdelay $0x4  }
0x121: {  	[tilespmem:v4+s3+$0x0] =	vst.idx.msk vm0, v59  }
0x122: {  	v4 =	vld [tilespmem:$0x79A0]  }
0x123: {  	v5 =	vld [tilespmem:$0x7DA0];
	_ =	sdelay $0x4  }
0x124: {  	vm8 =	vge.s32 v4, v0;
	vm9 =	vge.s32 v5, v2;
	v60 =	vsub.s32 v4, v0  }
0x125: {  	v61 =	vsub.s32 v5, v2;
	vm10 =	vlt.s32 v4, v1;
	v6 =	vshrl.u32 v60, $0x3  }
0x126: {  	v4 =	vshll.u32 v4, $0x7;
	v7 =	vshll.u32 v61, $0x3;
	v6 =	vmul.u32 $0x7800, v6  }
0x127: {  	vm11 =	vlt.s32 v5, v3;
	vm0 =	vmand vm8, vm9;
	v7 =	vand.u32 $0xFFFFFC00, v7  }
0x128: {  	v4 =	vand.u32 $0x380, v4;
	vm0 =	vmand vm0, vm10;
	v6 =	vadd.s32 v6, v7  }
0x129: {  	v5 =	vand.u32 $0x7F, v5;
	vm0 =	vmand vm11, vm0;
	v4 =	vor.u32 v4, v6  }
0x12a: {  	v62 =	vld [tilespmem:$0x81A0];
	v4 =	vor.u32 v5, v4;
	_ =	sdelay $0x4  }
0x12b: {  	[tilespmem:v4+s3+$0x0] =	vst.idx.msk vm0, v62  }
0x12c: {  	v4 =	vld [tilespmem:$0x79B0]  }
0x12d: {  	v5 =	vld [tilespmem:$0x7DB0];
	_ =	sdelay $0x4  }
0x12e: {  	vm12 =	vge.s32 v4, v0;
	vm13 =	vge.s32 v5, v2;
	v63 =	vsub.s32 v4, v0  }
0x12f: {  	v9 =	vsub.s32 v5, v2;
	vm14 =	vlt.s32 v4, v1;
	v6 =	vshrl.u32 v63, $0x3  }
0x130: {  	v4 =	vshll.u32 v4, $0x7;
	v7 =	vshll.u32 v9, $0x3;
	v6 =	vmul.u32 $0x7800, v6  }
0x131: {  	vm15 =	vlt.s32 v5, v3;
	vm0 =	vmand vm12, vm13;
	v7 =	vand.u32 $0xFFFFFC00, v7  }
0x132: {  	v4 =	vand.u32 $0x380, v4;
	vm0 =	vmand vm0, vm14;
	v6 =	vadd.s32 v6, v7  }
0x133: {  	v5 =	vand.u32 $0x7F, v5;
	vm0 =	vmand vm15, vm0;
	v4 =	vor.u32 v4, v6  }
0x134: {  	v10 =	vld [tilespmem:$0x81B0];
	v4 =	vor.u32 v5, v4;
	_ =	sdelay $0x4  }
0x135: {  	[tilespmem:v4+s3+$0x0] =	vst.idx.msk vm0, v10  }
0x136: {  	v4 =	vld [tilespmem:$0x79C0]  }
0x137: {  	v5 =	vld [tilespmem:$0x7DC0];
	_ =	sdelay $0x4  }
0x138: {  	vm4 =	vge.s32 v4, v0;
	vm5 =	vge.s32 v5, v2;
	v11 =	vsub.s32 v4, v0  }
0x139: {  	v12 =	vsub.s32 v5, v2;
	vm6 =	vlt.s32 v4, v1;
	v6 =	vshrl.u32 v11, $0x3  }
0x13a: {  	v4 =	vshll.u32 v4, $0x7;
	v7 =	vshll.u32 v12, $0x3;
	v6 =	vmul.u32 $0x7800, v6  }
0x13b: {  	vm7 =	vlt.s32 v5, v3;
	vm0 =	vmand vm4, vm5;
	v7 =	vand.u32 $0xFFFFFC00, v7  }
0x13c: {  	v4 =	vand.u32 $0x380, v4;
	vm0 =	vmand vm0, vm6;
	v6 =	vadd.s32 v6, v7  }
0x13d: {  	v5 =	vand.u32 $0x7F, v5;
	vm0 =	vmand vm7, vm0;
	v4 =	vor.u32 v4, v6  }
0x13e: {  	v13 =	vld [tilespmem:$0x81C0];
	v4 =	vor.u32 v5, v4;
	_ =	sdelay $0x4  }
0x13f: {  	[tilespmem:v4+s3+$0x0] =	vst.idx.msk vm0, v13  }
0x140: {  	v4 =	vld [tilespmem:$0x79D0]  }
0x141: {  	v5 =	vld [tilespmem:$0x7DD0];
	_ =	sdelay $0x4  }
0x142: {  	vm8 =	vge.s32 v4, v0;
	vm9 =	vge.s32 v5, v2;
	v14 =	vsub.s32 v4, v0  }
0x143: {  	v15 =	vsub.s32 v5, v2;
	vm10 =	vlt.s32 v4, v1;
	v6 =	vshrl.u32 v14, $0x3  }
0x144: {  	v4 =	vshll.u32 v4, $0x7;
	v7 =	vshll.u32 v15, $0x3;
	v6 =	vmul.u32 $0x7800, v6  }
0x145: {  	vm11 =	vlt.s32 v5, v3;
	vm0 =	vmand vm8, vm9;
	v7 =	vand.u32 $0xFFFFFC00, v7  }
0x146: {  	v4 =	vand.u32 $0x380, v4;
	vm0 =	vmand vm0, vm10;
	v6 =	vadd.s32 v6, v7  }
0x147: {  	v5 =	vand.u32 $0x7F, v5;
	vm0 =	vmand vm11, vm0;
	v4 =	vor.u32 v4, v6  }
0x148: {  	v16 =	vld [tilespmem:$0x81D0];
	v4 =	vor.u32 v5, v4;
	_ =	sdelay $0x4  }
0x149: {  	[tilespmem:v4+s3+$0x0] =	vst.idx.msk vm0, v16  }
0x14a: {  	v4 =	vld [tilespmem:$0x79E0]  }
0x14b: {  	v5 =	vld [tilespmem:$0x7DE0];
	_ =	sdelay $0x4  }
0x14c: {  	vm12 =	vge.s32 v4, v0;
	vm13 =	vge.s32 v5, v2;
	v17 =	vsub.s32 v4, v0  }
0x14d: {  	v18 =	vsub.s32 v5, v2;
	vm14 =	vlt.s32 v4, v1;
	v6 =	vshrl.u32 v17, $0x3  }
0x14e: {  	v4 =	vshll.u32 v4, $0x7;
	v7 =	vshll.u32 v18, $0x3;
	v6 =	vmul.u32 $0x7800, v6  }
0x14f: {  	vm15 =	vlt.s32 v5, v3;
	vm0 =	vmand vm12, vm13;
	v7 =	vand.u32 $0xFFFFFC00, v7  }
0x150: {  	v4 =	vand.u32 $0x380, v4;
	vm0 =	vmand vm0, vm14;
	v6 =	vadd.s32 v6, v7  }
0x151: {  	v5 =	vand.u32 $0x7F, v5;
	vm0 =	vmand vm15, vm0;
	v4 =	vor.u32 v4, v6  }
0x152: {  	v19 =	vld [tilespmem:$0x81E0];
	v4 =	vor.u32 v5, v4;
	_ =	sdelay $0x4  }
0x153: {  	[tilespmem:v4+s3+$0x0] =	vst.idx.msk vm0, v19  }
0x154: {  	v4 =	vld [tilespmem:$0x79F0]  }
0x155: {  	v5 =	vld [tilespmem:$0x7DF0];
	_ =	sdelay $0x4  }
0x156: {  	vm4 =	vge.s32 v4, v0;
	vm5 =	vge.s32 v5, v2;
	v20 =	vsub.s32 v4, v0  }
0x157: {  	v21 =	vsub.s32 v5, v2;
	vm6 =	vlt.s32 v4, v1;
	v6 =	vshrl.u32 v20, $0x3  }
0x158: {  	v4 =	vshll.u32 v4, $0x7;
	v7 =	vshll.u32 v21, $0x3;
	v6 =	vmul.u32 $0x7800, v6  }
0x159: {  	vm7 =	vlt.s32 v5, v3;
	vm0 =	vmand vm4, vm5;
	v7 =	vand.u32 $0xFFFFFC00, v7  }
0x15a: {  	v4 =	vand.u32 $0x380, v4;
	vm0 =	vmand vm0, vm6;
	v6 =	vadd.s32 v6, v7  }
0x15b: {  	v5 =	vand.u32 $0x7F, v5;
	vm0 =	vmand vm7, vm0;
	v4 =	vor.u32 v4, v6  }
0x15c: {  	v22 =	vld [tilespmem:$0x81F0];
	v4 =	vor.u32 v5, v4;
	_ =	sdelay $0x4  }
0x15d: {  	[tilespmem:v4+s3+$0x0] =	vst.idx.msk vm0, v22  }
0x15e: {  	v4 =	vld [tilespmem:$0x7A00]  }
0x15f: {  	v5 =	vld [tilespmem:$0x7E00];
	_ =	sdelay $0x4  }
0x160: {  	vm8 =	vge.s32 v4, v0;
	vm9 =	vge.s32 v5, v2;
	v23 =	vsub.s32 v4, v0  }
0x161: {  	v24 =	vsub.s32 v5, v2;
	vm10 =	vlt.s32 v4, v1;
	v6 =	vshrl.u32 v23, $0x3  }
0x162: {  	v4 =	vshll.u32 v4, $0x7;
	v7 =	vshll.u32 v24, $0x3;
	v6 =	vmul.u32 $0x7800, v6  }
0x163: {  	vm11 =	vlt.s32 v5, v3;
	vm0 =	vmand vm8, vm9;
	v7 =	vand.u32 $0xFFFFFC00, v7  }
0x164: {  	v4 =	vand.u32 $0x380, v4;
	vm0 =	vmand vm0, vm10;
	v6 =	vadd.s32 v6, v7  }
0x165: {  	v5 =	vand.u32 $0x7F, v5;
	vm0 =	vmand vm11, vm0;
	v4 =	vor.u32 v4, v6  }
0x166: {  	v25 =	vld [tilespmem:$0x8200];
	v4 =	vor.u32 v5, v4;
	_ =	sdelay $0x4  }
0x167: {  	[tilespmem:v4+s3+$0x0] =	vst.idx.msk vm0, v25  }
0x168: {  	v4 =	vld [tilespmem:$0x7A10]  }
0x169: {  	v5 =	vld [tilespmem:$0x7E10];
	_ =	sdelay $0x4  }
0x16a: {  	vm12 =	vge.s32 v4, v0;
	vm13 =	vge.s32 v5, v2;
	v26 =	vsub.s32 v4, v0  }
0x16b: {  	v27 =	vsub.s32 v5, v2;
	vm14 =	vlt.s32 v4, v1;
	v6 =	vshrl.u32 v26, $0x3  }
0x16c: {  	v4 =	vshll.u32 v4, $0x7;
	v7 =	vshll.u32 v27, $0x3;
	v6 =	vmul.u32 $0x7800, v6  }
0x16d: {  	vm15 =	vlt.s32 v5, v3;
	vm0 =	vmand vm12, vm13;
	v7 =	vand.u32 $0xFFFFFC00, v7  }
0x16e: {  	v4 =	vand.u32 $0x380, v4;
	vm0 =	vmand vm0, vm14;
	v6 =	vadd.s32 v6, v7  }
0x16f: {  	v5 =	vand.u32 $0x7F, v5;
	vm0 =	vmand vm15, vm0;
	v4 =	vor.u32 v4, v6  }
0x170: {  	v28 =	vld [tilespmem:$0x8210];
	v4 =	vor.u32 v5, v4;
	_ =	sdelay $0x4  }
0x171: {  	[tilespmem:v4+s3+$0x0] =	vst.idx.msk vm0, v28  }
0x172: {  	v4 =	vld [tilespmem:$0x7A20]  }
0x173: {  	v5 =	vld [tilespmem:$0x7E20];
	_ =	sdelay $0x4  }
0x174: {  	vm4 =	vge.s32 v4, v0;
	vm5 =	vge.s32 v5, v2;
	v29 =	vsub.s32 v4, v0  }
0x175: {  	v30 =	vsub.s32 v5, v2;
	vm6 =	vlt.s32 v4, v1;
	v6 =	vshrl.u32 v29, $0x3  }
0x176: {  	v4 =	vshll.u32 v4, $0x7;
	v7 =	vshll.u32 v30, $0x3;
	v6 =	vmul.u32 $0x7800, v6  }
0x177: {  	vm7 =	vlt.s32 v5, v3;
	vm0 =	vmand vm4, vm5;
	v7 =	vand.u32 $0xFFFFFC00, v7  }
0x178: {  	v4 =	vand.u32 $0x380, v4;
	vm0 =	vmand vm0, vm6;
	v6 =	vadd.s32 v6, v7  }
0x179: {  	v5 =	vand.u32 $0x7F, v5;
	vm0 =	vmand vm7, vm0;
	v4 =	vor.u32 v4, v6  }
0x17a: {  	v31 =	vld [tilespmem:$0x8220];
	v4 =	vor.u32 v5, v4;
	_ =	sdelay $0x4  }
0x17b: {  	[tilespmem:v4+s3+$0x0] =	vst.idx.msk vm0, v31  }
0x17c: {  	v4 =	vld [tilespmem:$0x7A30]  }
0x17d: {  	v5 =	vld [tilespmem:$0x7E30];
	_ =	sdelay $0x4  }
0x17e: {  	vm8 =	vge.s32 v4, v0;
	vm9 =	vge.s32 v5, v2;
	v32 =	vsub.s32 v4, v0  }
0x17f: {  	v33 =	vsub.s32 v5, v2;
	vm10 =	vlt.s32 v4, v1;
	v6 =	vshrl.u32 v32, $0x3  }
0x180: {  	v4 =	vshll.u32 v4, $0x7;
	v7 =	vshll.u32 v33, $0x3;
	v6 =	vmul.u32 $0x7800, v6  }
0x181: {  	vm11 =	vlt.s32 v5, v3;
	vm0 =	vmand vm8, vm9;
	v7 =	vand.u32 $0xFFFFFC00, v7  }
0x182: {  	v4 =	vand.u32 $0x380, v4;
	vm0 =	vmand vm0, vm10;
	v6 =	vadd.s32 v6, v7  }
0x183: {  	v5 =	vand.u32 $0x7F, v5;
	vm0 =	vmand vm11, vm0;
	v4 =	vor.u32 v4, v6  }
0x184: {  	v34 =	vld [tilespmem:$0x8230];
	v4 =	vor.u32 v5, v4;
	_ =	sdelay $0x4  }
0x185: {  	[tilespmem:v4+s3+$0x0] =	vst.idx.msk vm0, v34  }
0x186: {  	v4 =	vld [tilespmem:$0x7A40]  }
0x187: {  	v5 =	vld [tilespmem:$0x7E40];
	_ =	sdelay $0x4  }
0x188: {  	vm12 =	vge.s32 v4, v0;
	vm13 =	vge.s32 v5, v2;
	v35 =	vsub.s32 v4, v0  }
0x189: {  	v36 =	vsub.s32 v5, v2;
	vm14 =	vlt.s32 v4, v1;
	v6 =	vshrl.u32 v35, $0x3  }
0x18a: {  	v4 =	vshll.u32 v4, $0x7;
	v7 =	vshll.u32 v36, $0x3;
	v6 =	vmul.u32 $0x7800, v6  }
0x18b: {  	vm15 =	vlt.s32 v5, v3;
	vm0 =	vmand vm12, vm13;
	v7 =	vand.u32 $0xFFFFFC00, v7  }
0x18c: {  	v4 =	vand.u32 $0x380, v4;
	vm0 =	vmand vm0, vm14;
	v6 =	vadd.s32 v6, v7  }
0x18d: {  	v5 =	vand.u32 $0x7F, v5;
	vm0 =	vmand vm15, vm0;
	v4 =	vor.u32 v4, v6  }
0x18e: {  	v37 =	vld [tilespmem:$0x8240];
	v4 =	vor.u32 v5, v4;
	_ =	sdelay $0x4  }
0x18f: {  	[tilespmem:v4+s3+$0x0] =	vst.idx.msk vm0, v37  }
0x190: {  	v4 =	vld [tilespmem:$0x7A50]  }
0x191: {  	v5 =	vld [tilespmem:$0x7E50];
	_ =	sdelay $0x4  }
0x192: {  	vm4 =	vge.s32 v4, v0;
	vm5 =	vge.s32 v5, v2;
	v38 =	vsub.s32 v4, v0  }
0x193: {  	v39 =	vsub.s32 v5, v2;
	vm6 =	vlt.s32 v4, v1;
	v6 =	vshrl.u32 v38, $0x3  }
0x194: {  	v4 =	vshll.u32 v4, $0x7;
	v7 =	vshll.u32 v39, $0x3;
	v6 =	vmul.u32 $0x7800, v6  }
0x195: {  	vm7 =	vlt.s32 v5, v3;
	vm0 =	vmand vm4, vm5;
	v7 =	vand.u32 $0xFFFFFC00, v7  }
0x196: {  	v4 =	vand.u32 $0x380, v4;
	vm0 =	vmand vm0, vm6;
	v6 =	vadd.s32 v6, v7  }
0x197: {  	v5 =	vand.u32 $0x7F, v5;
	vm0 =	vmand vm7, vm0;
	v4 =	vor.u32 v4, v6  }
0x198: {  	v40 =	vld [tilespmem:$0x8250];
	v4 =	vor.u32 v5, v4;
	_ =	sdelay $0x4  }
0x199: {  	[tilespmem:v4+s3+$0x0] =	vst.idx.msk vm0, v40  }
0x19a: {  	v4 =	vld [tilespmem:$0x7A60]  }
0x19b: {  	v5 =	vld [tilespmem:$0x7E60];
	_ =	sdelay $0x4  }
0x19c: {  	vm8 =	vge.s32 v4, v0;
	vm9 =	vge.s32 v5, v2;
	v41 =	vsub.s32 v4, v0  }
0x19d: {  	v42 =	vsub.s32 v5, v2;
	vm10 =	vlt.s32 v4, v1;
	v6 =	vshrl.u32 v41, $0x3  }
0x19e: {  	v4 =	vshll.u32 v4, $0x7;
	v7 =	vshll.u32 v42, $0x3;
	v6 =	vmul.u32 $0x7800, v6  }
0x19f: {  	vm11 =	vlt.s32 v5, v3;
	vm0 =	vmand vm8, vm9;
	v7 =	vand.u32 $0xFFFFFC00, v7  }
0x1a0: {  	v4 =	vand.u32 $0x380, v4;
	vm0 =	vmand vm0, vm10;
	v6 =	vadd.s32 v6, v7  }
0x1a1: {  	v5 =	vand.u32 $0x7F, v5;
	vm0 =	vmand vm11, vm0;
	v4 =	vor.u32 v4, v6  }
0x1a2: {  	v43 =	vld [tilespmem:$0x8260];
	v4 =	vor.u32 v5, v4;
	_ =	sdelay $0x4  }
0x1a3: {  	[tilespmem:v4+s3+$0x0] =	vst.idx.msk vm0, v43  }
0x1a4: {  	v4 =	vld [tilespmem:$0x7A70]  }
0x1a5: {  	v5 =	vld [tilespmem:$0x7E70];
	_ =	sdelay $0x4  }
0x1a6: {  	vm12 =	vge.s32 v4, v0;
	vm13 =	vge.s32 v5, v2;
	v44 =	vsub.s32 v4, v0  }
0x1a7: {  	v45 =	vsub.s32 v5, v2;
	vm14 =	vlt.s32 v4, v1;
	v6 =	vshrl.u32 v44, $0x3  }
0x1a8: {  	v4 =	vshll.u32 v4, $0x7;
	v7 =	vshll.u32 v45, $0x3;
	v6 =	vmul.u32 $0x7800, v6  }
0x1a9: {  	vm15 =	vlt.s32 v5, v3;
	vm0 =	vmand vm12, vm13;
	v7 =	vand.u32 $0xFFFFFC00, v7  }
0x1aa: {  	v4 =	vand.u32 $0x380, v4;
	vm0 =	vmand vm0, vm14;
	v6 =	vadd.s32 v6, v7  }
0x1ab: {  	v5 =	vand.u32 $0x7F, v5;
	vm0 =	vmand vm15, vm0;
	v4 =	vor.u32 v4, v6  }
0x1ac: {  	v46 =	vld [tilespmem:$0x8270];
	v4 =	vor.u32 v5, v4;
	_ =	sdelay $0x4  }
0x1ad: {  	[tilespmem:v4+s3+$0x0] =	vst.idx.msk vm0, v46  }
0x1ae: {  	v4 =	vld [tilespmem:$0x7A80]  }
0x1af: {  	v5 =	vld [tilespmem:$0x7E80];
	_ =	sdelay $0x4  }
0x1b0: {  	vm4 =	vge.s32 v4, v0;
	vm5 =	vge.s32 v5, v2;
	v47 =	vsub.s32 v4, v0  }
0x1b1: {  	v48 =	vsub.s32 v5, v2;
	vm6 =	vlt.s32 v4, v1;
	v6 =	vshrl.u32 v47, $0x3  }
0x1b2: {  	v4 =	vshll.u32 v4, $0x7;
	v7 =	vshll.u32 v48, $0x3;
	v6 =	vmul.u32 $0x7800, v6  }
0x1b3: {  	vm7 =	vlt.s32 v5, v3;
	vm0 =	vmand vm4, vm5;
	v7 =	vand.u32 $0xFFFFFC00, v7  }
0x1b4: {  	v4 =	vand.u32 $0x380, v4;
	vm0 =	vmand vm0, vm6;
	v6 =	vadd.s32 v6, v7  }
0x1b5: {  	v5 =	vand.u32 $0x7F, v5;
	vm0 =	vmand vm7, vm0;
	v4 =	vor.u32 v4, v6  }
0x1b6: {  	v49 =	vld [tilespmem:$0x8280];
	v4 =	vor.u32 v5, v4;
	_ =	sdelay $0x4  }
0x1b7: {  	[tilespmem:v4+s3+$0x0] =	vst.idx.msk vm0, v49  }
0x1b8: {  	v4 =	vld [tilespmem:$0x7A90]  }
0x1b9: {  	v5 =	vld [tilespmem:$0x7E90];
	_ =	sdelay $0x4  }
0x1ba: {  	vm8 =	vge.s32 v4, v0;
	vm9 =	vge.s32 v5, v2;
	v50 =	vsub.s32 v4, v0  }
0x1bb: {  	v51 =	vsub.s32 v5, v2;
	vm10 =	vlt.s32 v4, v1;
	v6 =	vshrl.u32 v50, $0x3  }
0x1bc: {  	v4 =	vshll.u32 v4, $0x7;
	v7 =	vshll.u32 v51, $0x3;
	v6 =	vmul.u32 $0x7800, v6  }
0x1bd: {  	vm11 =	vlt.s32 v5, v3;
	vm0 =	vmand vm8, vm9;
	v7 =	vand.u32 $0xFFFFFC00, v7  }
0x1be: {  	v4 =	vand.u32 $0x380, v4;
	vm0 =	vmand vm0, vm10;
	v6 =	vadd.s32 v6, v7  }
0x1bf: {  	v5 =	vand.u32 $0x7F, v5;
	vm0 =	vmand vm11, vm0;
	v4 =	vor.u32 v4, v6  }
0x1c0: {  	v52 =	vld [tilespmem:$0x8290];
	v4 =	vor.u32 v5, v4;
	_ =	sdelay $0x4  }
0x1c1: {  	[tilespmem:v4+s3+$0x0] =	vst.idx.msk vm0, v52  }
0x1c2: {  	v4 =	vld [tilespmem:$0x7AA0]  }
0x1c3: {  	v5 =	vld [tilespmem:$0x7EA0];
	_ =	sdelay $0x4  }
0x1c4: {  	vm12 =	vge.s32 v4, v0;
	vm13 =	vge.s32 v5, v2;
	v53 =	vsub.s32 v4, v0  }
0x1c5: {  	v54 =	vsub.s32 v5, v2;
	vm14 =	vlt.s32 v4, v1;
	v6 =	vshrl.u32 v53, $0x3  }
0x1c6: {  	v4 =	vshll.u32 v4, $0x7;
	v7 =	vshll.u32 v54, $0x3;
	v6 =	vmul.u32 $0x7800, v6  }
0x1c7: {  	vm15 =	vlt.s32 v5, v3;
	vm0 =	vmand vm12, vm13;
	v7 =	vand.u32 $0xFFFFFC00, v7  }
0x1c8: {  	v4 =	vand.u32 $0x380, v4;
	vm0 =	vmand vm0, vm14;
	v6 =	vadd.s32 v6, v7  }
0x1c9: {  	v5 =	vand.u32 $0x7F, v5;
	vm0 =	vmand vm15, vm0;
	v4 =	vor.u32 v4, v6  }
0x1ca: {  	v55 =	vld [tilespmem:$0x82A0];
	v4 =	vor.u32 v5, v4;
	_ =	sdelay $0x4  }
0x1cb: {  	[tilespmem:v4+s3+$0x0] =	vst.idx.msk vm0, v55  }
0x1cc: {  	v4 =	vld [tilespmem:$0x7AB0]  }
0x1cd: {  	v5 =	vld [tilespmem:$0x7EB0];
	_ =	sdelay $0x4  }
0x1ce: {  	vm4 =	vge.s32 v4, v0;
	vm5 =	vge.s32 v5, v2;
	v56 =	vsub.s32 v4, v0  }
0x1cf: {  	v57 =	vsub.s32 v5, v2;
	vm6 =	vlt.s32 v4, v1;
	v6 =	vshrl.u32 v56, $0x3  }
0x1d0: {  	v4 =	vshll.u32 v4, $0x7;
	v7 =	vshll.u32 v57, $0x3;
	v6 =	vmul.u32 $0x7800, v6  }
0x1d1: {  	vm7 =	vlt.s32 v5, v3;
	vm0 =	vmand vm4, vm5;
	v7 =	vand.u32 $0xFFFFFC00, v7  }
0x1d2: {  	v4 =	vand.u32 $0x380, v4;
	vm0 =	vmand vm0, vm6;
	v6 =	vadd.s32 v6, v7  }
0x1d3: {  	v5 =	vand.u32 $0x7F, v5;
	vm0 =	vmand vm7, vm0;
	v4 =	vor.u32 v4, v6  }
0x1d4: {  	v58 =	vld [tilespmem:$0x82B0];
	v4 =	vor.u32 v5, v4;
	_ =	sdelay $0x4  }
0x1d5: {  	[tilespmem:v4+s3+$0x0] =	vst.idx.msk vm0, v58  }
0x1d6: {  	v4 =	vld [tilespmem:$0x7AC0]  }
0x1d7: {  	v5 =	vld [tilespmem:$0x7EC0];
	_ =	sdelay $0x4  }
0x1d8: {  	vm8 =	vge.s32 v4, v0;
	vm9 =	vge.s32 v5, v2;
	v59 =	vsub.s32 v4, v0  }
0x1d9: {  	v60 =	vsub.s32 v5, v2;
	vm10 =	vlt.s32 v4, v1;
	v6 =	vshrl.u32 v59, $0x3  }
0x1da: {  	v4 =	vshll.u32 v4, $0x7;
	v7 =	vshll.u32 v60, $0x3;
	v6 =	vmul.u32 $0x7800, v6  }
0x1db: {  	vm11 =	vlt.s32 v5, v3;
	vm0 =	vmand vm8, vm9;
	v7 =	vand.u32 $0xFFFFFC00, v7  }
0x1dc: {  	v4 =	vand.u32 $0x380, v4;
	vm0 =	vmand vm0, vm10;
	v6 =	vadd.s32 v6, v7  }
0x1dd: {  	v5 =	vand.u32 $0x7F, v5;
	vm0 =	vmand vm11, vm0;
	v4 =	vor.u32 v4, v6  }
0x1de: {  	v61 =	vld [tilespmem:$0x82C0];
	v4 =	vor.u32 v5, v4;
	_ =	sdelay $0x4  }
0x1df: {  	[tilespmem:v4+s3+$0x0] =	vst.idx.msk vm0, v61  }
0x1e0: {  	v4 =	vld [tilespmem:$0x7AD0]  }
0x1e1: {  	v5 =	vld [tilespmem:$0x7ED0];
	_ =	sdelay $0x4  }
0x1e2: {  	vm12 =	vge.s32 v4, v0;
	vm13 =	vge.s32 v5, v2;
	v62 =	vsub.s32 v4, v0  }
0x1e3: {  	v63 =	vsub.s32 v5, v2;
	vm14 =	vlt.s32 v4, v1;
	v6 =	vshrl.u32 v62, $0x3  }
0x1e4: {  	v4 =	vshll.u32 v4, $0x7;
	v7 =	vshll.u32 v63, $0x3;
	v6 =	vmul.u32 $0x7800, v6  }
0x1e5: {  	vm15 =	vlt.s32 v5, v3;
	vm0 =	vmand vm12, vm13;
	v7 =	vand.u32 $0xFFFFFC00, v7  }
0x1e6: {  	v4 =	vand.u32 $0x380, v4;
	vm0 =	vmand vm0, vm14;
	v6 =	vadd.s32 v6, v7  }
0x1e7: {  	v5 =	vand.u32 $0x7F, v5;
	vm0 =	vmand vm15, vm0;
	v4 =	vor.u32 v4, v6  }
0x1e8: {  	v9 =	vld [tilespmem:$0x82D0];
	v4 =	vor.u32 v5, v4;
	_ =	sdelay $0x4  }
0x1e9: {  	[tilespmem:v4+s3+$0x0] =	vst.idx.msk vm0, v9  }
0x1ea: {  	v4 =	vld [tilespmem:$0x7AE0]  }
0x1eb: {  	v5 =	vld [tilespmem:$0x7EE0];
	_ =	sdelay $0x4  }
0x1ec: {  	vm4 =	vge.s32 v4, v0;
	vm5 =	vge.s32 v5, v2;
	v10 =	vsub.s32 v4, v0  }
0x1ed: {  	v11 =	vsub.s32 v5, v2;
	vm6 =	vlt.s32 v4, v1;
	v6 =	vshrl.u32 v10, $0x3  }
0x1ee: {  	v4 =	vshll.u32 v4, $0x7;
	v7 =	vshll.u32 v11, $0x3;
	v6 =	vmul.u32 $0x7800, v6  }
0x1ef: {  	vm7 =	vlt.s32 v5, v3;
	vm0 =	vmand vm4, vm5;
	v7 =	vand.u32 $0xFFFFFC00, v7  }
0x1f0: {  	v4 =	vand.u32 $0x380, v4;
	vm0 =	vmand vm0, vm6;
	v6 =	vadd.s32 v6, v7  }
0x1f1: {  	v5 =	vand.u32 $0x7F, v5;
	vm0 =	vmand vm7, vm0;
	v4 =	vor.u32 v4, v6  }
0x1f2: {  	v12 =	vld [tilespmem:$0x82E0];
	v4 =	vor.u32 v5, v4;
	_ =	sdelay $0x4  }
0x1f3: {  	[tilespmem:v4+s3+$0x0] =	vst.idx.msk vm0, v12  }
0x1f4: {  	v4 =	vld [tilespmem:$0x7AF0]  }
0x1f5: {  	v5 =	vld [tilespmem:$0x7EF0];
	_ =	sdelay $0x4  }
0x1f6: {  	vm8 =	vge.s32 v4, v0;
	vm9 =	vge.s32 v5, v2;
	v13 =	vsub.s32 v4, v0  }
0x1f7: {  	v14 =	vsub.s32 v5, v2;
	vm10 =	vlt.s32 v4, v1;
	v6 =	vshrl.u32 v13, $0x3  }
0x1f8: {  	v4 =	vshll.u32 v4, $0x7;
	v7 =	vshll.u32 v14, $0x3;
	v6 =	vmul.u32 $0x7800, v6  }
0x1f9: {  	vm11 =	vlt.s32 v5, v3;
	vm0 =	vmand vm8, vm9;
	v7 =	vand.u32 $0xFFFFFC00, v7  }
0x1fa: {  	v4 =	vand.u32 $0x380, v4;
	vm0 =	vmand vm0, vm10;
	v6 =	vadd.s32 v6, v7  }
0x1fb: {  	v5 =	vand.u32 $0x7F, v5;
	vm0 =	vmand vm11, vm0;
	v4 =	vor.u32 v4, v6  }
0x1fc: {  	v15 =	vld [tilespmem:$0x82F0];
	v4 =	vor.u32 v5, v4;
	_ =	sdelay $0x4  }
0x1fd: {  	[tilespmem:v4+s3+$0x0] =	vst.idx.msk vm0, v15  }
0x1fe: {  	v4 =	vld [tilespmem:$0x7B00]  }
0x1ff: {  	v5 =	vld [tilespmem:$0x7F00];
	_ =	sdelay $0x4  }
0x200: {  	vm12 =	vge.s32 v4, v0;
	vm13 =	vge.s32 v5, v2;
	v16 =	vsub.s32 v4, v0  }
0x201: {  	v17 =	vsub.s32 v5, v2;
	vm14 =	vlt.s32 v4, v1;
	v6 =	vshrl.u32 v16, $0x3  }
0x202: {  	v4 =	vshll.u32 v4, $0x7;
	v7 =	vshll.u32 v17, $0x3;
	v6 =	vmul.u32 $0x7800, v6  }
0x203: {  	vm15 =	vlt.s32 v5, v3;
	vm0 =	vmand vm12, vm13;
	v7 =	vand.u32 $0xFFFFFC00, v7  }
0x204: {  	v4 =	vand.u32 $0x380, v4;
	vm0 =	vmand vm0, vm14;
	v6 =	vadd.s32 v6, v7  }
0x205: {  	v5 =	vand.u32 $0x7F, v5;
	vm0 =	vmand vm15, vm0;
	v4 =	vor.u32 v4, v6  }
0x206: {  	v18 =	vld [tilespmem:$0x8300];
	v4 =	vor.u32 v5, v4;
	_ =	sdelay $0x4  }
0x207: {  	[tilespmem:v4+s3+$0x0] =	vst.idx.msk vm0, v18  }
0x208: {  	v4 =	vld [tilespmem:$0x7B10]  }
0x209: {  	v5 =	vld [tilespmem:$0x7F10];
	_ =	sdelay $0x4  }
0x20a: {  	vm4 =	vge.s32 v4, v0;
	vm5 =	vge.s32 v5, v2;
	v19 =	vsub.s32 v4, v0  }
0x20b: {  	v20 =	vsub.s32 v5, v2;
	vm6 =	vlt.s32 v4, v1;
	v6 =	vshrl.u32 v19, $0x3  }
0x20c: {  	v4 =	vshll.u32 v4, $0x7;
	v7 =	vshll.u32 v20, $0x3;
	v6 =	vmul.u32 $0x7800, v6  }
0x20d: {  	vm7 =	vlt.s32 v5, v3;
	vm0 =	vmand vm4, vm5;
	v7 =	vand.u32 $0xFFFFFC00, v7  }
0x20e: {  	v4 =	vand.u32 $0x380, v4;
	vm0 =	vmand vm0, vm6;
	v6 =	vadd.s32 v6, v7  }
0x20f: {  	v5 =	vand.u32 $0x7F, v5;
	vm0 =	vmand vm7, vm0;
	v4 =	vor.u32 v4, v6  }
0x210: {  	v21 =	vld [tilespmem:$0x8310];
	v4 =	vor.u32 v5, v4;
	_ =	sdelay $0x4  }
0x211: {  	[tilespmem:v4+s3+$0x0] =	vst.idx.msk vm0, v21  }
0x212: {  	v4 =	vld [tilespmem:$0x7B20]  }
0x213: {  	v5 =	vld [tilespmem:$0x7F20];
	_ =	sdelay $0x4  }
0x214: {  	vm8 =	vge.s32 v4, v0;
	vm9 =	vge.s32 v5, v2;
	v22 =	vsub.s32 v4, v0  }
0x215: {  	v23 =	vsub.s32 v5, v2;
	vm10 =	vlt.s32 v4, v1;
	v6 =	vshrl.u32 v22, $0x3  }
0x216: {  	v4 =	vshll.u32 v4, $0x7;
	v7 =	vshll.u32 v23, $0x3;
	v6 =	vmul.u32 $0x7800, v6  }
0x217: {  	vm11 =	vlt.s32 v5, v3;
	vm0 =	vmand vm8, vm9;
	v7 =	vand.u32 $0xFFFFFC00, v7  }
0x218: {  	v4 =	vand.u32 $0x380, v4;
	vm0 =	vmand vm0, vm10;
	v6 =	vadd.s32 v6, v7  }
0x219: {  	v5 =	vand.u32 $0x7F, v5;
	vm0 =	vmand vm11, vm0;
	v4 =	vor.u32 v4, v6  }
0x21a: {  	v24 =	vld [tilespmem:$0x8320];
	v4 =	vor.u32 v5, v4;
	_ =	sdelay $0x4  }
0x21b: {  	[tilespmem:v4+s3+$0x0] =	vst.idx.msk vm0, v24  }
0x21c: {  	v4 =	vld [tilespmem:$0x7B30]  }
0x21d: {  	v5 =	vld [tilespmem:$0x7F30];
	_ =	sdelay $0x4  }
0x21e: {  	vm12 =	vge.s32 v4, v0;
	vm13 =	vge.s32 v5, v2;
	v25 =	vsub.s32 v4, v0  }
0x21f: {  	v26 =	vsub.s32 v5, v2;
	vm14 =	vlt.s32 v4, v1;
	v6 =	vshrl.u32 v25, $0x3  }
0x220: {  	v4 =	vshll.u32 v4, $0x7;
	v7 =	vshll.u32 v26, $0x3;
	v6 =	vmul.u32 $0x7800, v6  }
0x221: {  	vm15 =	vlt.s32 v5, v3;
	vm0 =	vmand vm12, vm13;
	v7 =	vand.u32 $0xFFFFFC00, v7  }
0x222: {  	v4 =	vand.u32 $0x380, v4;
	vm0 =	vmand vm0, vm14;
	v6 =	vadd.s32 v6, v7  }
0x223: {  	v5 =	vand.u32 $0x7F, v5;
	vm0 =	vmand vm15, vm0;
	v4 =	vor.u32 v4, v6  }
0x224: {  	v27 =	vld [tilespmem:$0x8330];
	v4 =	vor.u32 v5, v4;
	_ =	sdelay $0x4  }
0x225: {  	[tilespmem:v4+s3+$0x0] =	vst.idx.msk vm0, v27  }
0x226: {  	v4 =	vld [tilespmem:$0x7B40]  }
0x227: {  	v5 =	vld [tilespmem:$0x7F40];
	_ =	sdelay $0x4  }
0x228: {  	vm4 =	vge.s32 v4, v0;
	vm5 =	vge.s32 v5, v2;
	v28 =	vsub.s32 v4, v0  }
0x229: {  	v29 =	vsub.s32 v5, v2;
	vm6 =	vlt.s32 v4, v1;
	v6 =	vshrl.u32 v28, $0x3  }
0x22a: {  	v4 =	vshll.u32 v4, $0x7;
	v7 =	vshll.u32 v29, $0x3;
	v6 =	vmul.u32 $0x7800, v6  }
0x22b: {  	vm7 =	vlt.s32 v5, v3;
	vm0 =	vmand vm4, vm5;
	v7 =	vand.u32 $0xFFFFFC00, v7  }
0x22c: {  	v4 =	vand.u32 $0x380, v4;
	vm0 =	vmand vm0, vm6;
	v6 =	vadd.s32 v6, v7  }
0x22d: {  	v5 =	vand.u32 $0x7F, v5;
	vm0 =	vmand vm7, vm0;
	v4 =	vor.u32 v4, v6  }
0x22e: {  	v30 =	vld [tilespmem:$0x8340];
	v4 =	vor.u32 v5, v4;
	_ =	sdelay $0x4  }
0x22f: {  	[tilespmem:v4+s3+$0x0] =	vst.idx.msk vm0, v30  }
0x230: {  	v4 =	vld [tilespmem:$0x7B50]  }
0x231: {  	v5 =	vld [tilespmem:$0x7F50];
	_ =	sdelay $0x4  }
0x232: {  	vm8 =	vge.s32 v4, v0;
	vm9 =	vge.s32 v5, v2;
	v31 =	vsub.s32 v4, v0  }
0x233: {  	v32 =	vsub.s32 v5, v2;
	vm10 =	vlt.s32 v4, v1;
	v6 =	vshrl.u32 v31, $0x3  }
0x234: {  	v4 =	vshll.u32 v4, $0x7;
	v7 =	vshll.u32 v32, $0x3;
	v6 =	vmul.u32 $0x7800, v6  }
0x235: {  	vm11 =	vlt.s32 v5, v3;
	vm0 =	vmand vm8, vm9;
	v7 =	vand.u32 $0xFFFFFC00, v7  }
0x236: {  	v4 =	vand.u32 $0x380, v4;
	vm0 =	vmand vm0, vm10;
	v6 =	vadd.s32 v6, v7  }
0x237: {  	v5 =	vand.u32 $0x7F, v5;
	vm0 =	vmand vm11, vm0;
	v4 =	vor.u32 v4, v6  }
0x238: {  	v33 =	vld [tilespmem:$0x8350];
	v4 =	vor.u32 v5, v4;
	_ =	sdelay $0x4  }
0x239: {  	[tilespmem:v4+s3+$0x0] =	vst.idx.msk vm0, v33  }
0x23a: {  	v4 =	vld [tilespmem:$0x7B60]  }
0x23b: {  	v5 =	vld [tilespmem:$0x7F60];
	_ =	sdelay $0x4  }
0x23c: {  	vm12 =	vge.s32 v4, v0;
	vm13 =	vge.s32 v5, v2;
	v34 =	vsub.s32 v4, v0  }
0x23d: {  	v35 =	vsub.s32 v5, v2;
	vm14 =	vlt.s32 v4, v1;
	v6 =	vshrl.u32 v34, $0x3  }
0x23e: {  	v4 =	vshll.u32 v4, $0x7;
	v7 =	vshll.u32 v35, $0x3;
	v6 =	vmul.u32 $0x7800, v6  }
0x23f: {  	vm15 =	vlt.s32 v5, v3;
	vm0 =	vmand vm12, vm13;
	v7 =	vand.u32 $0xFFFFFC00, v7  }
0x240: {  	v4 =	vand.u32 $0x380, v4;
	vm0 =	vmand vm0, vm14;
	v6 =	vadd.s32 v6, v7  }
0x241: {  	v5 =	vand.u32 $0x7F, v5;
	vm0 =	vmand vm15, vm0;
	v4 =	vor.u32 v4, v6  }
0x242: {  	v36 =	vld [tilespmem:$0x8360];
	v4 =	vor.u32 v5, v4;
	_ =	sdelay $0x4  }
0x243: {  	[tilespmem:v4+s3+$0x0] =	vst.idx.msk vm0, v36  }
0x244: {  	v4 =	vld [tilespmem:$0x7B70]  }
0x245: {  	v5 =	vld [tilespmem:$0x7F70];
	_ =	sdelay $0x4  }
0x246: {  	vm4 =	vge.s32 v4, v0;
	vm5 =	vge.s32 v5, v2;
	v37 =	vsub.s32 v4, v0  }
0x247: {  	v38 =	vsub.s32 v5, v2;
	vm6 =	vlt.s32 v4, v1;
	v6 =	vshrl.u32 v37, $0x3  }
0x248: {  	v4 =	vshll.u32 v4, $0x7;
	v7 =	vshll.u32 v38, $0x3;
	v6 =	vmul.u32 $0x7800, v6  }
0x249: {  	vm7 =	vlt.s32 v5, v3;
	vm0 =	vmand vm4, vm5;
	v7 =	vand.u32 $0xFFFFFC00, v7  }
0x24a: {  	v4 =	vand.u32 $0x380, v4;
	vm0 =	vmand vm0, vm6;
	v6 =	vadd.s32 v6, v7  }
0x24b: {  	v5 =	vand.u32 $0x7F, v5;
	vm0 =	vmand vm7, vm0;
	v4 =	vor.u32 v4, v6  }
0x24c: {  	v39 =	vld [tilespmem:$0x8370];
	v4 =	vor.u32 v5, v4;
	_ =	sdelay $0x4  }
0x24d: {  	[tilespmem:v4+s3+$0x0] =	vst.idx.msk vm0, v39  }
0x24e: {  	v4 =	vld [tilespmem:$0x7B80]  }
0x24f: {  	v5 =	vld [tilespmem:$0x7F80];
	_ =	sdelay $0x4  }
0x250: {  	vm8 =	vge.s32 v4, v0;
	vm9 =	vge.s32 v5, v2;
	v40 =	vsub.s32 v4, v0  }
0x251: {  	v41 =	vsub.s32 v5, v2;
	vm10 =	vlt.s32 v4, v1;
	v6 =	vshrl.u32 v40, $0x3  }
0x252: {  	v4 =	vshll.u32 v4, $0x7;
	v7 =	vshll.u32 v41, $0x3;
	v6 =	vmul.u32 $0x7800, v6  }
0x253: {  	vm11 =	vlt.s32 v5, v3;
	vm0 =	vmand vm8, vm9;
	v7 =	vand.u32 $0xFFFFFC00, v7  }
0x254: {  	v4 =	vand.u32 $0x380, v4;
	vm0 =	vmand vm0, vm10;
	v6 =	vadd.s32 v6, v7  }
0x255: {  	v5 =	vand.u32 $0x7F, v5;
	vm0 =	vmand vm11, vm0;
	v4 =	vor.u32 v4, v6  }
0x256: {  	v42 =	vld [tilespmem:$0x8380];
	v4 =	vor.u32 v5, v4;
	_ =	sdelay $0x4  }
0x257: {  	[tilespmem:v4+s3+$0x0] =	vst.idx.msk vm0, v42  }
0x258: {  	v4 =	vld [tilespmem:$0x7B90]  }
0x259: {  	v5 =	vld [tilespmem:$0x7F90];
	_ =	sdelay $0x4  }
0x25a: {  	vm12 =	vge.s32 v4, v0;
	vm13 =	vge.s32 v5, v2;
	v43 =	vsub.s32 v4, v0  }
0x25b: {  	v44 =	vsub.s32 v5, v2;
	vm14 =	vlt.s32 v4, v1;
	v6 =	vshrl.u32 v43, $0x3  }
0x25c: {  	v4 =	vshll.u32 v4, $0x7;
	v7 =	vshll.u32 v44, $0x3;
	v6 =	vmul.u32 $0x7800, v6  }
0x25d: {  	vm15 =	vlt.s32 v5, v3;
	vm0 =	vmand vm12, vm13;
	v7 =	vand.u32 $0xFFFFFC00, v7  }
0x25e: {  	v4 =	vand.u32 $0x380, v4;
	vm0 =	vmand vm0, vm14;
	v6 =	vadd.s32 v6, v7  }
0x25f: {  	v5 =	vand.u32 $0x7F, v5;
	vm0 =	vmand vm15, vm0;
	v4 =	vor.u32 v4, v6  }
0x260: {  	v45 =	vld [tilespmem:$0x8390];
	v4 =	vor.u32 v5, v4;
	_ =	sdelay $0x4  }
0x261: {  	[tilespmem:v4+s3+$0x0] =	vst.idx.msk vm0, v45  }
0x262: {  	v4 =	vld [tilespmem:$0x7BA0]  }
0x263: {  	v5 =	vld [tilespmem:$0x7FA0];
	_ =	sdelay $0x4  }
0x264: {  	vm4 =	vge.s32 v4, v0;
	vm5 =	vge.s32 v5, v2;
	v46 =	vsub.s32 v4, v0  }
0x265: {  	v47 =	vsub.s32 v5, v2;
	vm6 =	vlt.s32 v4, v1;
	v6 =	vshrl.u32 v46, $0x3  }
0x266: {  	v4 =	vshll.u32 v4, $0x7;
	v7 =	vshll.u32 v47, $0x3;
	v6 =	vmul.u32 $0x7800, v6  }
0x267: {  	vm7 =	vlt.s32 v5, v3;
	vm0 =	vmand vm4, vm5;
	v7 =	vand.u32 $0xFFFFFC00, v7  }
0x268: {  	v4 =	vand.u32 $0x380, v4;
	vm0 =	vmand vm0, vm6;
	v6 =	vadd.s32 v6, v7  }
0x269: {  	v5 =	vand.u32 $0x7F, v5;
	vm0 =	vmand vm7, vm0;
	v4 =	vor.u32 v4, v6  }
0x26a: {  	v48 =	vld [tilespmem:$0x83A0];
	v4 =	vor.u32 v5, v4;
	_ =	sdelay $0x4  }
0x26b: {  	[tilespmem:v4+s3+$0x0] =	vst.idx.msk vm0, v48  }
0x26c: {  	v4 =	vld [tilespmem:$0x7BB0]  }
0x26d: {  	v5 =	vld [tilespmem:$0x7FB0];
	_ =	sdelay $0x4  }
0x26e: {  	vm8 =	vge.s32 v4, v0;
	vm9 =	vge.s32 v5, v2;
	v49 =	vsub.s32 v4, v0  }
0x26f: {  	v50 =	vsub.s32 v5, v2;
	vm10 =	vlt.s32 v4, v1;
	v6 =	vshrl.u32 v49, $0x3  }
0x270: {  	v4 =	vshll.u32 v4, $0x7;
	v7 =	vshll.u32 v50, $0x3;
	v6 =	vmul.u32 $0x7800, v6  }
0x271: {  	vm11 =	vlt.s32 v5, v3;
	vm0 =	vmand vm8, vm9;
	v7 =	vand.u32 $0xFFFFFC00, v7  }
0x272: {  	v4 =	vand.u32 $0x380, v4;
	vm0 =	vmand vm0, vm10;
	v6 =	vadd.s32 v6, v7  }
0x273: {  	v5 =	vand.u32 $0x7F, v5;
	vm0 =	vmand vm11, vm0;
	v4 =	vor.u32 v4, v6  }
0x274: {  	v51 =	vld [tilespmem:$0x83B0];
	v4 =	vor.u32 v5, v4;
	_ =	sdelay $0x4  }
0x275: {  	[tilespmem:v4+s3+$0x0] =	vst.idx.msk vm0, v51  }
0x276: {  	v4 =	vld [tilespmem:$0x7BC0]  }
0x277: {  	v5 =	vld [tilespmem:$0x7FC0];
	_ =	sdelay $0x4  }
0x278: {  	vm12 =	vge.s32 v4, v0;
	vm13 =	vge.s32 v5, v2;
	v52 =	vsub.s32 v4, v0  }
0x279: {  	v53 =	vsub.s32 v5, v2;
	vm14 =	vlt.s32 v4, v1;
	v6 =	vshrl.u32 v52, $0x3  }
0x27a: {  	v4 =	vshll.u32 v4, $0x7;
	v7 =	vshll.u32 v53, $0x3;
	v6 =	vmul.u32 $0x7800, v6  }
0x27b: {  	vm15 =	vlt.s32 v5, v3;
	vm0 =	vmand vm12, vm13;
	v7 =	vand.u32 $0xFFFFFC00, v7  }
0x27c: {  	v4 =	vand.u32 $0x380, v4;
	vm0 =	vmand vm0, vm14;
	v6 =	vadd.s32 v6, v7  }
0x27d: {  	v5 =	vand.u32 $0x7F, v5;
	vm0 =	vmand vm15, vm0;
	v4 =	vor.u32 v4, v6  }
0x27e: {  	v54 =	vld [tilespmem:$0x83C0];
	v4 =	vor.u32 v5, v4;
	_ =	sdelay $0x4  }
0x27f: {  	[tilespmem:v4+s3+$0x0] =	vst.idx.msk vm0, v54  }
0x280: {  	v4 =	vld [tilespmem:$0x7BD0]  }
0x281: {  	v5 =	vld [tilespmem:$0x7FD0];
	_ =	sdelay $0x4  }
0x282: {  	vm4 =	vge.s32 v4, v0;
	vm5 =	vge.s32 v5, v2;
	v55 =	vsub.s32 v4, v0  }
0x283: {  	v56 =	vsub.s32 v5, v2;
	vm6 =	vlt.s32 v4, v1;
	v6 =	vshrl.u32 v55, $0x3  }
0x284: {  	v4 =	vshll.u32 v4, $0x7;
	v7 =	vshll.u32 v56, $0x3;
	v6 =	vmul.u32 $0x7800, v6  }
0x285: {  	vm7 =	vlt.s32 v5, v3;
	vm0 =	vmand vm4, vm5;
	v7 =	vand.u32 $0xFFFFFC00, v7  }
0x286: {  	v4 =	vand.u32 $0x380, v4;
	vm0 =	vmand vm0, vm6;
	v6 =	vadd.s32 v6, v7  }
0x287: {  	v5 =	vand.u32 $0x7F, v5;
	vm0 =	vmand vm7, vm0;
	v4 =	vor.u32 v4, v6  }
0x288: {  	v57 =	vld [tilespmem:$0x83D0];
	v4 =	vor.u32 v5, v4;
	_ =	sdelay $0x4  }
0x289: {  	[tilespmem:v4+s3+$0x0] =	vst.idx.msk vm0, v57  }
0x28a: {  	v4 =	vld [tilespmem:$0x7BE0]  }
0x28b: {  	v5 =	vld [tilespmem:$0x7FE0];
	_ =	sdelay $0x4  }
0x28c: {  	vm8 =	vge.s32 v4, v0;
	vm9 =	vge.s32 v5, v2;
	v58 =	vsub.s32 v4, v0  }
0x28d: {  	v59 =	vsub.s32 v5, v2;
	vm10 =	vlt.s32 v4, v1;
	v6 =	vshrl.u32 v58, $0x3  }
0x28e: {  	v4 =	vshll.u32 v4, $0x7;
	v7 =	vshll.u32 v59, $0x3;
	v6 =	vmul.u32 $0x7800, v6  }
0x28f: {  	vm11 =	vlt.s32 v5, v3;
	vm0 =	vmand vm8, vm9;
	v7 =	vand.u32 $0xFFFFFC00, v7  }
0x290: {  	v4 =	vand.u32 $0x380, v4;
	vm0 =	vmand vm0, vm10;
	v6 =	vadd.s32 v6, v7  }
0x291: {  	v5 =	vand.u32 $0x7F, v5;
	vm0 =	vmand vm11, vm0;
	v4 =	vor.u32 v4, v6  }
0x292: {  	v60 =	vld [tilespmem:$0x83E0];
	v4 =	vor.u32 v5, v4;
	_ =	sdelay $0x4  }
0x293: {  	[tilespmem:v4+s3+$0x0] =	vst.idx.msk vm0, v60  }
0x294: {  	v4 =	vld [tilespmem:$0x7BF0]  }
0x295: {  	v5 =	vld [tilespmem:$0x7FF0];
	_ =	sdelay $0x4  }
0x296: {  	vm12 =	vge.s32 v4, v0;
	vm13 =	vge.s32 v5, v2;
	v61 =	vsub.s32 v4, v0  }
0x297: {  	v62 =	vsub.s32 v5, v2;
	vm14 =	vlt.s32 v4, v1;
	v6 =	vshrl.u32 v61, $0x3  }
0x298: {  	v4 =	vshll.u32 v4, $0x7;
	v7 =	vshll.u32 v62, $0x3;
	v6 =	vmul.u32 $0x7800, v6  }
0x299: {  	vm15 =	vlt.s32 v5, v3;
	vm0 =	vmand vm12, vm13;
	v7 =	vand.u32 $0xFFFFFC00, v7  }
0x29a: {  	v4 =	vand.u32 $0x380, v4;
	vm0 =	vmand vm0, vm14;
	v6 =	vadd.s32 v6, v7  }
0x29b: {  	v5 =	vand.u32 $0x7F, v5;
	vm0 =	vmand vm15, vm0;
	v4 =	vor.u32 v4, v6  }
0x29c: {  	v63 =	vld [tilespmem:$0x83F0];
	v4 =	vor.u32 v5, v4;
	_ =	sdelay $0x3  }
0x29d: {  	p0 =	sne.s32 s8, $0x1  }
.Ltmp0:
0x29e: {  	[tilespmem:v4+s3+$0x0] =	vst.idx.msk vm0, v63;
	(pc) =	sbr.rel @p0 .LBB2_1-.Ltmp0, $4  }
0x29f: {  	[hbm4b:s7+s3] =	stream.linear.scatter [tilespmem:s3], [sflag:$0x1], $0x7800, $0x38;
	[tilespmem:$0x8400] =	vst v63  }
0x2a0: {  	_ =	swait.ge [sflag:s9], $0x7800  }
0x2a1: {  	[sflag:s9] =	ssyncset.done $0x0  }
0x2a2: {  	s8 =	sadd.s32 $0xFFFFFFFF, s8;
	[sflag:s9] =	ssyncadd.s32 $0xFFFF8800  }
0x2a3: {  	_ =	sfence.sel $0x180000  }
0x2a4: {  	[bflag:$0x0] =	sbarrier.arrive $0xFFFF  }
0x2a5: {  	p0 =	sne.s32 s1, $0x0;
	_ =	strace $0x90000047  }
0x2a6: {  	s0 =	sadd.s32 @!p0 $0x100000, s0;
	[bflag:$0x2] =	sbarrier.arrive $0xFFFF  }
0x2a7: {  	[sflag:s0] =	ssyncadd.tile.s32 @!p0 $0x1;
	_ =	shalt  }
.Lfunc_end2:
_tile_overlayer_lowered:
.L_overlay_start_2:
0x2a8: {  	(tag) =	ssettag $0x2  }
0x2a9: {  	s0 =	rddreg [dreg:$0x0];
	s2 =	stileid.u32  }
0x2aa: {  	s1 =	rddreg [dreg:$0x1];
	p0 =	sne.s32 s2, $0x0  }
0x2ab: {  	s3 =	rddreg [dreg:$0x2];
	[bflag:$0x3] =	sbarrier.arrive $0xFFFF;
	s2 =	simm.s32 @!p0 $0x1C01  }
0x2ac: {  	[timem:s3], [sflag:s2] =	dma.local @!p0 [hbm:s0], s1  }
0x2ad: {  	s0 =	simm.s32 @!p0 $0x1  }
0x2ae: {  	_ =	swait.ge @!p0 [sflag:s0], s1  }
0x2af: {  	s1 =	ssub.s32 @!p0 $0x0, s1;
	[sflag:s0] =	ssyncset.done @!p0 $0x0  }
0x2b0: {  	[sflag:s0] =	ssyncadd.s32 @!p0 s1  }
0x2b1: {  	[bflag:$0x3] =	sbarrier.arrive $0xFFFF  }
0x2b2: {  	_ =	shalt  }

</sc_bundles>
